<compile_context>
chip_gen: v7x
topology: tpu7x:2x2x1
jax: 0.10.2.dev20260603
libtpu: 0.0.44.dev20260713+nightly
codegen_flags: <defaults>
</compile_context>

<pallas_src>
import functools

import jax
import jax.numpy as jnp
from jax import lax
from jax.experimental import pallas as pl
from jax.experimental.pallas import tpu as pltpu
from jax.experimental.pallas import tpu_sc as plsc

HEADS = 4
RR = 8
TOP_K_FRAC = 0.25


def _bdot(a, b, dims):
    return lax.dot_general(a.astype(jnp.bfloat16), b.astype(jnp.bfloat16),
                           dims, preferred_element_type=jnp.float32)



def _qkv_pool_body(x_ref, wq_ref, wk_ref, wv_ref, wck_ref, wcv_ref,
                   q_ref, ks_ref, vs_ref, ka_ref, va_ref):
    qq = pl.program_id(0)
    pp = pl.program_id(1)
    C = x_ref.shape[1]
    xb = x_ref[0]
    q_ref[0] = _bdot(wq_ref[...], xb, (((1,), (0,)), ((), ())))
    k = _bdot(wk_ref[...], xb, (((1,), (0,)), ((), ())))
    v = _bdot(wv_ref[...], xb, (((1,), (0,)), ((), ())))
    kc = wck_ref[0] * k
    vc = wcv_ref[0] * v

    @pl.when(pp == 0)
    def _():
        ka_ref[pl.ds(qq * C, C), :] = kc
        va_ref[pl.ds(qq * C, C), :] = vc

    @pl.when(pp > 0)
    def _():
        ka_ref[pl.ds(qq * C, C), :] += kc
        va_ref[pl.ds(qq * C, C), :] += vc

    @pl.when((qq == pl.num_programs(0) - 1) & (pp == pl.num_programs(1) - 1))
    def _():
        for ref, acc in ((ks_ref, ka_ref), (vs_ref, va_ref)):
            a = [acc[j * C:(j + 1) * C, :] for j in range(8)]
            while len(a) > 1:
                half = len(a) // 2
                a = [a[j] + a[j + half] for j in range(half)]
            ref[...] = a[0]


def _score_body(q_ref, ks_ref, ts_ref, acc_ref, *, heads, dim, scale):
    i = pl.program_id(0)
    nq = q_ref.shape[1]
    ngrp = nq // 128

    @pl.when(i == 0)
    def _():
        acc_ref[...] = jnp.zeros_like(acc_ref)

    qb = q_ref[...].astype(jnp.bfloat16)
    for h in range(heads):
        qh = qb[h * dim:(h + 1) * dim, :]
        kh = ks_ref[h * dim:(h + 1) * dim, :]
        sT = lax.dot_general(kh, qh, (((0,), (0,)), ((), ())),
                             preferred_element_type=jnp.float32) * scale
        m = jnp.max(sT, axis=0, keepdims=True)
        e = jnp.exp(sT - m)
        den = jnp.sum(e, axis=0, keepdims=True)
        p = e / den
        for g in range(ngrp):
            acc_ref[h] += p[:, g * 128:(g + 1) * 128]

    @pl.when(i == pl.num_programs(0) - 1)
    def _():
        for h in range(heads):
            ts_ref[h] = jnp.sum(acc_ref[h], axis=1, keepdims=True)


def _attn2_body(q_ref, kt_ref, vt_ref, wout_ref, bout_ref, out_ref,
                *, heads, dim, scale):
    qb = q_ref[...]
    acc = None
    for h in range(heads):
        qh = qb[h * dim:(h + 1) * dim, :]
        kt = kt_ref[h]
        vt = vt_ref[h]
        s = _bdot(qh, kt, (((0,), (1,)), ((), ()))) * scale
        m = jnp.max(s, axis=1, keepdims=True)
        p = jnp.exp(s - m)
        p = p / jnp.sum(p, axis=1, keepdims=True)
        oh = _bdot(p, vt, (((1,), (0,)), ((), ())))
        wo_h = wout_ref[:, h * dim:(h + 1) * dim]
        c = _bdot(wo_h, oh, (((1,), (1,)), ((), ())))
        acc = c if acc is None else acc + c
    out_ref[...] = acc + bout_ref[...]


def _make_select_gather(heads, ntok, topk, gdim):
    nchunk = ntok // 16
    p0 = 104
    p1 = topk - p0
    pad = 112
    mesh = plsc.VectorSubcoreMesh(core_axis_name="c", subcore_axis_name="s")

    @functools.partial(
        pl.kernel, mesh=mesh,
        compiler_params=pltpu.CompilerParams(needs_layout_passes=False),
        out_type=[jax.ShapeDtypeStruct((heads, topk, gdim), jnp.float32),
                  jax.ShapeDtypeStruct((heads, topk, gdim), jnp.float32)],
        scratch_types=[pltpu.VMEM((ntok,), jnp.int32),
                       pltpu.VMEM((pad,), jnp.int32),
                       pltpu.VMEM((pad,), jnp.int32),
                       pltpu.VMEM((pad, gdim), jnp.float32),
                       pltpu.VMEM((pad, gdim), jnp.float32),
                       pltpu.SemaphoreType.DMA],
    )
    def sel_kernel(ts_hbm, k_hbm, v_hbm, kt_hbm, vt_hbm,
                   sc_v, idx0_v, idx1_v, rows0_v, rows1_v, sem):
        wid = lax.axis_index("s") * 2 + lax.axis_index("c")

        @pl.when(wid < heads)
        def _():
            head = wid
            pltpu.sync_copy(ts_hbm.at[head], sc_v)

            zi = jnp.zeros((16,), jnp.int32)

            def cnt_ge(mid):
                def body(j, acc):
                    sv = sc_v[pl.ds(j * 16, 16)]
                    return acc + plsc.all_reduce_population_count(sv >= mid)
                return lax.fori_loop(0, nchunk, body, zi)

            def sbody(_, carry):
                lo, hi = carry
                mid = lo + ((hi - lo) >> 1)
                ge = cnt_ge(mid) >= topk
                return jnp.where(ge, mid, lo), jnp.where(ge, hi, mid)

            lo0 = jnp.zeros((16,), jnp.int32)
            hi0 = jnp.full((16,), 0x7F800000, jnp.int32)
            tau, _ = lax.fori_loop(0, 32, sbody, (lo0, hi0))
            need_eq = jnp.full((16,), topk, jnp.int32) - cnt_ge(tau + 1)

            for t in range(pad // 16):
                idx0_v[pl.ds(t * 16, 16)] = zi
                idx1_v[pl.ds(t * 16, 16)] = zi

            def ibody(j, carry):
                sel_cnt, eq_cnt = carry
                base = j * 16
                sv = sc_v[pl.ds(base, 16)]
                idxs = lax.iota(jnp.int32, 16) + base + head * ntok
                gt = sv > tau
                eq = sv == tau
                eq_i = jnp.where(eq, 1, 0)
                eq_pref = plsc.cumsum(eq_i) - eq_i + eq_cnt
                sel = gt | (eq & (eq_pref < need_eq))
                sel_i = jnp.where(sel, 1, 0)
                pos = plsc.cumsum(sel_i) - sel_i + sel_cnt
                in0 = sel & (pos < p0)
                in1 = sel & (pos >= p0)
                plsc.store_scatter(idx0_v, [jnp.where(in0, pos, 0)], idxs,
                                   mask=in0)
                plsc.store_scatter(idx1_v, [jnp.where(in1, pos - p0, 0)],
                                   idxs, mask=in1)
                sel_cnt = sel_cnt + plsc.all_reduce_population_count(sel)
                eq_cnt = eq_cnt + plsc.all_reduce_population_count(eq)
                return sel_cnt, eq_cnt

            lax.fori_loop(0, nchunk, ibody, (zi, zi))

            pltpu.async_copy(k_hbm.at[idx0_v], rows0_v, sem).wait()
            pltpu.sync_copy(rows0_v.at[pl.ds(0, p0)],
                            kt_hbm.at[head].at[pl.ds(0, p0)])
            pltpu.async_copy(k_hbm.at[idx1_v], rows0_v, sem).wait()
            pltpu.sync_copy(rows0_v.at[pl.ds(0, p1)],
                            kt_hbm.at[head].at[pl.ds(p0, p1)])
            pltpu.async_copy(v_hbm.at[idx0_v], rows1_v, sem).wait()
            pltpu.sync_copy(rows1_v.at[pl.ds(0, p0)],
                            vt_hbm.at[head].at[pl.ds(0, p0)])
            pltpu.async_copy(v_hbm.at[idx1_v], rows1_v, sem).wait()
            pltpu.sync_copy(rows1_v.at[pl.ds(0, p1)],
                            vt_hbm.at[head].at[pl.ds(p0, p1)])

    return sel_kernel


def kernel(x, Wq, Wk, Wv, Wck, Wcv, Wout, b_out):
    B, C, H, W = x.shape
    heads = HEADS
    dim = C // heads
    scale = dim ** (-0.5)
    r = RR
    Hs, Ws = H // r, W // r
    n = Hs * Ws
    rr = r * r
    N = H * W
    topk = max(1, int(n * TOP_K_FRAC))

    f32 = jnp.float32
    x = x.astype(f32)

    xr = x.reshape(C, Hs, r, Ws, r).transpose(2, 4, 0, 1, 3).reshape(rr, C, n)
    wck_r = Wck.reshape(C, rr).T.reshape(rr, C, 1)
    wcv_r = Wcv.reshape(C, rr).T.reshape(rr, C, 1)

    q, ks, vs = pl.pallas_call(
        _qkv_pool_body,
        grid=(r, r),
        in_specs=[
            pl.BlockSpec((1, C, n), lambda qq, pp: (pp * 8 + qq, 0, 0)),
            pl.BlockSpec((C, C), lambda qq, pp: (0, 0)),
            pl.BlockSpec((C, C), lambda qq, pp: (0, 0)),
            pl.BlockSpec((C, C), lambda qq, pp: (0, 0)),
            pl.BlockSpec((1, C, 1), lambda qq, pp: (pp * 8 + qq, 0, 0)),
            pl.BlockSpec((1, C, 1), lambda qq, pp: (pp * 8 + qq, 0, 0)),
        ],
        out_specs=[
            pl.BlockSpec((1, C, n), lambda qq, pp: (pp * 8 + qq, 0, 0)),
            pl.BlockSpec((C, n), lambda qq, pp: (0, 0)),
            pl.BlockSpec((C, n), lambda qq, pp: (0, 0)),
        ],
        out_shape=[
            jax.ShapeDtypeStruct((rr, C, n), f32),
            jax.ShapeDtypeStruct((C, n), f32),
            jax.ShapeDtypeStruct((C, n), f32),
        ],
        scratch_shapes=[pltpu.VMEM((8 * C, n), f32),
                        pltpu.VMEM((8 * C, n), f32)],
        compiler_params=pltpu.CompilerParams(
            dimension_semantics=("arbitrary", "arbitrary")),
    )(xr, Wq, Wk, Wv, wck_r, wcv_r)

    qn = q.reshape(r, r, C, Hs, Ws).transpose(2, 3, 0, 4, 1).reshape(C, N)
    ksb = ks.astype(jnp.bfloat16)
    vsb = vs.astype(jnp.bfloat16)

    nq = 1792
    nblk = N // nq
    ts3 = pl.pallas_call(
        functools.partial(_score_body, heads=heads, dim=dim, scale=scale),
        grid=(nblk,),
        in_specs=[
            pl.BlockSpec((C, nq), lambda i: (0, i)),
            pl.BlockSpec((C, n), lambda i: (0, 0)),
        ],
        out_specs=pl.BlockSpec((heads, n, 1), lambda i: (0, 0, 0)),
        out_shape=jax.ShapeDtypeStruct((heads, n, 1), f32),
        scratch_shapes=[pltpu.VMEM((heads, n, 128), f32)],
        compiler_params=pltpu.CompilerParams(
            dimension_semantics=("arbitrary",)),
    )(qn, ksb)
    ts = ts3[:, :, 0]

    gdim = 128
    k2t = (ksb.astype(f32).reshape(heads, dim, n)
           .transpose(0, 2, 1).reshape(heads * n, dim))
    v2t = (vsb.astype(f32).reshape(heads, dim, n)
           .transpose(0, 2, 1).reshape(heads * n, dim))
    k2t = jnp.pad(k2t, ((0, 0), (0, gdim - dim)))
    v2t = jnp.pad(v2t, ((0, 0), (0, gdim - dim)))

    ts_bits = lax.bitcast_convert_type(ts, jnp.int32)
    sel = _make_select_gather(heads, n, topk, gdim)
    kt, vt = sel(ts_bits, k2t, v2t)
    kt = kt[:, :, :dim]
    vt = vt[:, :, :dim]

    out = pl.pallas_call(
        functools.partial(_attn2_body, heads=heads, dim=dim, scale=scale),
        grid=(nblk,),
        in_specs=[
            pl.BlockSpec((C, nq), lambda i: (0, i)),
            pl.BlockSpec((heads, topk, dim), lambda i: (0, 0, 0)),
            pl.BlockSpec((heads, topk, dim), lambda i: (0, 0, 0)),
            pl.BlockSpec((C, C), lambda i: (0, 0)),
            pl.BlockSpec((C, 1), lambda i: (0, 0)),
        ],
        out_specs=pl.BlockSpec((C, nq), lambda i: (0, i)),
        out_shape=jax.ShapeDtypeStruct((C, N), f32),
        compiler_params=pltpu.CompilerParams(
            dimension_semantics=("arbitrary",)),
    )(qn, kt, vt, Wout, b_out.reshape(C, 1))

    return out.reshape(B, C, H, W)

# --- scband reference (transcript-rebuilt; emitter-appended) ---
"""Pipeline reference for scband-adaptive-compressed-attention-45457933861480 (READ-ONLY COPY).

The authoritative reference and input builder live on the scoring server;
editing this copy changes nothing except your own understanding.
"""

import jax, jax.numpy as jnp
import numpy as np

HEADS = 4
R = 8
TOP_K_FRAC = 0.25


def setup_inputs(seed: int = 0) -> dict:
    key = jax.random.key(seed)
    ks = jax.random.split(key, 9)
    B, C, H, W = 1, 384, 224, 224
    x = jax.random.normal(ks[0], (B, C, H, W), dtype=jnp.float32)
    Wq = jax.random.normal(ks[1], (C, C), dtype=jnp.float32) * 0.02
    Wk = jax.random.normal(ks[2], (C, C), dtype=jnp.float32) * 0.02
    Wv = jax.random.normal(ks[3], (C, C), dtype=jnp.float32) * 0.02
    Wck = jax.random.normal(ks[4], (C, R, R), dtype=jnp.float32) * 0.02  # depthwise r x r stride r
    Wcv = jax.random.normal(ks[5], (C, R, R), dtype=jnp.float32) * 0.02
    Wout = jax.random.normal(ks[6], (C, C), dtype=jnp.float32) * 0.02
    b_out = jnp.zeros((C,), dtype=jnp.float32)
    return {"x": x, "Wq": Wq, "Wk": Wk, "Wv": Wv, "Wck": Wck, "Wcv": Wcv, "Wout": Wout, "b_out": b_out}


def reference(x, Wq, Wk, Wv, Wck, Wcv, Wout, b_out):
    B, C, H, W = x.shape
    heads = HEADS
    dim = C // heads
    scale = dim ** (-0.5)
    N = H * W
    xf = x.reshape(B, C, N)
    # 1x1 convs == per-pixel matmuls over channels
    q = jnp.einsum('oc,bcn->bon', Wq, xf)
    k = jnp.einsum('oc,bcn->bon', Wk, xf)
    v = jnp.einsum('oc,bcn->bon', Wv, xf)
    # depthwise conv with kernel R, stride R == non-overlapping block reduce
    Hs, Ws = H // R, W // R
    kb = k.reshape(B, C, H, W).reshape(B, C, Hs, R, Ws, R)
    vb = v.reshape(B, C, H, W).reshape(B, C, Hs, R, Ws, R)
    k_s = jnp.einsum('bchpwq,cpq->bchw', kb, Wck)
    v_s = jnp.einsum('bchpwq,cpq->bchw', vb, Wcv)
    n = Hs * Ws

    def rs(t, seq):
        return t.reshape(B, heads, dim, seq).reshape(B * heads, dim, seq)

    q = rs(q, N)
    k2 = rs(k_s.reshape(B, C, n), n)
    v2 = rs(v_s.reshape(B, C, n), n)
    attn = jnp.einsum('bdi,bdj->bij', q, k2) * scale
    attn = jax.nn.softmax(attn, axis=-1)
    token_score = attn.sum(axis=1)  # [B*heads, n]
    top_k = max(1, int(n * TOP_K_FRAC))
    _, idx = jax.lax.top_k(token_score, top_k)  # [B*heads, top_k]
    idx_exp = jnp.broadcast_to(idx[:, None, :], (B * heads, dim, top_k))
    k_top = jnp.take_along_axis(k2, idx_exp, axis=2)
    v_top = jnp.take_along_axis(v2, idx_exp, axis=2)
    attn_full = jnp.einsum('bdi,bdj->bij', q, k_top) * scale
    attn_full = jax.nn.softmax(attn_full, axis=-1)
    out = jnp.einsum('bij,bdj->bdi', attn_full, v_top)
    out = out.reshape(B, heads, dim, N).reshape(B, C, N)
    out = jnp.einsum('oc,bcn->bon', Wout, out) + b_out[None, :, None]
    return out.reshape(B, C, H, W)

if __name__ == "__main__":
    import jax
    _d = setup_inputs()
    print(jax.jit(kernel)(*tuple(_d.values())))

</pallas_src>

<mosaic_0001>
#map = affine_map<(d0, d1) -> (0, 0)>
#map1 = affine_map<(d0, d1) -> (0, 0, 0)>
module attributes {stable_mosaic.version = 14 : i64} {
  func.func @sel_kernel(%arg0: i32, %arg1: i32, %arg2: memref<4x784xi32, #tpu.memory_space<hbm>>, %arg3: memref<3136x128xf32, #tpu.memory_space<hbm>>, %arg4: memref<3136x128xf32, #tpu.memory_space<hbm>>, %arg5: memref<4x196x128xf32, #tpu.memory_space<hbm>>, %arg6: memref<4x196x128xf32, #tpu.memory_space<hbm>>, %arg7: memref<784xi32, #tpu.memory_space<vmem>>, %arg8: memref<112xi32, #tpu.memory_space<vmem>>, %arg9: memref<112xi32, #tpu.memory_space<vmem>>, %arg10: memref<112x128xf32, #tpu.memory_space<vmem>>, %arg11: memref<112x128xf32, #tpu.memory_space<vmem>>, %arg12: memref<!tpu.dma_semaphore, #tpu.memory_space<semaphore_mem>>) attributes {dimension_semantics = [#tpu.dimension_semantics<core_parallel>, #tpu.dimension_semantics<subcore_parallel>], iteration_bounds = array<i64: 2, 16>, scalar_prefetch = 0 : i64, scratch_operands = 6 : i64, tpu.core_type = #tpu.core_type<sc_vector_subcore>, window_params = [{transform_indices = #map}, {transform_indices = #map}, {transform_indices = #map}, {transform_indices = #map1}, {transform_indices = #map1}]} {
    %mul3A = arith.constant 2 : i32
    %mul3A_0 = arith.muli %arg1, %mul3A : i32
    %add3A = arith.addi %mul3A_0, %arg0 : i32
    %lt3A = arith.constant 4 : i32
    %lt3A_1 = arith.cmpi slt, %add3A, %lt3A : i32
    %convert_element_type3A = arith.extui %lt3A_1 : i1 to i32
    %cond3A = arith.constant 0 : i32
    %cond3A_2 = arith.cmpi ne, %convert_element_type3A, %cond3A : i32
    scf.if %cond3A_2 {
      "tpu.region"() ({
        %run_scoped3A = tpu.sem_alloc : memref<!tpu.dma_semaphore, #tpu.memory_space<semaphore_mem>>
        %dma_start3A_79 = arith.constant 0 : i32
        %dma_start3A_80 = tpu.memref_slice %arg2[%add3A, %dma_start3A_79] : memref<4x784xi32, #tpu.memory_space<hbm>> -> memref<1x784xi32, #tpu.memory_space<hbm>>
        %dma_start3A_81 = tpu.memref_squeeze %dma_start3A_80 : memref<1x784xi32, #tpu.memory_space<hbm>> -> memref<784xi32, #tpu.memory_space<hbm>>
        %dma_start3A_82 = arith.constant 0 : i32
        %dma_start3A_83 = tpu.memref_slice %arg2[%add3A, %dma_start3A_82] : memref<4x784xi32, #tpu.memory_space<hbm>> -> memref<1x784xi32, #tpu.memory_space<hbm>>
        %dma_start3A_84 = tpu.memref_squeeze %dma_start3A_83 : memref<1x784xi32, #tpu.memory_space<hbm>> -> memref<784xi32, #tpu.memory_space<hbm>>
        tpu.enqueue_dma source(%dma_start3A_84 : memref<784xi32, #tpu.memory_space<hbm>>) target(%arg7 : memref<784xi32, #tpu.memory_space<vmem>>) target_semaphore(%run_scoped3A : memref<!tpu.dma_semaphore, #tpu.memory_space<semaphore_mem>>)
        %dma_wait3A_85 = arith.constant 0 : i32
        %dma_wait3A_86 = tpu.memref_slice %arg2[%add3A, %dma_wait3A_85] : memref<4x784xi32, #tpu.memory_space<hbm>> -> memref<1x784xi32, #tpu.memory_space<hbm>>
        %dma_wait3A_87 = tpu.memref_squeeze %dma_wait3A_86 : memref<1x784xi32, #tpu.memory_space<hbm>> -> memref<784xi32, #tpu.memory_space<hbm>>
        %dma_wait3A_88 = arith.constant 0 : i32
        %dma_wait3A_89 = tpu.memref_slice %arg2[%add3A, %dma_wait3A_88] : memref<4x784xi32, #tpu.memory_space<hbm>> -> memref<1x784xi32, #tpu.memory_space<hbm>>
        %dma_wait3A_90 = tpu.memref_squeeze %dma_wait3A_89 : memref<1x784xi32, #tpu.memory_space<hbm>> -> memref<784xi32, #tpu.memory_space<hbm>>
        tpu.wait_dma2 semaphore(%run_scoped3A : memref<!tpu.dma_semaphore, #tpu.memory_space<semaphore_mem>>) src(%dma_wait3A_90 : memref<784xi32, #tpu.memory_space<hbm>>) dst(%arg7 : memref<784xi32, #tpu.memory_space<vmem>>)
        tpu.yield
      }) : () -> ()
      %broadcast_in_dim3A = arith.constant 0 : i32
      %broadcast_in_dim3A_3 = vector.broadcast %broadcast_in_dim3A : i32 to vector<16xi32>
      %broadcast_in_dim3A_4 = arith.constant 0 : i32
      %broadcast_in_dim3A_5 = vector.broadcast %broadcast_in_dim3A_4 : i32 to vector<16xi32>
      %broadcast_in_dim3A_6 = arith.constant 2139095040 : i32
      %broadcast_in_dim3A_7 = vector.broadcast %broadcast_in_dim3A_6 : i32 to vector<16xi32>
      %scan3A = arith.constant 0 : i32
      %scan3A_8 = arith.constant 32 : i32
      %scan3A_9 = arith.addi %scan3A, %scan3A_8 : i32
      %scan3A_10 = arith.constant 1 : i32
      %scan3A_11:2 = scf.for %scan3A_79 = %scan3A to %scan3A_9 step %scan3A_10 iter_args(%scan3A_80 = %broadcast_in_dim3A_5, %scan3A_81 = %broadcast_in_dim3A_7) -> (vector<16xi32>, vector<16xi32>)  : i32 {
        %sub3A_82 = arith.subi %scan3A_81, %scan3A_80 : vector<16xi32>
        %shift_right_arithmetic3A = arith.constant 1 : i32
        %shift_right_arithmetic3A_83 = vector.broadcast %shift_right_arithmetic3A : i32 to vector<16xi32>
        %shift_right_arithmetic3A_84 = arith.shrsi %sub3A_82, %shift_right_arithmetic3A_83 : vector<16xi32>
        %add3A_85 = arith.addi %scan3A_80, %shift_right_arithmetic3A_84 : vector<16xi32>
        %scan3A_86 = arith.constant 0 : i32
        %scan3A_87 = arith.constant 49 : i32
        %scan3A_88 = arith.addi %scan3A_86, %scan3A_87 : i32
        %scan3A_89 = arith.constant 1 : i32
        %scan3A_90 = scf.for %scan3A_95 = %scan3A_86 to %scan3A_88 step %scan3A_89 iter_args(%scan3A_96 = %broadcast_in_dim3A_3) -> (vector<16xi32>)  : i32 {
          %mul3A_97 = arith.constant 16 : i32
          %mul3A_98 = arith.muli %scan3A_95, %mul3A_97 : i32
          %get3A = arith.index_cast %mul3A_98 : i32 to index
          %get3A_99 = tpu.vector_load %arg7[%get3A] {strides = array<i32>} : memref<784xi32, #tpu.memory_space<vmem>>, vector<16xi32>,
          %ge3A_100 = arith.cmpi sge, %get3A_99, %add3A_85 : vector<16xi32>
          %all_reduce_population_count3A = tpu.all_reduce %ge3A_100 {dim = 0 : i64, kind = #tpu.reduction_kind<sum>} : vector<16xi1> -> vector<16xi32>
          %add3A_101 = arith.addi %scan3A_96, %all_reduce_population_count3A : vector<16xi32>
          scf.yield %add3A_101 : vector<16xi32>
        }
        %scan3A_91 = arith.constant 49 : i32
        %ge3A = arith.constant 196 : i32
        %ge3A_92 = vector.broadcast %ge3A : i32 to vector<16xi32>
        %ge3A_93 = arith.cmpi sge, %scan3A_90, %ge3A_92 : vector<16xi32>
        %select_n3A = arith.select %ge3A_93, %add3A_85, %scan3A_80 : vector<16xi1>, vector<16xi32>
        %select_n3A_94 = arith.select %ge3A_93, %scan3A_81, %add3A_85 : vector<16xi1>, vector<16xi32>
        scf.yield %select_n3A, %select_n3A_94 : vector<16xi32>, vector<16xi32>
      }
      %scan3A_12 = arith.constant 32 : i32
      %broadcast_in_dim3A_13 = arith.constant 196 : i32
      %broadcast_in_dim3A_14 = vector.broadcast %broadcast_in_dim3A_13 : i32 to vector<16xi32>
      %add3A_15 = arith.constant 1 : i32
      %add3A_16 = vector.broadcast %add3A_15 : i32 to vector<16xi32>
      %add3A_17 = arith.addi %scan3A_11#0, %add3A_16 : vector<16xi32>
      %scan3A_18 = arith.constant 0 : i32
      %scan3A_19 = arith.constant 49 : i32
      %scan3A_20 = arith.addi %scan3A_18, %scan3A_19 : i32
      %scan3A_21 = arith.constant 1 : i32
      %scan3A_22 = scf.for %scan3A_79 = %scan3A_18 to %scan3A_20 step %scan3A_21 iter_args(%scan3A_80 = %broadcast_in_dim3A_3) -> (vector<16xi32>)  : i32 {
        %mul3A_81 = arith.constant 16 : i32
        %mul3A_82 = arith.muli %scan3A_79, %mul3A_81 : i32
        %get3A = arith.index_cast %mul3A_82 : i32 to index
        %get3A_83 = tpu.vector_load %arg7[%get3A] {strides = array<i32>} : memref<784xi32, #tpu.memory_space<vmem>>, vector<16xi32>,
        %ge3A = arith.cmpi sge, %get3A_83, %add3A_17 : vector<16xi32>
        %all_reduce_population_count3A = tpu.all_reduce %ge3A {dim = 0 : i64, kind = #tpu.reduction_kind<sum>} : vector<16xi1> -> vector<16xi32>
        %add3A_84 = arith.addi %scan3A_80, %all_reduce_population_count3A : vector<16xi32>
        scf.yield %add3A_84 : vector<16xi32>
      }
      %scan3A_23 = arith.constant 49 : i32
      %sub3A = arith.subi %broadcast_in_dim3A_14, %scan3A_22 : vector<16xi32>
      %swap3A = arith.constant 0 : index
      %swap3A_24 = tpu.vector_load %arg8[%swap3A] {strides = array<i32>} : memref<112xi32, #tpu.memory_space<vmem>>, vector<16xi32>,
      tpu.vector_store %arg8[%swap3A], %broadcast_in_dim3A_3 {strides = array<i32>} : memref<112xi32, #tpu.memory_space<vmem>>, vector<16xi32>,
      %swap3A_25 = arith.constant 0 : index
      %swap3A_26 = tpu.vector_load %arg9[%swap3A_25] {strides = array<i32>} : memref<112xi32, #tpu.memory_space<vmem>>, vector<16xi32>,
      tpu.vector_store %arg9[%swap3A_25], %broadcast_in_dim3A_3 {strides = array<i32>} : memref<112xi32, #tpu.memory_space<vmem>>, vector<16xi32>,
      %swap3A_27 = arith.constant 16 : index
      %swap3A_28 = tpu.vector_load %arg8[%swap3A_27] {strides = array<i32>} : memref<112xi32, #tpu.memory_space<vmem>>, vector<16xi32>,
      tpu.vector_store %arg8[%swap3A_27], %broadcast_in_dim3A_3 {strides = array<i32>} : memref<112xi32, #tpu.memory_space<vmem>>, vector<16xi32>,
      %swap3A_29 = arith.constant 16 : index
      %swap3A_30 = tpu.vector_load %arg9[%swap3A_29] {strides = array<i32>} : memref<112xi32, #tpu.memory_space<vmem>>, vector<16xi32>,
      tpu.vector_store %arg9[%swap3A_29], %broadcast_in_dim3A_3 {strides = array<i32>} : memref<112xi32, #tpu.memory_space<vmem>>, vector<16xi32>,
      %swap3A_31 = arith.constant 32 : index
      %swap3A_32 = tpu.vector_load %arg8[%swap3A_31] {strides = array<i32>} : memref<112xi32, #tpu.memory_space<vmem>>, vector<16xi32>,
      tpu.vector_store %arg8[%swap3A_31], %broadcast_in_dim3A_3 {strides = array<i32>} : memref<112xi32, #tpu.memory_space<vmem>>, vector<16xi32>,
      %swap3A_33 = arith.constant 32 : index
      %swap3A_34 = tpu.vector_load %arg9[%swap3A_33] {strides = array<i32>} : memref<112xi32, #tpu.memory_space<vmem>>, vector<16xi32>,
      tpu.vector_store %arg9[%swap3A_33], %broadcast_in_dim3A_3 {strides = array<i32>} : memref<112xi32, #tpu.memory_space<vmem>>, vector<16xi32>,
      %swap3A_35 = arith.constant 48 : index
      %swap3A_36 = tpu.vector_load %arg8[%swap3A_35] {strides = array<i32>} : memref<112xi32, #tpu.memory_space<vmem>>, vector<16xi32>,
      tpu.vector_store %arg8[%swap3A_35], %broadcast_in_dim3A_3 {strides = array<i32>} : memref<112xi32, #tpu.memory_space<vmem>>, vector<16xi32>,
      %swap3A_37 = arith.constant 48 : index
      %swap3A_38 = tpu.vector_load %arg9[%swap3A_37] {strides = array<i32>} : memref<112xi32, #tpu.memory_space<vmem>>, vector<16xi32>,
      tpu.vector_store %arg9[%swap3A_37], %broadcast_in_dim3A_3 {strides = array<i32>} : memref<112xi32, #tpu.memory_space<vmem>>, vector<16xi32>,
      %swap3A_39 = arith.constant 64 : index
      %swap3A_40 = tpu.vector_load %arg8[%swap3A_39] {strides = array<i32>} : memref<112xi32, #tpu.memory_space<vmem>>, vector<16xi32>,
      tpu.vector_store %arg8[%swap3A_39], %broadcast_in_dim3A_3 {strides = array<i32>} : memref<112xi32, #tpu.memory_space<vmem>>, vector<16xi32>,
      %swap3A_41 = arith.constant 64 : index
      %swap3A_42 = tpu.vector_load %arg9[%swap3A_41] {strides = array<i32>} : memref<112xi32, #tpu.memory_space<vmem>>, vector<16xi32>,
      tpu.vector_store %arg9[%swap3A_41], %broadcast_in_dim3A_3 {strides = array<i32>} : memref<112xi32, #tpu.memory_space<vmem>>, vector<16xi32>,
      %swap3A_43 = arith.constant 80 : index
      %swap3A_44 = tpu.vector_load %arg8[%swap3A_43] {strides = array<i32>} : memref<112xi32, #tpu.memory_space<vmem>>, vector<16xi32>,
      tpu.vector_store %arg8[%swap3A_43], %broadcast_in_dim3A_3 {strides = array<i32>} : memref<112xi32, #tpu.memory_space<vmem>>, vector<16xi32>,
      %swap3A_45 = arith.constant 80 : index
      %swap3A_46 = tpu.vector_load %arg9[%swap3A_45] {strides = array<i32>} : memref<112xi32, #tpu.memory_space<vmem>>, vector<16xi32>,
      tpu.vector_store %arg9[%swap3A_45], %broadcast_in_dim3A_3 {strides = array<i32>} : memref<112xi32, #tpu.memory_space<vmem>>, vector<16xi32>,
      %swap3A_47 = arith.constant 96 : index
      %swap3A_48 = tpu.vector_load %arg8[%swap3A_47] {strides = array<i32>} : memref<112xi32, #tpu.memory_space<vmem>>, vector<16xi32>,
      tpu.vector_store %arg8[%swap3A_47], %broadcast_in_dim3A_3 {strides = array<i32>} : memref<112xi32, #tpu.memory_space<vmem>>, vector<16xi32>,
      %swap3A_49 = arith.constant 96 : index
      %swap3A_50 = tpu.vector_load %arg9[%swap3A_49] {strides = array<i32>} : memref<112xi32, #tpu.memory_space<vmem>>, vector<16xi32>,
      tpu.vector_store %arg9[%swap3A_49], %broadcast_in_dim3A_3 {strides = array<i32>} : memref<112xi32, #tpu.memory_space<vmem>>, vector<16xi32>,
      %scan3A_51 = arith.constant 0 : i32
      %scan3A_52 = arith.constant 49 : i32
      %scan3A_53 = arith.addi %scan3A_51, %scan3A_52 : i32
      %scan3A_54 = arith.constant 1 : i32
      %scan3A_55:2 = scf.for %scan3A_79 = %scan3A_51 to %scan3A_53 step %scan3A_54 iter_args(%scan3A_80 = %broadcast_in_dim3A_3, %scan3A_81 = %broadcast_in_dim3A_3) -> (vector<16xi32>, vector<16xi32>)  : i32 {
        %mul3A_82 = arith.constant 16 : i32
        %mul3A_83 = arith.muli %scan3A_79, %mul3A_82 : i32
        %get3A = arith.index_cast %mul3A_83 : i32 to index
        %get3A_84 = tpu.vector_load %arg7[%get3A] {strides = array<i32>} : memref<784xi32, #tpu.memory_space<vmem>>, vector<16xi32>,
        %iota3A = tpu.iota {dimensions = array<i32: 0>} : vector<16xi32>
        %add3A_85 = vector.broadcast %mul3A_83 : i32 to vector<16xi32>
        %add3A_86 = arith.addi %iota3A, %add3A_85 : vector<16xi32>
        %mul3A_87 = arith.constant 784 : i32
        %mul3A_88 = arith.muli %add3A, %mul3A_87 : i32
        %add3A_89 = vector.broadcast %mul3A_88 : i32 to vector<16xi32>
        %add3A_90 = arith.addi %add3A_86, %add3A_89 : vector<16xi32>
        %gt3A = arith.cmpi sgt, %get3A_84, %scan3A_11#0 : vector<16xi32>
        %eq3A = arith.cmpi eq, %get3A_84, %scan3A_11#0 : vector<16xi32>
        %jit3A = arith.constant 1 : i32
        %jit3A_91 = arith.constant 0 : i32
        %broadcast_in_dim3A_92 = vector.broadcast %jit3A : i32 to vector<16xi32>
        %broadcast_in_dim3A_93 = vector.broadcast %jit3A_91 : i32 to vector<16xi32>
        %select_n3A = arith.select %eq3A, %broadcast_in_dim3A_92, %broadcast_in_dim3A_93 : vector<16xi1>, vector<16xi32>
        %broadcast_in_dim3A_94 = arith.constant true
        %broadcast_in_dim3A_95 = vector.broadcast %broadcast_in_dim3A_94 : i1 to vector<16xi1>
        %masked_cumsum3A = tpu.scan <sum>, %select_n3A masked %broadcast_in_dim3A_95 : vector<16xi32>, vector<16xi1> -> vector<16xi32>
        %sub3A_96 = arith.subi %masked_cumsum3A, %select_n3A : vector<16xi32>
        %add3A_97 = arith.addi %sub3A_96, %scan3A_81 : vector<16xi32>
        %lt3A_98 = arith.cmpi slt, %add3A_97, %sub3A : vector<16xi32>
        %and3A = arith.andi %eq3A, %lt3A_98 : vector<16xi1>
        %or3A = arith.ori %gt3A, %and3A : vector<16xi1>
        %jit3A_99 = arith.constant 1 : i32
        %jit3A_100 = arith.constant 0 : i32
        %broadcast_in_dim3A_101 = vector.broadcast %jit3A_99 : i32 to vector<16xi32>
        %broadcast_in_dim3A_102 = vector.broadcast %jit3A_100 : i32 to vector<16xi32>
        %select_n3A_103 = arith.select %or3A, %broadcast_in_dim3A_101, %broadcast_in_dim3A_102 : vector<16xi1>, vector<16xi32>
        %broadcast_in_dim3A_104 = arith.constant true
        %broadcast_in_dim3A_105 = vector.broadcast %broadcast_in_dim3A_104 : i1 to vector<16xi1>
        %masked_cumsum3A_106 = tpu.scan <sum>, %select_n3A_103 masked %broadcast_in_dim3A_105 : vector<16xi32>, vector<16xi1> -> vector<16xi32>
        %sub3A_107 = arith.subi %masked_cumsum3A_106, %select_n3A_103 : vector<16xi32>
        %add3A_108 = arith.addi %sub3A_107, %scan3A_80 : vector<16xi32>
        %lt3A_109 = arith.constant 104 : i32
        %lt3A_110 = vector.broadcast %lt3A_109 : i32 to vector<16xi32>
        %lt3A_111 = arith.cmpi slt, %add3A_108, %lt3A_110 : vector<16xi32>
        %and3A_112 = arith.andi %or3A, %lt3A_111 : vector<16xi1>
        %ge3A = arith.constant 104 : i32
        %ge3A_113 = vector.broadcast %ge3A : i32 to vector<16xi32>
        %ge3A_114 = arith.cmpi sge, %add3A_108, %ge3A_113 : vector<16xi32>
        %and3A_115 = arith.andi %or3A, %ge3A_114 : vector<16xi1>
        %jit3A_116 = arith.constant 0 : i32
        %broadcast_in_dim3A_117 = vector.broadcast %jit3A_116 : i32 to vector<16xi32>
        %select_n3A_118 = arith.select %and3A_112, %add3A_108, %broadcast_in_dim3A_117 : vector<16xi1>, vector<16xi32>
        tpu.vector_store_idx %arg8[%select_n3A_118], %add3A_90 masked %and3A_112 : memref<112xi32, #tpu.memory_space<vmem>>[vector<16xi32>], vector<16xi32>, vector<16xi1>
        %sub3A_119 = arith.constant 104 : i32
        %sub3A_120 = vector.broadcast %sub3A_119 : i32 to vector<16xi32>
        %sub3A_121 = arith.subi %add3A_108, %sub3A_120 : vector<16xi32>
        %jit3A_122 = arith.constant 0 : i32
        %broadcast_in_dim3A_123 = vector.broadcast %jit3A_122 : i32 to vector<16xi32>
        %select_n3A_124 = arith.select %and3A_115, %sub3A_121, %broadcast_in_dim3A_123 : vector<16xi1>, vector<16xi32>
        tpu.vector_store_idx %arg9[%select_n3A_124], %add3A_90 masked %and3A_115 : memref<112xi32, #tpu.memory_space<vmem>>[vector<16xi32>], vector<16xi32>, vector<16xi1>
        %all_reduce_population_count3A = tpu.all_reduce %or3A {dim = 0 : i64, kind = #tpu.reduction_kind<sum>} : vector<16xi1> -> vector<16xi32>
        %add3A_125 = arith.addi %scan3A_80, %all_reduce_population_count3A : vector<16xi32>
        %all_reduce_population_count3A_126 = tpu.all_reduce %eq3A {dim = 0 : i64, kind = #tpu.reduction_kind<sum>} : vector<16xi1> -> vector<16xi32>
        %add3A_127 = arith.addi %scan3A_81, %all_reduce_population_count3A_126 : vector<16xi32>
        scf.yield %add3A_125, %add3A_127 : vector<16xi32>, vector<16xi32>
      }
      %scan3A_56 = arith.constant 49 : i32
      %dma_start3A = arith.constant 0 : i32
      %dma_start3A_57 = arith.constant 0 : i32
      %dma_start3A_58 = tpu.memref_slice %arg3[%dma_start3A, %dma_start3A_57] : memref<3136x128xf32, #tpu.memory_space<hbm>> -> memref<3136x128xf32, #tpu.memory_space<hbm>>
      tpu.enqueue_indirect_dma source(%dma_start3A_58 : memref<3136x128xf32, #tpu.memory_space<hbm>>) target(%arg10 : memref<112x128xf32, #tpu.memory_space<vmem>>) offsets(%arg8 : memref<112xi32, #tpu.memory_space<vmem>>) semaphore(%arg12 : memref<!tpu.dma_semaphore, #tpu.memory_space<semaphore_mem>>)
      %dma_wait3A = arith.constant 0 : i32
      %dma_wait3A_59 = arith.constant 0 : i32
      %dma_wait3A_60 = tpu.memref_slice %arg3[%dma_wait3A, %dma_wait3A_59] : memref<3136x128xf32, #tpu.memory_space<hbm>> -> memref<3136x128xf32, #tpu.memory_space<hbm>>
      tpu.wait_indirect_dma semaphore(%arg12 : memref<!tpu.dma_semaphore, #tpu.memory_space<semaphore_mem>>) src(%dma_wait3A_60 : memref<3136x128xf32, #tpu.memory_space<hbm>>) dst(%arg10 : memref<112x128xf32, #tpu.memory_space<vmem>>)
      "tpu.region"() ({
        %run_scoped3A = tpu.sem_alloc : memref<!tpu.dma_semaphore, #tpu.memory_space<semaphore_mem>>
        %dma_start3A_79 = arith.constant 0 : i32
        %dma_start3A_80 = arith.constant 0 : i32
        %dma_start3A_81 = tpu.memref_slice %arg10[%dma_start3A_79, %dma_start3A_80] : memref<112x128xf32, #tpu.memory_space<vmem>> -> memref<104x128xf32, #tpu.memory_space<vmem>>
        %dma_start3A_82 = arith.constant 0 : i32
        %dma_start3A_83 = arith.constant 0 : i32
        %dma_start3A_84 = tpu.memref_slice %arg5[%add3A, %dma_start3A_82, %dma_start3A_83] : memref<4x196x128xf32, #tpu.memory_space<hbm>> -> memref<1x196x128xf32, #tpu.memory_space<hbm>>
        %dma_start3A_85 = tpu.memref_squeeze %dma_start3A_84 : memref<1x196x128xf32, #tpu.memory_space<hbm>> -> memref<196x128xf32, #tpu.memory_space<hbm>>
        %dma_start3A_86 = arith.constant 0 : i32
        %dma_start3A_87 = arith.constant 0 : i32
        %dma_start3A_88 = tpu.memref_slice %dma_start3A_85[%dma_start3A_86, %dma_start3A_87] : memref<196x128xf32, #tpu.memory_space<hbm>> -> memref<104x128xf32, #tpu.memory_space<hbm>>
        %dma_start3A_89 = arith.constant 0 : i32
        %dma_start3A_90 = arith.constant 0 : i32
        %dma_start3A_91 = tpu.memref_slice %arg5[%add3A, %dma_start3A_89, %dma_start3A_90] : memref<4x196x128xf32, #tpu.memory_space<hbm>> -> memref<1x196x128xf32, #tpu.memory_space<hbm>>
        %dma_start3A_92 = tpu.memref_squeeze %dma_start3A_91 : memref<1x196x128xf32, #tpu.memory_space<hbm>> -> memref<196x128xf32, #tpu.memory_space<hbm>>
        %dma_start3A_93 = arith.constant 0 : i32
        %dma_start3A_94 = arith.constant 0 : i32
        %dma_start3A_95 = tpu.memref_slice %dma_start3A_92[%dma_start3A_93, %dma_start3A_94] : memref<196x128xf32, #tpu.memory_space<hbm>> -> memref<104x128xf32, #tpu.memory_space<hbm>>
        %dma_start3A_96 = arith.constant 0 : i32
        %dma_start3A_97 = arith.constant 0 : i32
        %dma_start3A_98 = tpu.memref_slice %arg10[%dma_start3A_96, %dma_start3A_97] : memref<112x128xf32, #tpu.memory_space<vmem>> -> memref<104x128xf32, #tpu.memory_space<vmem>>
        tpu.enqueue_dma source(%dma_start3A_98 : memref<104x128xf32, #tpu.memory_space<vmem>>) target(%dma_start3A_95 : memref<104x128xf32, #tpu.memory_space<hbm>>) target_semaphore(%run_scoped3A : memref<!tpu.dma_semaphore, #tpu.memory_space<semaphore_mem>>)
        %dma_wait3A_99 = arith.constant 0 : i32
        %dma_wait3A_100 = arith.constant 0 : i32
        %dma_wait3A_101 = tpu.memref_slice %arg10[%dma_wait3A_99, %dma_wait3A_100] : memref<112x128xf32, #tpu.memory_space<vmem>> -> memref<104x128xf32, #tpu.memory_space<vmem>>
        %dma_wait3A_102 = arith.constant 0 : i32
        %dma_wait3A_103 = arith.constant 0 : i32
        %dma_wait3A_104 = tpu.memref_slice %arg5[%add3A, %dma_wait3A_102, %dma_wait3A_103] : memref<4x196x128xf32, #tpu.memory_space<hbm>> -> memref<1x196x128xf32, #tpu.memory_space<hbm>>
        %dma_wait3A_105 = tpu.memref_squeeze %dma_wait3A_104 : memref<1x196x128xf32, #tpu.memory_space<hbm>> -> memref<196x128xf32, #tpu.memory_space<hbm>>
        %dma_wait3A_106 = arith.constant 0 : i32
        %dma_wait3A_107 = arith.constant 0 : i32
        %dma_wait3A_108 = tpu.memref_slice %dma_wait3A_105[%dma_wait3A_106, %dma_wait3A_107] : memref<196x128xf32, #tpu.memory_space<hbm>> -> memref<104x128xf32, #tpu.memory_space<hbm>>
        %dma_wait3A_109 = arith.constant 0 : i32
        %dma_wait3A_110 = arith.constant 0 : i32
        %dma_wait3A_111 = tpu.memref_slice %arg5[%add3A, %dma_wait3A_109, %dma_wait3A_110] : memref<4x196x128xf32, #tpu.memory_space<hbm>> -> memref<1x196x128xf32, #tpu.memory_space<hbm>>
        %dma_wait3A_112 = tpu.memref_squeeze %dma_wait3A_111 : memref<1x196x128xf32, #tpu.memory_space<hbm>> -> memref<196x128xf32, #tpu.memory_space<hbm>>
        %dma_wait3A_113 = arith.constant 0 : i32
        %dma_wait3A_114 = arith.constant 0 : i32
        %dma_wait3A_115 = tpu.memref_slice %dma_wait3A_112[%dma_wait3A_113, %dma_wait3A_114] : memref<196x128xf32, #tpu.memory_space<hbm>> -> memref<104x128xf32, #tpu.memory_space<hbm>>
        %dma_wait3A_116 = arith.constant 0 : i32
        %dma_wait3A_117 = arith.constant 0 : i32
        %dma_wait3A_118 = tpu.memref_slice %arg10[%dma_wait3A_116, %dma_wait3A_117] : memref<112x128xf32, #tpu.memory_space<vmem>> -> memref<104x128xf32, #tpu.memory_space<vmem>>
        tpu.wait_dma2 semaphore(%run_scoped3A : memref<!tpu.dma_semaphore, #tpu.memory_space<semaphore_mem>>) src(%dma_wait3A_118 : memref<104x128xf32, #tpu.memory_space<vmem>>) dst(%dma_wait3A_115 : memref<104x128xf32, #tpu.memory_space<hbm>>)
        tpu.yield
      }) : () -> ()
      %dma_start3A_61 = arith.constant 0 : i32
      %dma_start3A_62 = arith.constant 0 : i32
      %dma_start3A_63 = tpu.memref_slice %arg3[%dma_start3A_61, %dma_start3A_62] : memref<3136x128xf32, #tpu.memory_space<hbm>> -> memref<3136x128xf32, #tpu.memory_space<hbm>>
      tpu.enqueue_indirect_dma source(%dma_start3A_63 : memref<3136x128xf32, #tpu.memory_space<hbm>>) target(%arg10 : memref<112x128xf32, #tpu.memory_space<vmem>>) offsets(%arg9 : memref<112xi32, #tpu.memory_space<vmem>>) semaphore(%arg12 : memref<!tpu.dma_semaphore, #tpu.memory_space<semaphore_mem>>)
      %dma_wait3A_64 = arith.constant 0 : i32
      %dma_wait3A_65 = arith.constant 0 : i32
      %dma_wait3A_66 = tpu.memref_slice %arg3[%dma_wait3A_64, %dma_wait3A_65] : memref<3136x128xf32, #tpu.memory_space<hbm>> -> memref<3136x128xf32, #tpu.memory_space<hbm>>
      tpu.wait_indirect_dma semaphore(%arg12 : memref<!tpu.dma_semaphore, #tpu.memory_space<semaphore_mem>>) src(%dma_wait3A_66 : memref<3136x128xf32, #tpu.memory_space<hbm>>) dst(%arg10 : memref<112x128xf32, #tpu.memory_space<vmem>>)
      "tpu.region"() ({
        %run_scoped3A = tpu.sem_alloc : memref<!tpu.dma_semaphore, #tpu.memory_space<semaphore_mem>>
        %dma_start3A_79 = arith.constant 0 : i32
        %dma_start3A_80 = arith.constant 0 : i32
        %dma_start3A_81 = tpu.memref_slice %arg10[%dma_start3A_79, %dma_start3A_80] : memref<112x128xf32, #tpu.memory_space<vmem>> -> memref<92x128xf32, #tpu.memory_space<vmem>>
        %dma_start3A_82 = arith.constant 0 : i32
        %dma_start3A_83 = arith.constant 0 : i32
        %dma_start3A_84 = tpu.memref_slice %arg5[%add3A, %dma_start3A_82, %dma_start3A_83] : memref<4x196x128xf32, #tpu.memory_space<hbm>> -> memref<1x196x128xf32, #tpu.memory_space<hbm>>
        %dma_start3A_85 = tpu.memref_squeeze %dma_start3A_84 : memref<1x196x128xf32, #tpu.memory_space<hbm>> -> memref<196x128xf32, #tpu.memory_space<hbm>>
        %dma_start3A_86 = arith.constant 104 : i32
        %dma_start3A_87 = arith.constant 0 : i32
        %dma_start3A_88 = tpu.memref_slice %dma_start3A_85[%dma_start3A_86, %dma_start3A_87] : memref<196x128xf32, #tpu.memory_space<hbm>> -> memref<92x128xf32, #tpu.memory_space<hbm>>
        %dma_start3A_89 = arith.constant 0 : i32
        %dma_start3A_90 = arith.constant 0 : i32
        %dma_start3A_91 = tpu.memref_slice %arg5[%add3A, %dma_start3A_89, %dma_start3A_90] : memref<4x196x128xf32, #tpu.memory_space<hbm>> -> memref<1x196x128xf32, #tpu.memory_space<hbm>>
        %dma_start3A_92 = tpu.memref_squeeze %dma_start3A_91 : memref<1x196x128xf32, #tpu.memory_space<hbm>> -> memref<196x128xf32, #tpu.memory_space<hbm>>
        %dma_start3A_93 = arith.constant 104 : i32
        %dma_start3A_94 = arith.constant 0 : i32
        %dma_start3A_95 = tpu.memref_slice %dma_start3A_92[%dma_start3A_93, %dma_start3A_94] : memref<196x128xf32, #tpu.memory_space<hbm>> -> memref<92x128xf32, #tpu.memory_space<hbm>>
        %dma_start3A_96 = arith.constant 0 : i32
        %dma_start3A_97 = arith.constant 0 : i32
        %dma_start3A_98 = tpu.memref_slice %arg10[%dma_start3A_96, %dma_start3A_97] : memref<112x128xf32, #tpu.memory_space<vmem>> -> memref<92x128xf32, #tpu.memory_space<vmem>>
        tpu.enqueue_dma source(%dma_start3A_98 : memref<92x128xf32, #tpu.memory_space<vmem>>) target(%dma_start3A_95 : memref<92x128xf32, #tpu.memory_space<hbm>>) target_semaphore(%run_scoped3A : memref<!tpu.dma_semaphore, #tpu.memory_space<semaphore_mem>>)
        %dma_wait3A_99 = arith.constant 0 : i32
        %dma_wait3A_100 = arith.constant 0 : i32
        %dma_wait3A_101 = tpu.memref_slice %arg10[%dma_wait3A_99, %dma_wait3A_100] : memref<112x128xf32, #tpu.memory_space<vmem>> -> memref<92x128xf32, #tpu.memory_space<vmem>>
        %dma_wait3A_102 = arith.constant 0 : i32
        %dma_wait3A_103 = arith.constant 0 : i32
        %dma_wait3A_104 = tpu.memref_slice %arg5[%add3A, %dma_wait3A_102, %dma_wait3A_103] : memref<4x196x128xf32, #tpu.memory_space<hbm>> -> memref<1x196x128xf32, #tpu.memory_space<hbm>>
        %dma_wait3A_105 = tpu.memref_squeeze %dma_wait3A_104 : memref<1x196x128xf32, #tpu.memory_space<hbm>> -> memref<196x128xf32, #tpu.memory_space<hbm>>
        %dma_wait3A_106 = arith.constant 104 : i32
        %dma_wait3A_107 = arith.constant 0 : i32
        %dma_wait3A_108 = tpu.memref_slice %dma_wait3A_105[%dma_wait3A_106, %dma_wait3A_107] : memref<196x128xf32, #tpu.memory_space<hbm>> -> memref<92x128xf32, #tpu.memory_space<hbm>>
        %dma_wait3A_109 = arith.constant 0 : i32
        %dma_wait3A_110 = arith.constant 0 : i32
        %dma_wait3A_111 = tpu.memref_slice %arg5[%add3A, %dma_wait3A_109, %dma_wait3A_110] : memref<4x196x128xf32, #tpu.memory_space<hbm>> -> memref<1x196x128xf32, #tpu.memory_space<hbm>>
        %dma_wait3A_112 = tpu.memref_squeeze %dma_wait3A_111 : memref<1x196x128xf32, #tpu.memory_space<hbm>> -> memref<196x128xf32, #tpu.memory_space<hbm>>
        %dma_wait3A_113 = arith.constant 104 : i32
        %dma_wait3A_114 = arith.constant 0 : i32
        %dma_wait3A_115 = tpu.memref_slice %dma_wait3A_112[%dma_wait3A_113, %dma_wait3A_114] : memref<196x128xf32, #tpu.memory_space<hbm>> -> memref<92x128xf32, #tpu.memory_space<hbm>>
        %dma_wait3A_116 = arith.constant 0 : i32
        %dma_wait3A_117 = arith.constant 0 : i32
        %dma_wait3A_118 = tpu.memref_slice %arg10[%dma_wait3A_116, %dma_wait3A_117] : memref<112x128xf32, #tpu.memory_space<vmem>> -> memref<92x128xf32, #tpu.memory_space<vmem>>
        tpu.wait_dma2 semaphore(%run_scoped3A : memref<!tpu.dma_semaphore, #tpu.memory_space<semaphore_mem>>) src(%dma_wait3A_118 : memref<92x128xf32, #tpu.memory_space<vmem>>) dst(%dma_wait3A_115 : memref<92x128xf32, #tpu.memory_space<hbm>>)
        tpu.yield
      }) : () -> ()
      %dma_start3A_67 = arith.constant 0 : i32
      %dma_start3A_68 = arith.constant 0 : i32
      %dma_start3A_69 = tpu.memref_slice %arg4[%dma_start3A_67, %dma_start3A_68] : memref<3136x128xf32, #tpu.memory_space<hbm>> -> memref<3136x128xf32, #tpu.memory_space<hbm>>
      tpu.enqueue_indirect_dma source(%dma_start3A_69 : memref<3136x128xf32, #tpu.memory_space<hbm>>) target(%arg11 : memref<112x128xf32, #tpu.memory_space<vmem>>) offsets(%arg8 : memref<112xi32, #tpu.memory_space<vmem>>) semaphore(%arg12 : memref<!tpu.dma_semaphore, #tpu.memory_space<semaphore_mem>>)
      %dma_wait3A_70 = arith.constant 0 : i32
      %dma_wait3A_71 = arith.constant 0 : i32
      %dma_wait3A_72 = tpu.memref_slice %arg4[%dma_wait3A_70, %dma_wait3A_71] : memref<3136x128xf32, #tpu.memory_space<hbm>> -> memref<3136x128xf32, #tpu.memory_space<hbm>>
      tpu.wait_indirect_dma semaphore(%arg12 : memref<!tpu.dma_semaphore, #tpu.memory_space<semaphore_mem>>) src(%dma_wait3A_72 : memref<3136x128xf32, #tpu.memory_space<hbm>>) dst(%arg11 : memref<112x128xf32, #tpu.memory_space<vmem>>)
      "tpu.region"() ({
        %run_scoped3A = tpu.sem_alloc : memref<!tpu.dma_semaphore, #tpu.memory_space<semaphore_mem>>
        %dma_start3A_79 = arith.constant 0 : i32
        %dma_start3A_80 = arith.constant 0 : i32
        %dma_start3A_81 = tpu.memref_slice %arg11[%dma_start3A_79, %dma_start3A_80] : memref<112x128xf32, #tpu.memory_space<vmem>> -> memref<104x128xf32, #tpu.memory_space<vmem>>
        %dma_start3A_82 = arith.constant 0 : i32
        %dma_start3A_83 = arith.constant 0 : i32
        %dma_start3A_84 = tpu.memref_slice %arg6[%add3A, %dma_start3A_82, %dma_start3A_83] : memref<4x196x128xf32, #tpu.memory_space<hbm>> -> memref<1x196x128xf32, #tpu.memory_space<hbm>>
        %dma_start3A_85 = tpu.memref_squeeze %dma_start3A_84 : memref<1x196x128xf32, #tpu.memory_space<hbm>> -> memref<196x128xf32, #tpu.memory_space<hbm>>
        %dma_start3A_86 = arith.constant 0 : i32
        %dma_start3A_87 = arith.constant 0 : i32
        %dma_start3A_88 = tpu.memref_slice %dma_start3A_85[%dma_start3A_86, %dma_start3A_87] : memref<196x128xf32, #tpu.memory_space<hbm>> -> memref<104x128xf32, #tpu.memory_space<hbm>>
        %dma_start3A_89 = arith.constant 0 : i32
        %dma_start3A_90 = arith.constant 0 : i32
        %dma_start3A_91 = tpu.memref_slice %arg6[%add3A, %dma_start3A_89, %dma_start3A_90] : memref<4x196x128xf32, #tpu.memory_space<hbm>> -> memref<1x196x128xf32, #tpu.memory_space<hbm>>
        %dma_start3A_92 = tpu.memref_squeeze %dma_start3A_91 : memref<1x196x128xf32, #tpu.memory_space<hbm>> -> memref<196x128xf32, #tpu.memory_space<hbm>>
        %dma_start3A_93 = arith.constant 0 : i32
        %dma_start3A_94 = arith.constant 0 : i32
        %dma_start3A_95 = tpu.memref_slice %dma_start3A_92[%dma_start3A_93, %dma_start3A_94] : memref<196x128xf32, #tpu.memory_space<hbm>> -> memref<104x128xf32, #tpu.memory_space<hbm>>
        %dma_start3A_96 = arith.constant 0 : i32
        %dma_start3A_97 = arith.constant 0 : i32
        %dma_start3A_98 = tpu.memref_slice %arg11[%dma_start3A_96, %dma_start3A_97] : memref<112x128xf32, #tpu.memory_space<vmem>> -> memref<104x128xf32, #tpu.memory_space<vmem>>
        tpu.enqueue_dma source(%dma_start3A_98 : memref<104x128xf32, #tpu.memory_space<vmem>>) target(%dma_start3A_95 : memref<104x128xf32, #tpu.memory_space<hbm>>) target_semaphore(%run_scoped3A : memref<!tpu.dma_semaphore, #tpu.memory_space<semaphore_mem>>)
        %dma_wait3A_99 = arith.constant 0 : i32
        %dma_wait3A_100 = arith.constant 0 : i32
        %dma_wait3A_101 = tpu.memref_slice %arg11[%dma_wait3A_99, %dma_wait3A_100] : memref<112x128xf32, #tpu.memory_space<vmem>> -> memref<104x128xf32, #tpu.memory_space<vmem>>
        %dma_wait3A_102 = arith.constant 0 : i32
        %dma_wait3A_103 = arith.constant 0 : i32
        %dma_wait3A_104 = tpu.memref_slice %arg6[%add3A, %dma_wait3A_102, %dma_wait3A_103] : memref<4x196x128xf32, #tpu.memory_space<hbm>> -> memref<1x196x128xf32, #tpu.memory_space<hbm>>
        %dma_wait3A_105 = tpu.memref_squeeze %dma_wait3A_104 : memref<1x196x128xf32, #tpu.memory_space<hbm>> -> memref<196x128xf32, #tpu.memory_space<hbm>>
        %dma_wait3A_106 = arith.constant 0 : i32
        %dma_wait3A_107 = arith.constant 0 : i32
        %dma_wait3A_108 = tpu.memref_slice %dma_wait3A_105[%dma_wait3A_106, %dma_wait3A_107] : memref<196x128xf32, #tpu.memory_space<hbm>> -> memref<104x128xf32, #tpu.memory_space<hbm>>
        %dma_wait3A_109 = arith.constant 0 : i32
        %dma_wait3A_110 = arith.constant 0 : i32
        %dma_wait3A_111 = tpu.memref_slice %arg6[%add3A, %dma_wait3A_109, %dma_wait3A_110] : memref<4x196x128xf32, #tpu.memory_space<hbm>> -> memref<1x196x128xf32, #tpu.memory_space<hbm>>
        %dma_wait3A_112 = tpu.memref_squeeze %dma_wait3A_111 : memref<1x196x128xf32, #tpu.memory_space<hbm>> -> memref<196x128xf32, #tpu.memory_space<hbm>>
        %dma_wait3A_113 = arith.constant 0 : i32
        %dma_wait3A_114 = arith.constant 0 : i32
        %dma_wait3A_115 = tpu.memref_slice %dma_wait3A_112[%dma_wait3A_113, %dma_wait3A_114] : memref<196x128xf32, #tpu.memory_space<hbm>> -> memref<104x128xf32, #tpu.memory_space<hbm>>
        %dma_wait3A_116 = arith.constant 0 : i32
        %dma_wait3A_117 = arith.constant 0 : i32
        %dma_wait3A_118 = tpu.memref_slice %arg11[%dma_wait3A_116, %dma_wait3A_117] : memref<112x128xf32, #tpu.memory_space<vmem>> -> memref<104x128xf32, #tpu.memory_space<vmem>>
        tpu.wait_dma2 semaphore(%run_scoped3A : memref<!tpu.dma_semaphore, #tpu.memory_space<semaphore_mem>>) src(%dma_wait3A_118 : memref<104x128xf32, #tpu.memory_space<vmem>>) dst(%dma_wait3A_115 : memref<104x128xf32, #tpu.memory_space<hbm>>)
        tpu.yield
      }) : () -> ()
      %dma_start3A_73 = arith.constant 0 : i32
      %dma_start3A_74 = arith.constant 0 : i32
      %dma_start3A_75 = tpu.memref_slice %arg4[%dma_start3A_73, %dma_start3A_74] : memref<3136x128xf32, #tpu.memory_space<hbm>> -> memref<3136x128xf32, #tpu.memory_space<hbm>>
      tpu.enqueue_indirect_dma source(%dma_start3A_75 : memref<3136x128xf32, #tpu.memory_space<hbm>>) target(%arg11 : memref<112x128xf32, #tpu.memory_space<vmem>>) offsets(%arg9 : memref<112xi32, #tpu.memory_space<vmem>>) semaphore(%arg12 : memref<!tpu.dma_semaphore, #tpu.memory_space<semaphore_mem>>)
      %dma_wait3A_76 = arith.constant 0 : i32
      %dma_wait3A_77 = arith.constant 0 : i32
      %dma_wait3A_78 = tpu.memref_slice %arg4[%dma_wait3A_76, %dma_wait3A_77] : memref<3136x128xf32, #tpu.memory_space<hbm>> -> memref<3136x128xf32, #tpu.memory_space<hbm>>
      tpu.wait_indirect_dma semaphore(%arg12 : memref<!tpu.dma_semaphore, #tpu.memory_space<semaphore_mem>>) src(%dma_wait3A_78 : memref<3136x128xf32, #tpu.memory_space<hbm>>) dst(%arg11 : memref<112x128xf32, #tpu.memory_space<vmem>>)
      "tpu.region"() ({
        %run_scoped3A = tpu.sem_alloc : memref<!tpu.dma_semaphore, #tpu.memory_space<semaphore_mem>>
        %dma_start3A_79 = arith.constant 0 : i32
        %dma_start3A_80 = arith.constant 0 : i32
        %dma_start3A_81 = tpu.memref_slice %arg11[%dma_start3A_79, %dma_start3A_80] : memref<112x128xf32, #tpu.memory_space<vmem>> -> memref<92x128xf32, #tpu.memory_space<vmem>>
        %dma_start3A_82 = arith.constant 0 : i32
        %dma_start3A_83 = arith.constant 0 : i32
        %dma_start3A_84 = tpu.memref_slice %arg6[%add3A, %dma_start3A_82, %dma_start3A_83] : memref<4x196x128xf32, #tpu.memory_space<hbm>> -> memref<1x196x128xf32, #tpu.memory_space<hbm>>
        %dma_start3A_85 = tpu.memref_squeeze %dma_start3A_84 : memref<1x196x128xf32, #tpu.memory_space<hbm>> -> memref<196x128xf32, #tpu.memory_space<hbm>>
        %dma_start3A_86 = arith.constant 104 : i32
        %dma_start3A_87 = arith.constant 0 : i32
        %dma_start3A_88 = tpu.memref_slice %dma_start3A_85[%dma_start3A_86, %dma_start3A_87] : memref<196x128xf32, #tpu.memory_space<hbm>> -> memref<92x128xf32, #tpu.memory_space<hbm>>
        %dma_start3A_89 = arith.constant 0 : i32
        %dma_start3A_90 = arith.constant 0 : i32
        %dma_start3A_91 = tpu.memref_slice %arg6[%add3A, %dma_start3A_89, %dma_start3A_90] : memref<4x196x128xf32, #tpu.memory_space<hbm>> -> memref<1x196x128xf32, #tpu.memory_space<hbm>>
        %dma_start3A_92 = tpu.memref_squeeze %dma_start3A_91 : memref<1x196x128xf32, #tpu.memory_space<hbm>> -> memref<196x128xf32, #tpu.memory_space<hbm>>
        %dma_start3A_93 = arith.constant 104 : i32
        %dma_start3A_94 = arith.constant 0 : i32
        %dma_start3A_95 = tpu.memref_slice %dma_start3A_92[%dma_start3A_93, %dma_start3A_94] : memref<196x128xf32, #tpu.memory_space<hbm>> -> memref<92x128xf32, #tpu.memory_space<hbm>>
        %dma_start3A_96 = arith.constant 0 : i32
        %dma_start3A_97 = arith.constant 0 : i32
        %dma_start3A_98 = tpu.memref_slice %arg11[%dma_start3A_96, %dma_start3A_97] : memref<112x128xf32, #tpu.memory_space<vmem>> -> memref<92x128xf32, #tpu.memory_space<vmem>>
        tpu.enqueue_dma source(%dma_start3A_98 : memref<92x128xf32, #tpu.memory_space<vmem>>) target(%dma_start3A_95 : memref<92x128xf32, #tpu.memory_space<hbm>>) target_semaphore(%run_scoped3A : memref<!tpu.dma_semaphore, #tpu.memory_space<semaphore_mem>>)
        %dma_wait3A_99 = arith.constant 0 : i32
        %dma_wait3A_100 = arith.constant 0 : i32
        %dma_wait3A_101 = tpu.memref_slice %arg11[%dma_wait3A_99, %dma_wait3A_100] : memref<112x128xf32, #tpu.memory_space<vmem>> -> memref<92x128xf32, #tpu.memory_space<vmem>>
        %dma_wait3A_102 = arith.constant 0 : i32
        %dma_wait3A_103 = arith.constant 0 : i32
        %dma_wait3A_104 = tpu.memref_slice %arg6[%add3A, %dma_wait3A_102, %dma_wait3A_103] : memref<4x196x128xf32, #tpu.memory_space<hbm>> -> memref<1x196x128xf32, #tpu.memory_space<hbm>>
        %dma_wait3A_105 = tpu.memref_squeeze %dma_wait3A_104 : memref<1x196x128xf32, #tpu.memory_space<hbm>> -> memref<196x128xf32, #tpu.memory_space<hbm>>
        %dma_wait3A_106 = arith.constant 104 : i32
        %dma_wait3A_107 = arith.constant 0 : i32
        %dma_wait3A_108 = tpu.memref_slice %dma_wait3A_105[%dma_wait3A_106, %dma_wait3A_107] : memref<196x128xf32, #tpu.memory_space<hbm>> -> memref<92x128xf32, #tpu.memory_space<hbm>>
        %dma_wait3A_109 = arith.constant 0 : i32
        %dma_wait3A_110 = arith.constant 0 : i32
        %dma_wait3A_111 = tpu.memref_slice %arg6[%add3A, %dma_wait3A_109, %dma_wait3A_110] : memref<4x196x128xf32, #tpu.memory_space<hbm>> -> memref<1x196x128xf32, #tpu.memory_space<hbm>>
        %dma_wait3A_112 = tpu.memref_squeeze %dma_wait3A_111 : memref<1x196x128xf32, #tpu.memory_space<hbm>> -> memref<196x128xf32, #tpu.memory_space<hbm>>
        %dma_wait3A_113 = arith.constant 104 : i32
        %dma_wait3A_114 = arith.constant 0 : i32
        %dma_wait3A_115 = tpu.memref_slice %dma_wait3A_112[%dma_wait3A_113, %dma_wait3A_114] : memref<196x128xf32, #tpu.memory_space<hbm>> -> memref<92x128xf32, #tpu.memory_space<hbm>>
        %dma_wait3A_116 = arith.constant 0 : i32
        %dma_wait3A_117 = arith.constant 0 : i32
        %dma_wait3A_118 = tpu.memref_slice %arg11[%dma_wait3A_116, %dma_wait3A_117] : memref<112x128xf32, #tpu.memory_space<vmem>> -> memref<92x128xf32, #tpu.memory_space<vmem>>
        tpu.wait_dma2 semaphore(%run_scoped3A : memref<!tpu.dma_semaphore, #tpu.memory_space<semaphore_mem>>) src(%dma_wait3A_118 : memref<92x128xf32, #tpu.memory_space<vmem>>) dst(%dma_wait3A_115 : memref<92x128xf32, #tpu.memory_space<hbm>>)
        tpu.yield
      }) : () -> ()
    } else {
    }
    return
  }
}

module attributes {stable_mosaic.version = 14 : i64} {
  func.func @_qkv_pool_body(%arg0: i32, %arg1: i32, %arg2: memref<1x384x784xf32, #tpu.memory_space<vmem>>, %arg3: memref<384x384xf32, #tpu.memory_space<vmem>>, %arg4: memref<384x384xf32, #tpu.memory_space<vmem>>, %arg5: memref<384x384xf32, #tpu.memory_space<vmem>>, %arg6: memref<1x384x1xf32, #tpu.memory_space<vmem>>, %arg7: memref<1x384x1xf32, #tpu.memory_space<vmem>>, %arg8: memref<1x384x784xf32, #tpu.memory_space<vmem>>, %arg9: memref<384x784xf32, #tpu.memory_space<vmem>>, %arg10: memref<384x784xf32, #tpu.memory_space<vmem>>, %arg11: memref<3072x784xf32, #tpu.memory_space<vmem>>, %arg12: memref<3072x784xf32, #tpu.memory_space<vmem>>) attributes {dimension_semantics = [#tpu.dimension_semantics<arbitrary>, #tpu.dimension_semantics<arbitrary>], iteration_bounds = array<i64: 8, 8>, scalar_prefetch = 0 : i64, scratch_operands = 2 : i64, tpu.core_type = #tpu.core_type<tc>, window_params = [{transform_indices = @transform_0, window_bounds = array<i64: 1, 384, 784>}, {pipeline_mode = #tpu.pipeline_mode<synchronous>, transform_indices = @transform_1, window_bounds = array<i64: 384, 384>}, {pipeline_mode = #tpu.pipeline_mode<synchronous>, transform_indices = @transform_2, window_bounds = array<i64: 384, 384>}, {pipeline_mode = #tpu.pipeline_mode<synchronous>, transform_indices = @transform_3, window_bounds = array<i64: 384, 384>}, {transform_indices = @transform_4, window_bounds = array<i64: 1, 384, 1>}, {transform_indices = @transform_5, window_bounds = array<i64: 1, 384, 1>}, {transform_indices = @transform_6, window_bounds = array<i64: 1, 384, 784>}, {pipeline_mode = #tpu.pipeline_mode<synchronous>, transform_indices = @transform_7, window_bounds = array<i64: 384, 784>}, {pipeline_mode = #tpu.pipeline_mode<synchronous>, transform_indices = @transform_8, window_bounds = array<i64: 384, 784>}]} {
    %get3A = arith.constant 0 : index
    %get3A_0 = arith.constant 0 : index
    %get3A_1 = arith.constant 0 : index
    %get3A_2 = vector.load %arg2[%get3A, %get3A_0, %get3A_1] : memref<1x384x784xf32, #tpu.memory_space<vmem>>, vector<1x384x784xf32>
    %get3A_3 = vector.shape_cast %get3A_2 : vector<1x384x784xf32> to vector<384x784xf32>
    %get3A_4 = arith.constant 0 : index
    %get3A_5 = arith.constant 0 : index
    %get3A_6 = vector.load %arg3[%get3A_4, %get3A_5] : memref<384x384xf32, #tpu.memory_space<vmem>>, vector<384x384xf32>
    %convert_element_type3A = arith.truncf %get3A_6 : vector<384x384xf32> to vector<384x384xbf16>
    %convert_element_type3A_7 = arith.truncf %get3A_3 : vector<384x784xf32> to vector<384x784xbf16>
    %dot_general3A = arith.constant dense<0.000000e+00> : vector<384x784xf32>
    %dot_general3A_8 = tpu.matmul %convert_element_type3A, %convert_element_type3A_7, %dot_general3A {dimension_numbers = #tpu.dot_dimension_numbers<[1], [0], [0], [1], [0, 0, 1, 1], [], []>, transpose_lhs_hint = false} : vector<384x384xbf16>, vector<384x784xbf16>, vector<384x784xf32> -> vector<384x784xf32>
    %swap3A = arith.constant 0 : index
    %swap3A_9 = arith.constant 0 : index
    %swap3A_10 = arith.constant 0 : index
    %swap3A_11 = vector.load %arg8[%swap3A, %swap3A_9, %swap3A_10] : memref<1x384x784xf32, #tpu.memory_space<vmem>>, vector<1x384x784xf32>
    %swap3A_12 = vector.shape_cast %swap3A_11 : vector<1x384x784xf32> to vector<384x784xf32>
    %swap3A_13 = vector.shape_cast %dot_general3A_8 : vector<384x784xf32> to vector<1x384x784xf32>
    tpu.vector_store %arg8[%swap3A, %swap3A_9, %swap3A_10], %swap3A_13 {strides = array<i32>} : memref<1x384x784xf32, #tpu.memory_space<vmem>>, vector<1x384x784xf32>,
    %get3A_14 = arith.constant 0 : index
    %get3A_15 = arith.constant 0 : index
    %get3A_16 = vector.load %arg4[%get3A_14, %get3A_15] : memref<384x384xf32, #tpu.memory_space<vmem>>, vector<384x384xf32>
    %convert_element_type3A_17 = arith.truncf %get3A_16 : vector<384x384xf32> to vector<384x384xbf16>
    %convert_element_type3A_18 = arith.truncf %get3A_3 : vector<384x784xf32> to vector<384x784xbf16>
    %dot_general3A_19 = arith.constant dense<0.000000e+00> : vector<384x784xf32>
    %dot_general3A_20 = tpu.matmul %convert_element_type3A_17, %convert_element_type3A_18, %dot_general3A_19 {dimension_numbers = #tpu.dot_dimension_numbers<[1], [0], [0], [1], [0, 0, 1, 1], [], []>, transpose_lhs_hint = false} : vector<384x384xbf16>, vector<384x784xbf16>, vector<384x784xf32> -> vector<384x784xf32>
    %get3A_21 = arith.constant 0 : index
    %get3A_22 = arith.constant 0 : index
    %get3A_23 = vector.load %arg5[%get3A_21, %get3A_22] : memref<384x384xf32, #tpu.memory_space<vmem>>, vector<384x384xf32>
    %convert_element_type3A_24 = arith.truncf %get3A_23 : vector<384x384xf32> to vector<384x384xbf16>
    %convert_element_type3A_25 = arith.truncf %get3A_3 : vector<384x784xf32> to vector<384x784xbf16>
    %dot_general3A_26 = arith.constant dense<0.000000e+00> : vector<384x784xf32>
    %dot_general3A_27 = tpu.matmul %convert_element_type3A_24, %convert_element_type3A_25, %dot_general3A_26 {dimension_numbers = #tpu.dot_dimension_numbers<[1], [0], [0], [1], [0, 0, 1, 1], [], []>, transpose_lhs_hint = false} : vector<384x384xbf16>, vector<384x784xbf16>, vector<384x784xf32> -> vector<384x784xf32>
    %get3A_28 = arith.constant 0 : index
    %get3A_29 = arith.constant 0 : index
    %get3A_30 = arith.constant 0 : index
    %get3A_31 = vector.load %arg6[%get3A_28, %get3A_29, %get3A_30] : memref<1x384x1xf32, #tpu.memory_space<vmem>>, vector<1x384x1xf32>
    %get3A_32 = vector.shape_cast %get3A_31 : vector<1x384x1xf32> to vector<384x1xf32>
    %mul3A = vector.broadcast %get3A_32 : vector<384x1xf32> to vector<384x784xf32>
    %mul3A_33 = arith.mulf %mul3A, %dot_general3A_20 : vector<384x784xf32>
    %get3A_34 = arith.constant 0 : index
    %get3A_35 = arith.constant 0 : index
    %get3A_36 = arith.constant 0 : index
    %get3A_37 = vector.load %arg7[%get3A_34, %get3A_35, %get3A_36] : memref<1x384x1xf32, #tpu.memory_space<vmem>>, vector<1x384x1xf32>
    %get3A_38 = vector.shape_cast %get3A_37 : vector<1x384x1xf32> to vector<384x1xf32>
    %mul3A_39 = vector.broadcast %get3A_38 : vector<384x1xf32> to vector<384x784xf32>
    %mul3A_40 = arith.mulf %mul3A_39, %dot_general3A_27 : vector<384x784xf32>
    %eq3A = arith.constant 0 : i32
    %eq3A_41 = arith.cmpi eq, %arg1, %eq3A : i32
    %convert_element_type3A_42 = arith.extui %eq3A_41 : i1 to i32
    %cond3A = arith.constant 0 : i32
    %cond3A_43 = arith.cmpi ne, %convert_element_type3A_42, %cond3A : i32
    scf.if %cond3A_43 {
      %mul3A_55 = arith.constant 384 : i32
      %mul3A_56 = arith.muli %arg0, %mul3A_55 : i32
      %swap3A_57 = arith.index_cast %mul3A_56 : i32 to index
      %swap3A_58 = arith.constant 0 : index
      %swap3A_59 = vector.load %arg11[%swap3A_57, %swap3A_58] : memref<3072x784xf32, #tpu.memory_space<vmem>>, vector<384x784xf32>
      tpu.vector_store %arg11[%swap3A_57, %swap3A_58], %mul3A_33 {strides = array<i32>} : memref<3072x784xf32, #tpu.memory_space<vmem>>, vector<384x784xf32>,
      %mul3A_60 = arith.constant 384 : i32
      %mul3A_61 = arith.muli %arg0, %mul3A_60 : i32
      %swap3A_62 = arith.index_cast %mul3A_61 : i32 to index
      %swap3A_63 = arith.constant 0 : index
      %swap3A_64 = vector.load %arg12[%swap3A_62, %swap3A_63] : memref<3072x784xf32, #tpu.memory_space<vmem>>, vector<384x784xf32>
      tpu.vector_store %arg12[%swap3A_62, %swap3A_63], %mul3A_40 {strides = array<i32>} : memref<3072x784xf32, #tpu.memory_space<vmem>>, vector<384x784xf32>,
    } else {
    }
    %gt3A = arith.constant 0 : i32
    %gt3A_44 = arith.cmpi sgt, %arg1, %gt3A : i32
    %convert_element_type3A_45 = arith.extui %gt3A_44 : i1 to i32
    %cond3A_46 = arith.constant 0 : i32
    %cond3A_47 = arith.cmpi ne, %convert_element_type3A_45, %cond3A_46 : i32
    scf.if %cond3A_47 {
      %mul3A_55 = arith.constant 384 : i32
      %mul3A_56 = arith.muli %arg0, %mul3A_55 : i32
      %get3A_57 = arith.index_cast %mul3A_56 : i32 to index
      %get3A_58 = arith.constant 0 : index
      %get3A_59 = vector.load %arg11[%get3A_57, %get3A_58] : memref<3072x784xf32, #tpu.memory_space<vmem>>, vector<384x784xf32>
      %add3A = arith.addf %get3A_59, %mul3A_33 : vector<384x784xf32>
      %swap3A_60 = arith.index_cast %mul3A_56 : i32 to index
      %swap3A_61 = arith.constant 0 : index
      %swap3A_62 = vector.load %arg11[%swap3A_60, %swap3A_61] : memref<3072x784xf32, #tpu.memory_space<vmem>>, vector<384x784xf32>
      tpu.vector_store %arg11[%swap3A_60, %swap3A_61], %add3A {strides = array<i32>} : memref<3072x784xf32, #tpu.memory_space<vmem>>, vector<384x784xf32>,
      %mul3A_63 = arith.constant 384 : i32
      %mul3A_64 = arith.muli %arg0, %mul3A_63 : i32
      %get3A_65 = arith.index_cast %mul3A_64 : i32 to index
      %get3A_66 = arith.constant 0 : index
      %get3A_67 = vector.load %arg12[%get3A_65, %get3A_66] : memref<3072x784xf32, #tpu.memory_space<vmem>>, vector<384x784xf32>
      %add3A_68 = arith.addf %get3A_67, %mul3A_40 : vector<384x784xf32>
      %swap3A_69 = arith.index_cast %mul3A_64 : i32 to index
      %swap3A_70 = arith.constant 0 : index
      %swap3A_71 = vector.load %arg12[%swap3A_69, %swap3A_70] : memref<3072x784xf32, #tpu.memory_space<vmem>>, vector<384x784xf32>
      tpu.vector_store %arg12[%swap3A_69, %swap3A_70], %add3A_68 {strides = array<i32>} : memref<3072x784xf32, #tpu.memory_space<vmem>>, vector<384x784xf32>,
    } else {
    }
    %eq3A_48 = arith.constant 7 : i32
    %eq3A_49 = arith.cmpi eq, %arg0, %eq3A_48 : i32
    %eq3A_50 = arith.constant 7 : i32
    %eq3A_51 = arith.cmpi eq, %arg1, %eq3A_50 : i32
    %and3A = arith.andi %eq3A_49, %eq3A_51 : i1
    %convert_element_type3A_52 = arith.extui %and3A : i1 to i32
    %cond3A_53 = arith.constant 0 : i32
    %cond3A_54 = arith.cmpi ne, %convert_element_type3A_52, %cond3A_53 : i32
    scf.if %cond3A_54 {
      %get3A_55 = arith.constant 0 : index
      %get3A_56 = arith.constant 0 : index
      %get3A_57 = vector.load %arg11[%get3A_55, %get3A_56] : memref<3072x784xf32, #tpu.memory_space<vmem>>, vector<384x784xf32>
      %get3A_58 = arith.constant 384 : index
      %get3A_59 = arith.constant 0 : index
      %get3A_60 = vector.load %arg11[%get3A_58, %get3A_59] : memref<3072x784xf32, #tpu.memory_space<vmem>>, vector<384x784xf32>
      %get3A_61 = arith.constant 768 : index
      %get3A_62 = arith.constant 0 : index
      %get3A_63 = vector.load %arg11[%get3A_61, %get3A_62] : memref<3072x784xf32, #tpu.memory_space<vmem>>, vector<384x784xf32>
      %get3A_64 = arith.constant 1152 : index
      %get3A_65 = arith.constant 0 : index
      %get3A_66 = vector.load %arg11[%get3A_64, %get3A_65] : memref<3072x784xf32, #tpu.memory_space<vmem>>, vector<384x784xf32>
      %get3A_67 = arith.constant 1536 : index
      %get3A_68 = arith.constant 0 : index
      %get3A_69 = vector.load %arg11[%get3A_67, %get3A_68] : memref<3072x784xf32, #tpu.memory_space<vmem>>, vector<384x784xf32>
      %get3A_70 = arith.constant 1920 : index
      %get3A_71 = arith.constant 0 : index
      %get3A_72 = vector.load %arg11[%get3A_70, %get3A_71] : memref<3072x784xf32, #tpu.memory_space<vmem>>, vector<384x784xf32>
      %get3A_73 = arith.constant 2304 : index
      %get3A_74 = arith.constant 0 : index
      %get3A_75 = vector.load %arg11[%get3A_73, %get3A_74] : memref<3072x784xf32, #tpu.memory_space<vmem>>, vector<384x784xf32>
      %get3A_76 = arith.constant 2688 : index
      %get3A_77 = arith.constant 0 : index
      %get3A_78 = vector.load %arg11[%get3A_76, %get3A_77] : memref<3072x784xf32, #tpu.memory_space<vmem>>, vector<384x784xf32>
      %add3A = arith.addf %get3A_57, %get3A_69 : vector<384x784xf32>
      %add3A_79 = arith.addf %get3A_60, %get3A_72 : vector<384x784xf32>
      %add3A_80 = arith.addf %get3A_63, %get3A_75 : vector<384x784xf32>
      %add3A_81 = arith.addf %get3A_66, %get3A_78 : vector<384x784xf32>
      %add3A_82 = arith.addf %add3A, %add3A_80 : vector<384x784xf32>
      %add3A_83 = arith.addf %add3A_79, %add3A_81 : vector<384x784xf32>
      %add3A_84 = arith.addf %add3A_82, %add3A_83 : vector<384x784xf32>
      %swap3A_85 = arith.constant 0 : index
      %swap3A_86 = arith.constant 0 : index
      %swap3A_87 = vector.load %arg9[%swap3A_85, %swap3A_86] : memref<384x784xf32, #tpu.memory_space<vmem>>, vector<384x784xf32>
      tpu.vector_store %arg9[%swap3A_85, %swap3A_86], %add3A_84 {strides = array<i32>} : memref<384x784xf32, #tpu.memory_space<vmem>>, vector<384x784xf32>,
      %get3A_88 = arith.constant 0 : index
      %get3A_89 = arith.constant 0 : index
      %get3A_90 = vector.load %arg12[%get3A_88, %get3A_89] : memref<3072x784xf32, #tpu.memory_space<vmem>>, vector<384x784xf32>
      %get3A_91 = arith.constant 384 : index
      %get3A_92 = arith.constant 0 : index
      %get3A_93 = vector.load %arg12[%get3A_91, %get3A_92] : memref<3072x784xf32, #tpu.memory_space<vmem>>, vector<384x784xf32>
      %get3A_94 = arith.constant 768 : index
      %get3A_95 = arith.constant 0 : index
      %get3A_96 = vector.load %arg12[%get3A_94, %get3A_95] : memref<3072x784xf32, #tpu.memory_space<vmem>>, vector<384x784xf32>
      %get3A_97 = arith.constant 1152 : index
      %get3A_98 = arith.constant 0 : index
      %get3A_99 = vector.load %arg12[%get3A_97, %get3A_98] : memref<3072x784xf32, #tpu.memory_space<vmem>>, vector<384x784xf32>
      %get3A_100 = arith.constant 1536 : index
      %get3A_101 = arith.constant 0 : index
      %get3A_102 = vector.load %arg12[%get3A_100, %get3A_101] : memref<3072x784xf32, #tpu.memory_space<vmem>>, vector<384x784xf32>
      %get3A_103 = arith.constant 1920 : index
      %get3A_104 = arith.constant 0 : index
      %get3A_105 = vector.load %arg12[%get3A_103, %get3A_104] : memref<3072x784xf32, #tpu.memory_space<vmem>>, vector<384x784xf32>
      %get3A_106 = arith.constant 2304 : index
      %get3A_107 = arith.constant 0 : index
      %get3A_108 = vector.load %arg12[%get3A_106, %get3A_107] : memref<3072x784xf32, #tpu.memory_space<vmem>>, vector<384x784xf32>
      %get3A_109 = arith.constant 2688 : index
      %get3A_110 = arith.constant 0 : index
      %get3A_111 = vector.load %arg12[%get3A_109, %get3A_110] : memref<3072x784xf32, #tpu.memory_space<vmem>>, vector<384x784xf32>
      %add3A_112 = arith.addf %get3A_90, %get3A_102 : vector<384x784xf32>
      %add3A_113 = arith.addf %get3A_93, %get3A_105 : vector<384x784xf32>
      %add3A_114 = arith.addf %get3A_96, %get3A_108 : vector<384x784xf32>
      %add3A_115 = arith.addf %get3A_99, %get3A_111 : vector<384x784xf32>
      %add3A_116 = arith.addf %add3A_112, %add3A_114 : vector<384x784xf32>
      %add3A_117 = arith.addf %add3A_113, %add3A_115 : vector<384x784xf32>
      %add3A_118 = arith.addf %add3A_116, %add3A_117 : vector<384x784xf32>
      %swap3A_119 = arith.constant 0 : index
      %swap3A_120 = arith.constant 0 : index
      %swap3A_121 = vector.load %arg10[%swap3A_119, %swap3A_120] : memref<384x784xf32, #tpu.memory_space<vmem>>, vector<384x784xf32>
      tpu.vector_store %arg10[%swap3A_119, %swap3A_120], %add3A_118 {strides = array<i32>} : memref<384x784xf32, #tpu.memory_space<vmem>>, vector<384x784xf32>,
    } else {
    }
    return
  }
  func.func @transform_0(%arg0: i32, %arg1: i32) -> (i32, i32, i32) {
    %mul3A = arith.constant 8 : i32
    %mul3A_0 = arith.muli %arg1, %mul3A : i32
    %add3A = arith.addi %mul3A_0, %arg0 : i32
    %c0_i32 = arith.constant 0 : i32
    %c0_i32_1 = arith.constant 0 : i32
    %c0_i32_2 = arith.constant 0 : i32
    return %add3A, %c0_i32, %c0_i32_1 : i32, i32, i32
  }
  func.func @transform_1(%arg0: i32, %arg1: i32) -> (i32, i32) {
    %c0_i32 = arith.constant 0 : i32
    %c0_i32_0 = arith.constant 0 : i32
    %c0_i32_1 = arith.constant 0 : i32
    return %c0_i32, %c0_i32_0 : i32, i32
  }
  func.func @transform_2(%arg0: i32, %arg1: i32) -> (i32, i32) {
    %c0_i32 = arith.constant 0 : i32
    %c0_i32_0 = arith.constant 0 : i32
    %c0_i32_1 = arith.constant 0 : i32
    return %c0_i32, %c0_i32_0 : i32, i32
  }
  func.func @transform_3(%arg0: i32, %arg1: i32) -> (i32, i32) {
    %c0_i32 = arith.constant 0 : i32
    %c0_i32_0 = arith.constant 0 : i32
    %c0_i32_1 = arith.constant 0 : i32
    return %c0_i32, %c0_i32_0 : i32, i32
  }
  func.func @transform_4(%arg0: i32, %arg1: i32) -> (i32, i32, i32) {
    %mul3A = arith.constant 8 : i32
    %mul3A_0 = arith.muli %arg1, %mul3A : i32
    %add3A = arith.addi %mul3A_0, %arg0 : i32
    %c0_i32 = arith.constant 0 : i32
    %c0_i32_1 = arith.constant 0 : i32
    %c0_i32_2 = arith.constant 0 : i32
    return %add3A, %c0_i32, %c0_i32_1 : i32, i32, i32
  }
  func.func @transform_5(%arg0: i32, %arg1: i32) -> (i32, i32, i32) {
    %mul3A = arith.constant 8 : i32
    %mul3A_0 = arith.muli %arg1, %mul3A : i32
    %add3A = arith.addi %mul3A_0, %arg0 : i32
    %c0_i32 = arith.constant 0 : i32
    %c0_i32_1 = arith.constant 0 : i32
    %c0_i32_2 = arith.constant 0 : i32
    return %add3A, %c0_i32, %c0_i32_1 : i32, i32, i32
  }
  func.func @transform_6(%arg0: i32, %arg1: i32) -> (i32, i32, i32) {
    %mul3A = arith.constant 8 : i32
    %mul3A_0 = arith.muli %arg1, %mul3A : i32
    %add3A = arith.addi %mul3A_0, %arg0 : i32
    %c0_i32 = arith.constant 0 : i32
    %c0_i32_1 = arith.constant 0 : i32
    %c0_i32_2 = arith.constant 0 : i32
    return %add3A, %c0_i32, %c0_i32_1 : i32, i32, i32
  }
  func.func @transform_7(%arg0: i32, %arg1: i32) -> (i32, i32) {
    %c0_i32 = arith.constant 0 : i32
    %c0_i32_0 = arith.constant 0 : i32
    %c0_i32_1 = arith.constant 0 : i32
    return %c0_i32, %c0_i32_0 : i32, i32
  }
  func.func @transform_8(%arg0: i32, %arg1: i32) -> (i32, i32) {
    %c0_i32 = arith.constant 0 : i32
    %c0_i32_0 = arith.constant 0 : i32
    %c0_i32_1 = arith.constant 0 : i32
    return %c0_i32, %c0_i32_0 : i32, i32
  }
}

module attributes {stable_mosaic.version = 14 : i64} {
  func.func @_score_body(%arg0: i32, %arg1: memref<384x1792xf32, #tpu.memory_space<vmem>>, %arg2: memref<384x784xbf16, #tpu.memory_space<vmem>>, %arg3: memref<4x784x1xf32, #tpu.memory_space<vmem>>, %arg4: memref<4x784x128xf32, #tpu.memory_space<vmem>>) attributes {dimension_semantics = [#tpu.dimension_semantics<arbitrary>], iteration_bounds = array<i64: 28>, scalar_prefetch = 0 : i64, scratch_operands = 1 : i64, tpu.core_type = #tpu.core_type<tc>, window_params = [{transform_indices = @transform_0, window_bounds = array<i64: 384, 1792>}, {pipeline_mode = #tpu.pipeline_mode<synchronous>, transform_indices = @transform_1, window_bounds = array<i64: 384, 784>}, {pipeline_mode = #tpu.pipeline_mode<synchronous>, transform_indices = @transform_2, window_bounds = array<i64: 4, 784, 1>}]} {
    %eq3A = arith.constant 0 : i32
    %eq3A_0 = arith.cmpi eq, %arg0, %eq3A : i32
    %convert_element_type3A = arith.extui %eq3A_0 : i1 to i32
    %cond3A = arith.constant 0 : i32
    %cond3A_1 = arith.cmpi ne, %convert_element_type3A, %cond3A : i32
    scf.if %cond3A_1 {
      %broadcast_in_dim3A_807 = arith.constant 0.000000e+00 : f32
      %broadcast_in_dim3A_808 = vector.broadcast %broadcast_in_dim3A_807 : f32 to vector<4x784x128xf32>
      %swap3A_809 = arith.constant 0 : index
      %swap3A_810 = arith.constant 0 : index
      %swap3A_811 = arith.constant 0 : index
      %swap3A_812 = vector.load %arg4[%swap3A_809, %swap3A_810, %swap3A_811] : memref<4x784x128xf32, #tpu.memory_space<vmem>>, vector<4x784x128xf32>
      tpu.vector_store %arg4[%swap3A_809, %swap3A_810, %swap3A_811], %broadcast_in_dim3A_808 {strides = array<i32>} : memref<4x784x128xf32, #tpu.memory_space<vmem>>, vector<4x784x128xf32>,
    } else {
    }
    %get3A = arith.constant 0 : index
    %get3A_2 = arith.constant 0 : index
    %get3A_3 = vector.load %arg1[%get3A, %get3A_2] : memref<384x1792xf32, #tpu.memory_space<vmem>>, vector<384x1792xf32>
    %convert_element_type3A_4 = arith.truncf %get3A_3 : vector<384x1792xf32> to vector<384x1792xbf16>
    %slice3A = vector.extract_strided_slice %convert_element_type3A_4 {offsets = [0, 0], sizes = [96, 1792], strides = [1, 1]} : vector<384x1792xbf16> to vector<96x1792xbf16>
    %get3A_5 = arith.constant 0 : index
    %get3A_6 = arith.constant 0 : index
    %get3A_7 = vector.load %arg2[%get3A_5, %get3A_6] : memref<384x784xbf16, #tpu.memory_space<vmem>>, vector<96x784xbf16>
    %dot_general3A = arith.constant dense<0.000000e+00> : vector<784x1792xf32>
    %dot_general3A_8 = tpu.matmul %get3A_7, %slice3A, %dot_general3A {dimension_numbers = #tpu.dot_dimension_numbers<[0], [0], [1], [1], [0, 1, 1, 1], [], []>, transpose_lhs_hint = false} : vector<96x784xbf16>, vector<96x1792xbf16>, vector<784x1792xf32> -> vector<784x1792xf32>
    %mul3A = arith.constant 0.102062076 : f32
    %mul3A_9 = vector.broadcast %mul3A : f32 to vector<784x1792xf32>
    %mul3A_10 = arith.mulf %dot_general3A_8, %mul3A_9 : vector<784x1792xf32>
    %reduce_max3A = arith.constant dense<0xFF800000> : vector<1792xf32>
    %reduce_max3A_11 = vector.multi_reduction <maximumf>, %mul3A_10, %reduce_max3A [0] : vector<784x1792xf32> to vector<1792xf32>
    %broadcast_in_dim3A = vector.shape_cast %reduce_max3A_11 : vector<1792xf32> to vector<1x1792xf32>
    %sub3A = vector.broadcast %broadcast_in_dim3A : vector<1x1792xf32> to vector<784x1792xf32>
    %sub3A_12 = arith.subf %mul3A_10, %sub3A : vector<784x1792xf32>
    %exp3A = math.exp %sub3A_12 : vector<784x1792xf32>
    %reduce_sum3A = arith.constant dense<0.000000e+00> : vector<1792xf32>
    %reduce_sum3A_13 = vector.multi_reduction <add>, %exp3A, %reduce_sum3A [0] : vector<784x1792xf32> to vector<1792xf32>
    %broadcast_in_dim3A_14 = vector.shape_cast %reduce_sum3A_13 : vector<1792xf32> to vector<1x1792xf32>
    %div3A = vector.broadcast %broadcast_in_dim3A_14 : vector<1x1792xf32> to vector<784x1792xf32>
    %div3A_15 = arith.divf %exp3A, %div3A : vector<784x1792xf32>
    %get3A_16 = arith.constant 0 : index
    %get3A_17 = arith.constant 0 : index
    %get3A_18 = arith.constant 0 : index
    %get3A_19 = vector.load %arg4[%get3A_16, %get3A_17, %get3A_18] : memref<4x784x128xf32, #tpu.memory_space<vmem>>, vector<1x784x128xf32>
    %get3A_20 = vector.shape_cast %get3A_19 : vector<1x784x128xf32> to vector<784x128xf32>
    %slice3A_21 = vector.extract_strided_slice %div3A_15 {offsets = [0, 0], sizes = [784, 128], strides = [1, 1]} : vector<784x1792xf32> to vector<784x128xf32>
    %add3A = arith.addf %get3A_20, %slice3A_21 : vector<784x128xf32>
    %swap3A = arith.constant 0 : index
    %swap3A_22 = arith.constant 0 : index
    %swap3A_23 = arith.constant 0 : index
    %swap3A_24 = vector.load %arg4[%swap3A, %swap3A_22, %swap3A_23] : memref<4x784x128xf32, #tpu.memory_space<vmem>>, vector<1x784x128xf32>
    %swap3A_25 = vector.shape_cast %swap3A_24 : vector<1x784x128xf32> to vector<784x128xf32>
    %swap3A_26 = vector.shape_cast %add3A : vector<784x128xf32> to vector<1x784x128xf32>
    tpu.vector_store %arg4[%swap3A, %swap3A_22, %swap3A_23], %swap3A_26 {strides = array<i32>} : memref<4x784x128xf32, #tpu.memory_space<vmem>>, vector<1x784x128xf32>,
    %get3A_27 = arith.constant 0 : index
    %get3A_28 = arith.constant 0 : index
    %get3A_29 = arith.constant 0 : index
    %get3A_30 = vector.load %arg4[%get3A_27, %get3A_28, %get3A_29] : memref<4x784x128xf32, #tpu.memory_space<vmem>>, vector<1x784x128xf32>
    %get3A_31 = vector.shape_cast %get3A_30 : vector<1x784x128xf32> to vector<784x128xf32>
    %slice3A_32 = vector.extract_strided_slice %div3A_15 {offsets = [0, 128], sizes = [784, 128], strides = [1, 1]} : vector<784x1792xf32> to vector<784x128xf32>
    %add3A_33 = arith.addf %get3A_31, %slice3A_32 : vector<784x128xf32>
    %swap3A_34 = arith.constant 0 : index
    %swap3A_35 = arith.constant 0 : index
    %swap3A_36 = arith.constant 0 : index
    %swap3A_37 = vector.load %arg4[%swap3A_34, %swap3A_35, %swap3A_36] : memref<4x784x128xf32, #tpu.memory_space<vmem>>, vector<1x784x128xf32>
    %swap3A_38 = vector.shape_cast %swap3A_37 : vector<1x784x128xf32> to vector<784x128xf32>
    %swap3A_39 = vector.shape_cast %add3A_33 : vector<784x128xf32> to vector<1x784x128xf32>
    tpu.vector_store %arg4[%swap3A_34, %swap3A_35, %swap3A_36], %swap3A_39 {strides = array<i32>} : memref<4x784x128xf32, #tpu.memory_space<vmem>>, vector<1x784x128xf32>,
    %get3A_40 = arith.constant 0 : index
    %get3A_41 = arith.constant 0 : index
    %get3A_42 = arith.constant 0 : index
    %get3A_43 = vector.load %arg4[%get3A_40, %get3A_41, %get3A_42] : memref<4x784x128xf32, #tpu.memory_space<vmem>>, vector<1x784x128xf32>
    %get3A_44 = vector.shape_cast %get3A_43 : vector<1x784x128xf32> to vector<784x128xf32>
    %slice3A_45 = vector.extract_strided_slice %div3A_15 {offsets = [0, 256], sizes = [784, 128], strides = [1, 1]} : vector<784x1792xf32> to vector<784x128xf32>
    %add3A_46 = arith.addf %get3A_44, %slice3A_45 : vector<784x128xf32>
    %swap3A_47 = arith.constant 0 : index
    %swap3A_48 = arith.constant 0 : index
    %swap3A_49 = arith.constant 0 : index
    %swap3A_50 = vector.load %arg4[%swap3A_47, %swap3A_48, %swap3A_49] : memref<4x784x128xf32, #tpu.memory_space<vmem>>, vector<1x784x128xf32>
    %swap3A_51 = vector.shape_cast %swap3A_50 : vector<1x784x128xf32> to vector<784x128xf32>
    %swap3A_52 = vector.shape_cast %add3A_46 : vector<784x128xf32> to vector<1x784x128xf32>
    tpu.vector_store %arg4[%swap3A_47, %swap3A_48, %swap3A_49], %swap3A_52 {strides = array<i32>} : memref<4x784x128xf32, #tpu.memory_space<vmem>>, vector<1x784x128xf32>,
    %get3A_53 = arith.constant 0 : index
    %get3A_54 = arith.constant 0 : index
    %get3A_55 = arith.constant 0 : index
    %get3A_56 = vector.load %arg4[%get3A_53, %get3A_54, %get3A_55] : memref<4x784x128xf32, #tpu.memory_space<vmem>>, vector<1x784x128xf32>
    %get3A_57 = vector.shape_cast %get3A_56 : vector<1x784x128xf32> to vector<784x128xf32>
    %slice3A_58 = vector.extract_strided_slice %div3A_15 {offsets = [0, 384], sizes = [784, 128], strides = [1, 1]} : vector<784x1792xf32> to vector<784x128xf32>
    %add3A_59 = arith.addf %get3A_57, %slice3A_58 : vector<784x128xf32>
    %swap3A_60 = arith.constant 0 : index
    %swap3A_61 = arith.constant 0 : index
    %swap3A_62 = arith.constant 0 : index
    %swap3A_63 = vector.load %arg4[%swap3A_60, %swap3A_61, %swap3A_62] : memref<4x784x128xf32, #tpu.memory_space<vmem>>, vector<1x784x128xf32>
    %swap3A_64 = vector.shape_cast %swap3A_63 : vector<1x784x128xf32> to vector<784x128xf32>
    %swap3A_65 = vector.shape_cast %add3A_59 : vector<784x128xf32> to vector<1x784x128xf32>
    tpu.vector_store %arg4[%swap3A_60, %swap3A_61, %swap3A_62], %swap3A_65 {strides = array<i32>} : memref<4x784x128xf32, #tpu.memory_space<vmem>>, vector<1x784x128xf32>,
    %get3A_66 = arith.constant 0 : index
    %get3A_67 = arith.constant 0 : index
    %get3A_68 = arith.constant 0 : index
    %get3A_69 = vector.load %arg4[%get3A_66, %get3A_67, %get3A_68] : memref<4x784x128xf32, #tpu.memory_space<vmem>>, vector<1x784x128xf32>
    %get3A_70 = vector.shape_cast %get3A_69 : vector<1x784x128xf32> to vector<784x128xf32>
    %slice3A_71 = vector.extract_strided_slice %div3A_15 {offsets = [0, 512], sizes = [784, 128], strides = [1, 1]} : vector<784x1792xf32> to vector<784x128xf32>
    %add3A_72 = arith.addf %get3A_70, %slice3A_71 : vector<784x128xf32>
    %swap3A_73 = arith.constant 0 : index
    %swap3A_74 = arith.constant 0 : index
    %swap3A_75 = arith.constant 0 : index
    %swap3A_76 = vector.load %arg4[%swap3A_73, %swap3A_74, %swap3A_75] : memref<4x784x128xf32, #tpu.memory_space<vmem>>, vector<1x784x128xf32>
    %swap3A_77 = vector.shape_cast %swap3A_76 : vector<1x784x128xf32> to vector<784x128xf32>
    %swap3A_78 = vector.shape_cast %add3A_72 : vector<784x128xf32> to vector<1x784x128xf32>
    tpu.vector_store %arg4[%swap3A_73, %swap3A_74, %swap3A_75], %swap3A_78 {strides = array<i32>} : memref<4x784x128xf32, #tpu.memory_space<vmem>>, vector<1x784x128xf32>,
    %get3A_79 = arith.constant 0 : index
    %get3A_80 = arith.constant 0 : index
    %get3A_81 = arith.constant 0 : index
    %get3A_82 = vector.load %arg4[%get3A_79, %get3A_80, %get3A_81] : memref<4x784x128xf32, #tpu.memory_space<vmem>>, vector<1x784x128xf32>
    %get3A_83 = vector.shape_cast %get3A_82 : vector<1x784x128xf32> to vector<784x128xf32>
    %slice3A_84 = vector.extract_strided_slice %div3A_15 {offsets = [0, 640], sizes = [784, 128], strides = [1, 1]} : vector<784x1792xf32> to vector<784x128xf32>
    %add3A_85 = arith.addf %get3A_83, %slice3A_84 : vector<784x128xf32>
    %swap3A_86 = arith.constant 0 : index
    %swap3A_87 = arith.constant 0 : index
    %swap3A_88 = arith.constant 0 : index
    %swap3A_89 = vector.load %arg4[%swap3A_86, %swap3A_87, %swap3A_88] : memref<4x784x128xf32, #tpu.memory_space<vmem>>, vector<1x784x128xf32>
    %swap3A_90 = vector.shape_cast %swap3A_89 : vector<1x784x128xf32> to vector<784x128xf32>
    %swap3A_91 = vector.shape_cast %add3A_85 : vector<784x128xf32> to vector<1x784x128xf32>
    tpu.vector_store %arg4[%swap3A_86, %swap3A_87, %swap3A_88], %swap3A_91 {strides = array<i32>} : memref<4x784x128xf32, #tpu.memory_space<vmem>>, vector<1x784x128xf32>,
    %get3A_92 = arith.constant 0 : index
    %get3A_93 = arith.constant 0 : index
    %get3A_94 = arith.constant 0 : index
    %get3A_95 = vector.load %arg4[%get3A_92, %get3A_93, %get3A_94] : memref<4x784x128xf32, #tpu.memory_space<vmem>>, vector<1x784x128xf32>
    %get3A_96 = vector.shape_cast %get3A_95 : vector<1x784x128xf32> to vector<784x128xf32>
    %slice3A_97 = vector.extract_strided_slice %div3A_15 {offsets = [0, 768], sizes = [784, 128], strides = [1, 1]} : vector<784x1792xf32> to vector<784x128xf32>
    %add3A_98 = arith.addf %get3A_96, %slice3A_97 : vector<784x128xf32>
    %swap3A_99 = arith.constant 0 : index
    %swap3A_100 = arith.constant 0 : index
    %swap3A_101 = arith.constant 0 : index
    %swap3A_102 = vector.load %arg4[%swap3A_99, %swap3A_100, %swap3A_101] : memref<4x784x128xf32, #tpu.memory_space<vmem>>, vector<1x784x128xf32>
    %swap3A_103 = vector.shape_cast %swap3A_102 : vector<1x784x128xf32> to vector<784x128xf32>
    %swap3A_104 = vector.shape_cast %add3A_98 : vector<784x128xf32> to vector<1x784x128xf32>
    tpu.vector_store %arg4[%swap3A_99, %swap3A_100, %swap3A_101], %swap3A_104 {strides = array<i32>} : memref<4x784x128xf32, #tpu.memory_space<vmem>>, vector<1x784x128xf32>,
    %get3A_105 = arith.constant 0 : index
    %get3A_106 = arith.constant 0 : index
    %get3A_107 = arith.constant 0 : index
    %get3A_108 = vector.load %arg4[%get3A_105, %get3A_106, %get3A_107] : memref<4x784x128xf32, #tpu.memory_space<vmem>>, vector<1x784x128xf32>
    %get3A_109 = vector.shape_cast %get3A_108 : vector<1x784x128xf32> to vector<784x128xf32>
    %slice3A_110 = vector.extract_strided_slice %div3A_15 {offsets = [0, 896], sizes = [784, 128], strides = [1, 1]} : vector<784x1792xf32> to vector<784x128xf32>
    %add3A_111 = arith.addf %get3A_109, %slice3A_110 : vector<784x128xf32>
    %swap3A_112 = arith.constant 0 : index
    %swap3A_113 = arith.constant 0 : index
    %swap3A_114 = arith.constant 0 : index
    %swap3A_115 = vector.load %arg4[%swap3A_112, %swap3A_113, %swap3A_114] : memref<4x784x128xf32, #tpu.memory_space<vmem>>, vector<1x784x128xf32>
    %swap3A_116 = vector.shape_cast %swap3A_115 : vector<1x784x128xf32> to vector<784x128xf32>
    %swap3A_117 = vector.shape_cast %add3A_111 : vector<784x128xf32> to vector<1x784x128xf32>
    tpu.vector_store %arg4[%swap3A_112, %swap3A_113, %swap3A_114], %swap3A_117 {strides = array<i32>} : memref<4x784x128xf32, #tpu.memory_space<vmem>>, vector<1x784x128xf32>,
    %get3A_118 = arith.constant 0 : index
    %get3A_119 = arith.constant 0 : index
    %get3A_120 = arith.constant 0 : index
    %get3A_121 = vector.load %arg4[%get3A_118, %get3A_119, %get3A_120] : memref<4x784x128xf32, #tpu.memory_space<vmem>>, vector<1x784x128xf32>
    %get3A_122 = vector.shape_cast %get3A_121 : vector<1x784x128xf32> to vector<784x128xf32>
    %slice3A_123 = vector.extract_strided_slice %div3A_15 {offsets = [0, 1024], sizes = [784, 128], strides = [1, 1]} : vector<784x1792xf32> to vector<784x128xf32>
    %add3A_124 = arith.addf %get3A_122, %slice3A_123 : vector<784x128xf32>
    %swap3A_125 = arith.constant 0 : index
    %swap3A_126 = arith.constant 0 : index
    %swap3A_127 = arith.constant 0 : index
    %swap3A_128 = vector.load %arg4[%swap3A_125, %swap3A_126, %swap3A_127] : memref<4x784x128xf32, #tpu.memory_space<vmem>>, vector<1x784x128xf32>
    %swap3A_129 = vector.shape_cast %swap3A_128 : vector<1x784x128xf32> to vector<784x128xf32>
    %swap3A_130 = vector.shape_cast %add3A_124 : vector<784x128xf32> to vector<1x784x128xf32>
    tpu.vector_store %arg4[%swap3A_125, %swap3A_126, %swap3A_127], %swap3A_130 {strides = array<i32>} : memref<4x784x128xf32, #tpu.memory_space<vmem>>, vector<1x784x128xf32>,
    %get3A_131 = arith.constant 0 : index
    %get3A_132 = arith.constant 0 : index
    %get3A_133 = arith.constant 0 : index
    %get3A_134 = vector.load %arg4[%get3A_131, %get3A_132, %get3A_133] : memref<4x784x128xf32, #tpu.memory_space<vmem>>, vector<1x784x128xf32>
    %get3A_135 = vector.shape_cast %get3A_134 : vector<1x784x128xf32> to vector<784x128xf32>
    %slice3A_136 = vector.extract_strided_slice %div3A_15 {offsets = [0, 1152], sizes = [784, 128], strides = [1, 1]} : vector<784x1792xf32> to vector<784x128xf32>
    %add3A_137 = arith.addf %get3A_135, %slice3A_136 : vector<784x128xf32>
    %swap3A_138 = arith.constant 0 : index
    %swap3A_139 = arith.constant 0 : index
    %swap3A_140 = arith.constant 0 : index
    %swap3A_141 = vector.load %arg4[%swap3A_138, %swap3A_139, %swap3A_140] : memref<4x784x128xf32, #tpu.memory_space<vmem>>, vector<1x784x128xf32>
    %swap3A_142 = vector.shape_cast %swap3A_141 : vector<1x784x128xf32> to vector<784x128xf32>
    %swap3A_143 = vector.shape_cast %add3A_137 : vector<784x128xf32> to vector<1x784x128xf32>
    tpu.vector_store %arg4[%swap3A_138, %swap3A_139, %swap3A_140], %swap3A_143 {strides = array<i32>} : memref<4x784x128xf32, #tpu.memory_space<vmem>>, vector<1x784x128xf32>,
    %get3A_144 = arith.constant 0 : index
    %get3A_145 = arith.constant 0 : index
    %get3A_146 = arith.constant 0 : index
    %get3A_147 = vector.load %arg4[%get3A_144, %get3A_145, %get3A_146] : memref<4x784x128xf32, #tpu.memory_space<vmem>>, vector<1x784x128xf32>
    %get3A_148 = vector.shape_cast %get3A_147 : vector<1x784x128xf32> to vector<784x128xf32>
    %slice3A_149 = vector.extract_strided_slice %div3A_15 {offsets = [0, 1280], sizes = [784, 128], strides = [1, 1]} : vector<784x1792xf32> to vector<784x128xf32>
    %add3A_150 = arith.addf %get3A_148, %slice3A_149 : vector<784x128xf32>
    %swap3A_151 = arith.constant 0 : index
    %swap3A_152 = arith.constant 0 : index
    %swap3A_153 = arith.constant 0 : index
    %swap3A_154 = vector.load %arg4[%swap3A_151, %swap3A_152, %swap3A_153] : memref<4x784x128xf32, #tpu.memory_space<vmem>>, vector<1x784x128xf32>
    %swap3A_155 = vector.shape_cast %swap3A_154 : vector<1x784x128xf32> to vector<784x128xf32>
    %swap3A_156 = vector.shape_cast %add3A_150 : vector<784x128xf32> to vector<1x784x128xf32>
    tpu.vector_store %arg4[%swap3A_151, %swap3A_152, %swap3A_153], %swap3A_156 {strides = array<i32>} : memref<4x784x128xf32, #tpu.memory_space<vmem>>, vector<1x784x128xf32>,
    %get3A_157 = arith.constant 0 : index
    %get3A_158 = arith.constant 0 : index
    %get3A_159 = arith.constant 0 : index
    %get3A_160 = vector.load %arg4[%get3A_157, %get3A_158, %get3A_159] : memref<4x784x128xf32, #tpu.memory_space<vmem>>, vector<1x784x128xf32>
    %get3A_161 = vector.shape_cast %get3A_160 : vector<1x784x128xf32> to vector<784x128xf32>
    %slice3A_162 = vector.extract_strided_slice %div3A_15 {offsets = [0, 1408], sizes = [784, 128], strides = [1, 1]} : vector<784x1792xf32> to vector<784x128xf32>
    %add3A_163 = arith.addf %get3A_161, %slice3A_162 : vector<784x128xf32>
    %swap3A_164 = arith.constant 0 : index
    %swap3A_165 = arith.constant 0 : index
    %swap3A_166 = arith.constant 0 : index
    %swap3A_167 = vector.load %arg4[%swap3A_164, %swap3A_165, %swap3A_166] : memref<4x784x128xf32, #tpu.memory_space<vmem>>, vector<1x784x128xf32>
    %swap3A_168 = vector.shape_cast %swap3A_167 : vector<1x784x128xf32> to vector<784x128xf32>
    %swap3A_169 = vector.shape_cast %add3A_163 : vector<784x128xf32> to vector<1x784x128xf32>
    tpu.vector_store %arg4[%swap3A_164, %swap3A_165, %swap3A_166], %swap3A_169 {strides = array<i32>} : memref<4x784x128xf32, #tpu.memory_space<vmem>>, vector<1x784x128xf32>,
    %get3A_170 = arith.constant 0 : index
    %get3A_171 = arith.constant 0 : index
    %get3A_172 = arith.constant 0 : index
    %get3A_173 = vector.load %arg4[%get3A_170, %get3A_171, %get3A_172] : memref<4x784x128xf32, #tpu.memory_space<vmem>>, vector<1x784x128xf32>
    %get3A_174 = vector.shape_cast %get3A_173 : vector<1x784x128xf32> to vector<784x128xf32>
    %slice3A_175 = vector.extract_strided_slice %div3A_15 {offsets = [0, 1536], sizes = [784, 128], strides = [1, 1]} : vector<784x1792xf32> to vector<784x128xf32>
    %add3A_176 = arith.addf %get3A_174, %slice3A_175 : vector<784x128xf32>
    %swap3A_177 = arith.constant 0 : index
    %swap3A_178 = arith.constant 0 : index
    %swap3A_179 = arith.constant 0 : index
    %swap3A_180 = vector.load %arg4[%swap3A_177, %swap3A_178, %swap3A_179] : memref<4x784x128xf32, #tpu.memory_space<vmem>>, vector<1x784x128xf32>
    %swap3A_181 = vector.shape_cast %swap3A_180 : vector<1x784x128xf32> to vector<784x128xf32>
    %swap3A_182 = vector.shape_cast %add3A_176 : vector<784x128xf32> to vector<1x784x128xf32>
    tpu.vector_store %arg4[%swap3A_177, %swap3A_178, %swap3A_179], %swap3A_182 {strides = array<i32>} : memref<4x784x128xf32, #tpu.memory_space<vmem>>, vector<1x784x128xf32>,
    %get3A_183 = arith.constant 0 : index
    %get3A_184 = arith.constant 0 : index
    %get3A_185 = arith.constant 0 : index
    %get3A_186 = vector.load %arg4[%get3A_183, %get3A_184, %get3A_185] : memref<4x784x128xf32, #tpu.memory_space<vmem>>, vector<1x784x128xf32>
    %get3A_187 = vector.shape_cast %get3A_186 : vector<1x784x128xf32> to vector<784x128xf32>
    %slice3A_188 = vector.extract_strided_slice %div3A_15 {offsets = [0, 1664], sizes = [784, 128], strides = [1, 1]} : vector<784x1792xf32> to vector<784x128xf32>
    %add3A_189 = arith.addf %get3A_187, %slice3A_188 : vector<784x128xf32>
    %swap3A_190 = arith.constant 0 : index
    %swap3A_191 = arith.constant 0 : index
    %swap3A_192 = arith.constant 0 : index
    %swap3A_193 = vector.load %arg4[%swap3A_190, %swap3A_191, %swap3A_192] : memref<4x784x128xf32, #tpu.memory_space<vmem>>, vector<1x784x128xf32>
    %swap3A_194 = vector.shape_cast %swap3A_193 : vector<1x784x128xf32> to vector<784x128xf32>
    %swap3A_195 = vector.shape_cast %add3A_189 : vector<784x128xf32> to vector<1x784x128xf32>
    tpu.vector_store %arg4[%swap3A_190, %swap3A_191, %swap3A_192], %swap3A_195 {strides = array<i32>} : memref<4x784x128xf32, #tpu.memory_space<vmem>>, vector<1x784x128xf32>,
    %slice3A_196 = vector.extract_strided_slice %convert_element_type3A_4 {offsets = [96, 0], sizes = [96, 1792], strides = [1, 1]} : vector<384x1792xbf16> to vector<96x1792xbf16>
    %get3A_197 = arith.constant 96 : index
    %get3A_198 = arith.constant 0 : index
    %get3A_199 = vector.load %arg2[%get3A_197, %get3A_198] : memref<384x784xbf16, #tpu.memory_space<vmem>>, vector<96x784xbf16>
    %dot_general3A_200 = arith.constant dense<0.000000e+00> : vector<784x1792xf32>
    %dot_general3A_201 = tpu.matmul %get3A_199, %slice3A_196, %dot_general3A_200 {dimension_numbers = #tpu.dot_dimension_numbers<[0], [0], [1], [1], [0, 1, 1, 1], [], []>, transpose_lhs_hint = false} : vector<96x784xbf16>, vector<96x1792xbf16>, vector<784x1792xf32> -> vector<784x1792xf32>
    %mul3A_202 = arith.constant 0.102062076 : f32
    %mul3A_203 = vector.broadcast %mul3A_202 : f32 to vector<784x1792xf32>
    %mul3A_204 = arith.mulf %dot_general3A_201, %mul3A_203 : vector<784x1792xf32>
    %reduce_max3A_205 = arith.constant dense<0xFF800000> : vector<1792xf32>
    %reduce_max3A_206 = vector.multi_reduction <maximumf>, %mul3A_204, %reduce_max3A_205 [0] : vector<784x1792xf32> to vector<1792xf32>
    %broadcast_in_dim3A_207 = vector.shape_cast %reduce_max3A_206 : vector<1792xf32> to vector<1x1792xf32>
    %sub3A_208 = vector.broadcast %broadcast_in_dim3A_207 : vector<1x1792xf32> to vector<784x1792xf32>
    %sub3A_209 = arith.subf %mul3A_204, %sub3A_208 : vector<784x1792xf32>
    %exp3A_210 = math.exp %sub3A_209 : vector<784x1792xf32>
    %reduce_sum3A_211 = arith.constant dense<0.000000e+00> : vector<1792xf32>
    %reduce_sum3A_212 = vector.multi_reduction <add>, %exp3A_210, %reduce_sum3A_211 [0] : vector<784x1792xf32> to vector<1792xf32>
    %broadcast_in_dim3A_213 = vector.shape_cast %reduce_sum3A_212 : vector<1792xf32> to vector<1x1792xf32>
    %div3A_214 = vector.broadcast %broadcast_in_dim3A_213 : vector<1x1792xf32> to vector<784x1792xf32>
    %div3A_215 = arith.divf %exp3A_210, %div3A_214 : vector<784x1792xf32>
    %get3A_216 = arith.constant 1 : index
    %get3A_217 = arith.constant 0 : index
    %get3A_218 = arith.constant 0 : index
    %get3A_219 = vector.load %arg4[%get3A_216, %get3A_217, %get3A_218] : memref<4x784x128xf32, #tpu.memory_space<vmem>>, vector<1x784x128xf32>
    %get3A_220 = vector.shape_cast %get3A_219 : vector<1x784x128xf32> to vector<784x128xf32>
    %slice3A_221 = vector.extract_strided_slice %div3A_215 {offsets = [0, 0], sizes = [784, 128], strides = [1, 1]} : vector<784x1792xf32> to vector<784x128xf32>
    %add3A_222 = arith.addf %get3A_220, %slice3A_221 : vector<784x128xf32>
    %swap3A_223 = arith.constant 1 : index
    %swap3A_224 = arith.constant 0 : index
    %swap3A_225 = arith.constant 0 : index
    %swap3A_226 = vector.load %arg4[%swap3A_223, %swap3A_224, %swap3A_225] : memref<4x784x128xf32, #tpu.memory_space<vmem>>, vector<1x784x128xf32>
    %swap3A_227 = vector.shape_cast %swap3A_226 : vector<1x784x128xf32> to vector<784x128xf32>
    %swap3A_228 = vector.shape_cast %add3A_222 : vector<784x128xf32> to vector<1x784x128xf32>
    tpu.vector_store %arg4[%swap3A_223, %swap3A_224, %swap3A_225], %swap3A_228 {strides = array<i32>} : memref<4x784x128xf32, #tpu.memory_space<vmem>>, vector<1x784x128xf32>,
    %get3A_229 = arith.constant 1 : index
    %get3A_230 = arith.constant 0 : index
    %get3A_231 = arith.constant 0 : index
    %get3A_232 = vector.load %arg4[%get3A_229, %get3A_230, %get3A_231] : memref<4x784x128xf32, #tpu.memory_space<vmem>>, vector<1x784x128xf32>
    %get3A_233 = vector.shape_cast %get3A_232 : vector<1x784x128xf32> to vector<784x128xf32>
    %slice3A_234 = vector.extract_strided_slice %div3A_215 {offsets = [0, 128], sizes = [784, 128], strides = [1, 1]} : vector<784x1792xf32> to vector<784x128xf32>
    %add3A_235 = arith.addf %get3A_233, %slice3A_234 : vector<784x128xf32>
    %swap3A_236 = arith.constant 1 : index
    %swap3A_237 = arith.constant 0 : index
    %swap3A_238 = arith.constant 0 : index
    %swap3A_239 = vector.load %arg4[%swap3A_236, %swap3A_237, %swap3A_238] : memref<4x784x128xf32, #tpu.memory_space<vmem>>, vector<1x784x128xf32>
    %swap3A_240 = vector.shape_cast %swap3A_239 : vector<1x784x128xf32> to vector<784x128xf32>
    %swap3A_241 = vector.shape_cast %add3A_235 : vector<784x128xf32> to vector<1x784x128xf32>
    tpu.vector_store %arg4[%swap3A_236, %swap3A_237, %swap3A_238], %swap3A_241 {strides = array<i32>} : memref<4x784x128xf32, #tpu.memory_space<vmem>>, vector<1x784x128xf32>,
    %get3A_242 = arith.constant 1 : index
    %get3A_243 = arith.constant 0 : index
    %get3A_244 = arith.constant 0 : index
    %get3A_245 = vector.load %arg4[%get3A_242, %get3A_243, %get3A_244] : memref<4x784x128xf32, #tpu.memory_space<vmem>>, vector<1x784x128xf32>
    %get3A_246 = vector.shape_cast %get3A_245 : vector<1x784x128xf32> to vector<784x128xf32>
    %slice3A_247 = vector.extract_strided_slice %div3A_215 {offsets = [0, 256], sizes = [784, 128], strides = [1, 1]} : vector<784x1792xf32> to vector<784x128xf32>
    %add3A_248 = arith.addf %get3A_246, %slice3A_247 : vector<784x128xf32>
    %swap3A_249 = arith.constant 1 : index
    %swap3A_250 = arith.constant 0 : index
    %swap3A_251 = arith.constant 0 : index
    %swap3A_252 = vector.load %arg4[%swap3A_249, %swap3A_250, %swap3A_251] : memref<4x784x128xf32, #tpu.memory_space<vmem>>, vector<1x784x128xf32>
    %swap3A_253 = vector.shape_cast %swap3A_252 : vector<1x784x128xf32> to vector<784x128xf32>
    %swap3A_254 = vector.shape_cast %add3A_248 : vector<784x128xf32> to vector<1x784x128xf32>
    tpu.vector_store %arg4[%swap3A_249, %swap3A_250, %swap3A_251], %swap3A_254 {strides = array<i32>} : memref<4x784x128xf32, #tpu.memory_space<vmem>>, vector<1x784x128xf32>,
    %get3A_255 = arith.constant 1 : index
    %get3A_256 = arith.constant 0 : index
    %get3A_257 = arith.constant 0 : index
    %get3A_258 = vector.load %arg4[%get3A_255, %get3A_256, %get3A_257] : memref<4x784x128xf32, #tpu.memory_space<vmem>>, vector<1x784x128xf32>
    %get3A_259 = vector.shape_cast %get3A_258 : vector<1x784x128xf32> to vector<784x128xf32>
    %slice3A_260 = vector.extract_strided_slice %div3A_215 {offsets = [0, 384], sizes = [784, 128], strides = [1, 1]} : vector<784x1792xf32> to vector<784x128xf32>
    %add3A_261 = arith.addf %get3A_259, %slice3A_260 : vector<784x128xf32>
    %swap3A_262 = arith.constant 1 : index
    %swap3A_263 = arith.constant 0 : index
    %swap3A_264 = arith.constant 0 : index
    %swap3A_265 = vector.load %arg4[%swap3A_262, %swap3A_263, %swap3A_264] : memref<4x784x128xf32, #tpu.memory_space<vmem>>, vector<1x784x128xf32>
    %swap3A_266 = vector.shape_cast %swap3A_265 : vector<1x784x128xf32> to vector<784x128xf32>
    %swap3A_267 = vector.shape_cast %add3A_261 : vector<784x128xf32> to vector<1x784x128xf32>
    tpu.vector_store %arg4[%swap3A_262, %swap3A_263, %swap3A_264], %swap3A_267 {strides = array<i32>} : memref<4x784x128xf32, #tpu.memory_space<vmem>>, vector<1x784x128xf32>,
    %get3A_268 = arith.constant 1 : index
    %get3A_269 = arith.constant 0 : index
    %get3A_270 = arith.constant 0 : index
    %get3A_271 = vector.load %arg4[%get3A_268, %get3A_269, %get3A_270] : memref<4x784x128xf32, #tpu.memory_space<vmem>>, vector<1x784x128xf32>
    %get3A_272 = vector.shape_cast %get3A_271 : vector<1x784x128xf32> to vector<784x128xf32>
    %slice3A_273 = vector.extract_strided_slice %div3A_215 {offsets = [0, 512], sizes = [784, 128], strides = [1, 1]} : vector<784x1792xf32> to vector<784x128xf32>
    %add3A_274 = arith.addf %get3A_272, %slice3A_273 : vector<784x128xf32>
    %swap3A_275 = arith.constant 1 : index
    %swap3A_276 = arith.constant 0 : index
    %swap3A_277 = arith.constant 0 : index
    %swap3A_278 = vector.load %arg4[%swap3A_275, %swap3A_276, %swap3A_277] : memref<4x784x128xf32, #tpu.memory_space<vmem>>, vector<1x784x128xf32>
    %swap3A_279 = vector.shape_cast %swap3A_278 : vector<1x784x128xf32> to vector<784x128xf32>
    %swap3A_280 = vector.shape_cast %add3A_274 : vector<784x128xf32> to vector<1x784x128xf32>
    tpu.vector_store %arg4[%swap3A_275, %swap3A_276, %swap3A_277], %swap3A_280 {strides = array<i32>} : memref<4x784x128xf32, #tpu.memory_space<vmem>>, vector<1x784x128xf32>,
    %get3A_281 = arith.constant 1 : index
    %get3A_282 = arith.constant 0 : index
    %get3A_283 = arith.constant 0 : index
    %get3A_284 = vector.load %arg4[%get3A_281, %get3A_282, %get3A_283] : memref<4x784x128xf32, #tpu.memory_space<vmem>>, vector<1x784x128xf32>
    %get3A_285 = vector.shape_cast %get3A_284 : vector<1x784x128xf32> to vector<784x128xf32>
    %slice3A_286 = vector.extract_strided_slice %div3A_215 {offsets = [0, 640], sizes = [784, 128], strides = [1, 1]} : vector<784x1792xf32> to vector<784x128xf32>
    %add3A_287 = arith.addf %get3A_285, %slice3A_286 : vector<784x128xf32>
    %swap3A_288 = arith.constant 1 : index
    %swap3A_289 = arith.constant 0 : index
    %swap3A_290 = arith.constant 0 : index
    %swap3A_291 = vector.load %arg4[%swap3A_288, %swap3A_289, %swap3A_290] : memref<4x784x128xf32, #tpu.memory_space<vmem>>, vector<1x784x128xf32>
    %swap3A_292 = vector.shape_cast %swap3A_291 : vector<1x784x128xf32> to vector<784x128xf32>
    %swap3A_293 = vector.shape_cast %add3A_287 : vector<784x128xf32> to vector<1x784x128xf32>
    tpu.vector_store %arg4[%swap3A_288, %swap3A_289, %swap3A_290], %swap3A_293 {strides = array<i32>} : memref<4x784x128xf32, #tpu.memory_space<vmem>>, vector<1x784x128xf32>,
    %get3A_294 = arith.constant 1 : index
    %get3A_295 = arith.constant 0 : index
    %get3A_296 = arith.constant 0 : index
    %get3A_297 = vector.load %arg4[%get3A_294, %get3A_295, %get3A_296] : memref<4x784x128xf32, #tpu.memory_space<vmem>>, vector<1x784x128xf32>
    %get3A_298 = vector.shape_cast %get3A_297 : vector<1x784x128xf32> to vector<784x128xf32>
    %slice3A_299 = vector.extract_strided_slice %div3A_215 {offsets = [0, 768], sizes = [784, 128], strides = [1, 1]} : vector<784x1792xf32> to vector<784x128xf32>
    %add3A_300 = arith.addf %get3A_298, %slice3A_299 : vector<784x128xf32>
    %swap3A_301 = arith.constant 1 : index
    %swap3A_302 = arith.constant 0 : index
    %swap3A_303 = arith.constant 0 : index
    %swap3A_304 = vector.load %arg4[%swap3A_301, %swap3A_302, %swap3A_303] : memref<4x784x128xf32, #tpu.memory_space<vmem>>, vector<1x784x128xf32>
    %swap3A_305 = vector.shape_cast %swap3A_304 : vector<1x784x128xf32> to vector<784x128xf32>
    %swap3A_306 = vector.shape_cast %add3A_300 : vector<784x128xf32> to vector<1x784x128xf32>
    tpu.vector_store %arg4[%swap3A_301, %swap3A_302, %swap3A_303], %swap3A_306 {strides = array<i32>} : memref<4x784x128xf32, #tpu.memory_space<vmem>>, vector<1x784x128xf32>,
    %get3A_307 = arith.constant 1 : index
    %get3A_308 = arith.constant 0 : index
    %get3A_309 = arith.constant 0 : index
    %get3A_310 = vector.load %arg4[%get3A_307, %get3A_308, %get3A_309] : memref<4x784x128xf32, #tpu.memory_space<vmem>>, vector<1x784x128xf32>
    %get3A_311 = vector.shape_cast %get3A_310 : vector<1x784x128xf32> to vector<784x128xf32>
    %slice3A_312 = vector.extract_strided_slice %div3A_215 {offsets = [0, 896], sizes = [784, 128], strides = [1, 1]} : vector<784x1792xf32> to vector<784x128xf32>
    %add3A_313 = arith.addf %get3A_311, %slice3A_312 : vector<784x128xf32>
    %swap3A_314 = arith.constant 1 : index
    %swap3A_315 = arith.constant 0 : index
    %swap3A_316 = arith.constant 0 : index
    %swap3A_317 = vector.load %arg4[%swap3A_314, %swap3A_315, %swap3A_316] : memref<4x784x128xf32, #tpu.memory_space<vmem>>, vector<1x784x128xf32>
    %swap3A_318 = vector.shape_cast %swap3A_317 : vector<1x784x128xf32> to vector<784x128xf32>
    %swap3A_319 = vector.shape_cast %add3A_313 : vector<784x128xf32> to vector<1x784x128xf32>
    tpu.vector_store %arg4[%swap3A_314, %swap3A_315, %swap3A_316], %swap3A_319 {strides = array<i32>} : memref<4x784x128xf32, #tpu.memory_space<vmem>>, vector<1x784x128xf32>,
    %get3A_320 = arith.constant 1 : index
    %get3A_321 = arith.constant 0 : index
    %get3A_322 = arith.constant 0 : index
    %get3A_323 = vector.load %arg4[%get3A_320, %get3A_321, %get3A_322] : memref<4x784x128xf32, #tpu.memory_space<vmem>>, vector<1x784x128xf32>
    %get3A_324 = vector.shape_cast %get3A_323 : vector<1x784x128xf32> to vector<784x128xf32>
    %slice3A_325 = vector.extract_strided_slice %div3A_215 {offsets = [0, 1024], sizes = [784, 128], strides = [1, 1]} : vector<784x1792xf32> to vector<784x128xf32>
    %add3A_326 = arith.addf %get3A_324, %slice3A_325 : vector<784x128xf32>
    %swap3A_327 = arith.constant 1 : index
    %swap3A_328 = arith.constant 0 : index
    %swap3A_329 = arith.constant 0 : index
    %swap3A_330 = vector.load %arg4[%swap3A_327, %swap3A_328, %swap3A_329] : memref<4x784x128xf32, #tpu.memory_space<vmem>>, vector<1x784x128xf32>
    %swap3A_331 = vector.shape_cast %swap3A_330 : vector<1x784x128xf32> to vector<784x128xf32>
    %swap3A_332 = vector.shape_cast %add3A_326 : vector<784x128xf32> to vector<1x784x128xf32>
    tpu.vector_store %arg4[%swap3A_327, %swap3A_328, %swap3A_329], %swap3A_332 {strides = array<i32>} : memref<4x784x128xf32, #tpu.memory_space<vmem>>, vector<1x784x128xf32>,
    %get3A_333 = arith.constant 1 : index
    %get3A_334 = arith.constant 0 : index
    %get3A_335 = arith.constant 0 : index
    %get3A_336 = vector.load %arg4[%get3A_333, %get3A_334, %get3A_335] : memref<4x784x128xf32, #tpu.memory_space<vmem>>, vector<1x784x128xf32>
    %get3A_337 = vector.shape_cast %get3A_336 : vector<1x784x128xf32> to vector<784x128xf32>
    %slice3A_338 = vector.extract_strided_slice %div3A_215 {offsets = [0, 1152], sizes = [784, 128], strides = [1, 1]} : vector<784x1792xf32> to vector<784x128xf32>
    %add3A_339 = arith.addf %get3A_337, %slice3A_338 : vector<784x128xf32>
    %swap3A_340 = arith.constant 1 : index
    %swap3A_341 = arith.constant 0 : index
    %swap3A_342 = arith.constant 0 : index
    %swap3A_343 = vector.load %arg4[%swap3A_340, %swap3A_341, %swap3A_342] : memref<4x784x128xf32, #tpu.memory_space<vmem>>, vector<1x784x128xf32>
    %swap3A_344 = vector.shape_cast %swap3A_343 : vector<1x784x128xf32> to vector<784x128xf32>
    %swap3A_345 = vector.shape_cast %add3A_339 : vector<784x128xf32> to vector<1x784x128xf32>
    tpu.vector_store %arg4[%swap3A_340, %swap3A_341, %swap3A_342], %swap3A_345 {strides = array<i32>} : memref<4x784x128xf32, #tpu.memory_space<vmem>>, vector<1x784x128xf32>,
    %get3A_346 = arith.constant 1 : index
    %get3A_347 = arith.constant 0 : index
    %get3A_348 = arith.constant 0 : index
    %get3A_349 = vector.load %arg4[%get3A_346, %get3A_347, %get3A_348] : memref<4x784x128xf32, #tpu.memory_space<vmem>>, vector<1x784x128xf32>
    %get3A_350 = vector.shape_cast %get3A_349 : vector<1x784x128xf32> to vector<784x128xf32>
    %slice3A_351 = vector.extract_strided_slice %div3A_215 {offsets = [0, 1280], sizes = [784, 128], strides = [1, 1]} : vector<784x1792xf32> to vector<784x128xf32>
    %add3A_352 = arith.addf %get3A_350, %slice3A_351 : vector<784x128xf32>
    %swap3A_353 = arith.constant 1 : index
    %swap3A_354 = arith.constant 0 : index
    %swap3A_355 = arith.constant 0 : index
    %swap3A_356 = vector.load %arg4[%swap3A_353, %swap3A_354, %swap3A_355] : memref<4x784x128xf32, #tpu.memory_space<vmem>>, vector<1x784x128xf32>
    %swap3A_357 = vector.shape_cast %swap3A_356 : vector<1x784x128xf32> to vector<784x128xf32>
    %swap3A_358 = vector.shape_cast %add3A_352 : vector<784x128xf32> to vector<1x784x128xf32>
    tpu.vector_store %arg4[%swap3A_353, %swap3A_354, %swap3A_355], %swap3A_358 {strides = array<i32>} : memref<4x784x128xf32, #tpu.memory_space<vmem>>, vector<1x784x128xf32>,
    %get3A_359 = arith.constant 1 : index
    %get3A_360 = arith.constant 0 : index
    %get3A_361 = arith.constant 0 : index
    %get3A_362 = vector.load %arg4[%get3A_359, %get3A_360, %get3A_361] : memref<4x784x128xf32, #tpu.memory_space<vmem>>, vector<1x784x128xf32>
    %get3A_363 = vector.shape_cast %get3A_362 : vector<1x784x128xf32> to vector<784x128xf32>
    %slice3A_364 = vector.extract_strided_slice %div3A_215 {offsets = [0, 1408], sizes = [784, 128], strides = [1, 1]} : vector<784x1792xf32> to vector<784x128xf32>
    %add3A_365 = arith.addf %get3A_363, %slice3A_364 : vector<784x128xf32>
    %swap3A_366 = arith.constant 1 : index
    %swap3A_367 = arith.constant 0 : index
    %swap3A_368 = arith.constant 0 : index
    %swap3A_369 = vector.load %arg4[%swap3A_366, %swap3A_367, %swap3A_368] : memref<4x784x128xf32, #tpu.memory_space<vmem>>, vector<1x784x128xf32>
    %swap3A_370 = vector.shape_cast %swap3A_369 : vector<1x784x128xf32> to vector<784x128xf32>
    %swap3A_371 = vector.shape_cast %add3A_365 : vector<784x128xf32> to vector<1x784x128xf32>
    tpu.vector_store %arg4[%swap3A_366, %swap3A_367, %swap3A_368], %swap3A_371 {strides = array<i32>} : memref<4x784x128xf32, #tpu.memory_space<vmem>>, vector<1x784x128xf32>,
    %get3A_372 = arith.constant 1 : index
    %get3A_373 = arith.constant 0 : index
    %get3A_374 = arith.constant 0 : index
    %get3A_375 = vector.load %arg4[%get3A_372, %get3A_373, %get3A_374] : memref<4x784x128xf32, #tpu.memory_space<vmem>>, vector<1x784x128xf32>
    %get3A_376 = vector.shape_cast %get3A_375 : vector<1x784x128xf32> to vector<784x128xf32>
    %slice3A_377 = vector.extract_strided_slice %div3A_215 {offsets = [0, 1536], sizes = [784, 128], strides = [1, 1]} : vector<784x1792xf32> to vector<784x128xf32>
    %add3A_378 = arith.addf %get3A_376, %slice3A_377 : vector<784x128xf32>
    %swap3A_379 = arith.constant 1 : index
    %swap3A_380 = arith.constant 0 : index
    %swap3A_381 = arith.constant 0 : index
    %swap3A_382 = vector.load %arg4[%swap3A_379, %swap3A_380, %swap3A_381] : memref<4x784x128xf32, #tpu.memory_space<vmem>>, vector<1x784x128xf32>
    %swap3A_383 = vector.shape_cast %swap3A_382 : vector<1x784x128xf32> to vector<784x128xf32>
    %swap3A_384 = vector.shape_cast %add3A_378 : vector<784x128xf32> to vector<1x784x128xf32>
    tpu.vector_store %arg4[%swap3A_379, %swap3A_380, %swap3A_381], %swap3A_384 {strides = array<i32>} : memref<4x784x128xf32, #tpu.memory_space<vmem>>, vector<1x784x128xf32>,
    %get3A_385 = arith.constant 1 : index
    %get3A_386 = arith.constant 0 : index
    %get3A_387 = arith.constant 0 : index
    %get3A_388 = vector.load %arg4[%get3A_385, %get3A_386, %get3A_387] : memref<4x784x128xf32, #tpu.memory_space<vmem>>, vector<1x784x128xf32>
    %get3A_389 = vector.shape_cast %get3A_388 : vector<1x784x128xf32> to vector<784x128xf32>
    %slice3A_390 = vector.extract_strided_slice %div3A_215 {offsets = [0, 1664], sizes = [784, 128], strides = [1, 1]} : vector<784x1792xf32> to vector<784x128xf32>
    %add3A_391 = arith.addf %get3A_389, %slice3A_390 : vector<784x128xf32>
    %swap3A_392 = arith.constant 1 : index
    %swap3A_393 = arith.constant 0 : index
    %swap3A_394 = arith.constant 0 : index
    %swap3A_395 = vector.load %arg4[%swap3A_392, %swap3A_393, %swap3A_394] : memref<4x784x128xf32, #tpu.memory_space<vmem>>, vector<1x784x128xf32>
    %swap3A_396 = vector.shape_cast %swap3A_395 : vector<1x784x128xf32> to vector<784x128xf32>
    %swap3A_397 = vector.shape_cast %add3A_391 : vector<784x128xf32> to vector<1x784x128xf32>
    tpu.vector_store %arg4[%swap3A_392, %swap3A_393, %swap3A_394], %swap3A_397 {strides = array<i32>} : memref<4x784x128xf32, #tpu.memory_space<vmem>>, vector<1x784x128xf32>,
    %slice3A_398 = vector.extract_strided_slice %convert_element_type3A_4 {offsets = [192, 0], sizes = [96, 1792], strides = [1, 1]} : vector<384x1792xbf16> to vector<96x1792xbf16>
    %get3A_399 = arith.constant 192 : index
    %get3A_400 = arith.constant 0 : index
    %get3A_401 = vector.load %arg2[%get3A_399, %get3A_400] : memref<384x784xbf16, #tpu.memory_space<vmem>>, vector<96x784xbf16>
    %dot_general3A_402 = arith.constant dense<0.000000e+00> : vector<784x1792xf32>
    %dot_general3A_403 = tpu.matmul %get3A_401, %slice3A_398, %dot_general3A_402 {dimension_numbers = #tpu.dot_dimension_numbers<[0], [0], [1], [1], [0, 1, 1, 1], [], []>, transpose_lhs_hint = false} : vector<96x784xbf16>, vector<96x1792xbf16>, vector<784x1792xf32> -> vector<784x1792xf32>
    %mul3A_404 = arith.constant 0.102062076 : f32
    %mul3A_405 = vector.broadcast %mul3A_404 : f32 to vector<784x1792xf32>
    %mul3A_406 = arith.mulf %dot_general3A_403, %mul3A_405 : vector<784x1792xf32>
    %reduce_max3A_407 = arith.constant dense<0xFF800000> : vector<1792xf32>
    %reduce_max3A_408 = vector.multi_reduction <maximumf>, %mul3A_406, %reduce_max3A_407 [0] : vector<784x1792xf32> to vector<1792xf32>
    %broadcast_in_dim3A_409 = vector.shape_cast %reduce_max3A_408 : vector<1792xf32> to vector<1x1792xf32>
    %sub3A_410 = vector.broadcast %broadcast_in_dim3A_409 : vector<1x1792xf32> to vector<784x1792xf32>
    %sub3A_411 = arith.subf %mul3A_406, %sub3A_410 : vector<784x1792xf32>
    %exp3A_412 = math.exp %sub3A_411 : vector<784x1792xf32>
    %reduce_sum3A_413 = arith.constant dense<0.000000e+00> : vector<1792xf32>
    %reduce_sum3A_414 = vector.multi_reduction <add>, %exp3A_412, %reduce_sum3A_413 [0] : vector<784x1792xf32> to vector<1792xf32>
    %broadcast_in_dim3A_415 = vector.shape_cast %reduce_sum3A_414 : vector<1792xf32> to vector<1x1792xf32>
    %div3A_416 = vector.broadcast %broadcast_in_dim3A_415 : vector<1x1792xf32> to vector<784x1792xf32>
    %div3A_417 = arith.divf %exp3A_412, %div3A_416 : vector<784x1792xf32>
    %get3A_418 = arith.constant 2 : index
    %get3A_419 = arith.constant 0 : index
    %get3A_420 = arith.constant 0 : index
    %get3A_421 = vector.load %arg4[%get3A_418, %get3A_419, %get3A_420] : memref<4x784x128xf32, #tpu.memory_space<vmem>>, vector<1x784x128xf32>
    %get3A_422 = vector.shape_cast %get3A_421 : vector<1x784x128xf32> to vector<784x128xf32>
    %slice3A_423 = vector.extract_strided_slice %div3A_417 {offsets = [0, 0], sizes = [784, 128], strides = [1, 1]} : vector<784x1792xf32> to vector<784x128xf32>
    %add3A_424 = arith.addf %get3A_422, %slice3A_423 : vector<784x128xf32>
    %swap3A_425 = arith.constant 2 : index
    %swap3A_426 = arith.constant 0 : index
    %swap3A_427 = arith.constant 0 : index
    %swap3A_428 = vector.load %arg4[%swap3A_425, %swap3A_426, %swap3A_427] : memref<4x784x128xf32, #tpu.memory_space<vmem>>, vector<1x784x128xf32>
    %swap3A_429 = vector.shape_cast %swap3A_428 : vector<1x784x128xf32> to vector<784x128xf32>
    %swap3A_430 = vector.shape_cast %add3A_424 : vector<784x128xf32> to vector<1x784x128xf32>
    tpu.vector_store %arg4[%swap3A_425, %swap3A_426, %swap3A_427], %swap3A_430 {strides = array<i32>} : memref<4x784x128xf32, #tpu.memory_space<vmem>>, vector<1x784x128xf32>,
    %get3A_431 = arith.constant 2 : index
    %get3A_432 = arith.constant 0 : index
    %get3A_433 = arith.constant 0 : index
    %get3A_434 = vector.load %arg4[%get3A_431, %get3A_432, %get3A_433] : memref<4x784x128xf32, #tpu.memory_space<vmem>>, vector<1x784x128xf32>
    %get3A_435 = vector.shape_cast %get3A_434 : vector<1x784x128xf32> to vector<784x128xf32>
    %slice3A_436 = vector.extract_strided_slice %div3A_417 {offsets = [0, 128], sizes = [784, 128], strides = [1, 1]} : vector<784x1792xf32> to vector<784x128xf32>
    %add3A_437 = arith.addf %get3A_435, %slice3A_436 : vector<784x128xf32>
    %swap3A_438 = arith.constant 2 : index
    %swap3A_439 = arith.constant 0 : index
    %swap3A_440 = arith.constant 0 : index
    %swap3A_441 = vector.load %arg4[%swap3A_438, %swap3A_439, %swap3A_440] : memref<4x784x128xf32, #tpu.memory_space<vmem>>, vector<1x784x128xf32>
    %swap3A_442 = vector.shape_cast %swap3A_441 : vector<1x784x128xf32> to vector<784x128xf32>
    %swap3A_443 = vector.shape_cast %add3A_437 : vector<784x128xf32> to vector<1x784x128xf32>
    tpu.vector_store %arg4[%swap3A_438, %swap3A_439, %swap3A_440], %swap3A_443 {strides = array<i32>} : memref<4x784x128xf32, #tpu.memory_space<vmem>>, vector<1x784x128xf32>,
    %get3A_444 = arith.constant 2 : index
    %get3A_445 = arith.constant 0 : index
    %get3A_446 = arith.constant 0 : index
    %get3A_447 = vector.load %arg4[%get3A_444, %get3A_445, %get3A_446] : memref<4x784x128xf32, #tpu.memory_space<vmem>>, vector<1x784x128xf32>
    %get3A_448 = vector.shape_cast %get3A_447 : vector<1x784x128xf32> to vector<784x128xf32>
    %slice3A_449 = vector.extract_strided_slice %div3A_417 {offsets = [0, 256], sizes = [784, 128], strides = [1, 1]} : vector<784x1792xf32> to vector<784x128xf32>
    %add3A_450 = arith.addf %get3A_448, %slice3A_449 : vector<784x128xf32>
    %swap3A_451 = arith.constant 2 : index
    %swap3A_452 = arith.constant 0 : index
    %swap3A_453 = arith.constant 0 : index
    %swap3A_454 = vector.load %arg4[%swap3A_451, %swap3A_452, %swap3A_453] : memref<4x784x128xf32, #tpu.memory_space<vmem>>, vector<1x784x128xf32>
    %swap3A_455 = vector.shape_cast %swap3A_454 : vector<1x784x128xf32> to vector<784x128xf32>
    %swap3A_456 = vector.shape_cast %add3A_450 : vector<784x128xf32> to vector<1x784x128xf32>
    tpu.vector_store %arg4[%swap3A_451, %swap3A_452, %swap3A_453], %swap3A_456 {strides = array<i32>} : memref<4x784x128xf32, #tpu.memory_space<vmem>>, vector<1x784x128xf32>,
    %get3A_457 = arith.constant 2 : index
    %get3A_458 = arith.constant 0 : index
    %get3A_459 = arith.constant 0 : index
    %get3A_460 = vector.load %arg4[%get3A_457, %get3A_458, %get3A_459] : memref<4x784x128xf32, #tpu.memory_space<vmem>>, vector<1x784x128xf32>
    %get3A_461 = vector.shape_cast %get3A_460 : vector<1x784x128xf32> to vector<784x128xf32>
    %slice3A_462 = vector.extract_strided_slice %div3A_417 {offsets = [0, 384], sizes = [784, 128], strides = [1, 1]} : vector<784x1792xf32> to vector<784x128xf32>
    %add3A_463 = arith.addf %get3A_461, %slice3A_462 : vector<784x128xf32>
    %swap3A_464 = arith.constant 2 : index
    %swap3A_465 = arith.constant 0 : index
    %swap3A_466 = arith.constant 0 : index
    %swap3A_467 = vector.load %arg4[%swap3A_464, %swap3A_465, %swap3A_466] : memref<4x784x128xf32, #tpu.memory_space<vmem>>, vector<1x784x128xf32>
    %swap3A_468 = vector.shape_cast %swap3A_467 : vector<1x784x128xf32> to vector<784x128xf32>
    %swap3A_469 = vector.shape_cast %add3A_463 : vector<784x128xf32> to vector<1x784x128xf32>
    tpu.vector_store %arg4[%swap3A_464, %swap3A_465, %swap3A_466], %swap3A_469 {strides = array<i32>} : memref<4x784x128xf32, #tpu.memory_space<vmem>>, vector<1x784x128xf32>,
    %get3A_470 = arith.constant 2 : index
    %get3A_471 = arith.constant 0 : index
    %get3A_472 = arith.constant 0 : index
    %get3A_473 = vector.load %arg4[%get3A_470, %get3A_471, %get3A_472] : memref<4x784x128xf32, #tpu.memory_space<vmem>>, vector<1x784x128xf32>
    %get3A_474 = vector.shape_cast %get3A_473 : vector<1x784x128xf32> to vector<784x128xf32>
    %slice3A_475 = vector.extract_strided_slice %div3A_417 {offsets = [0, 512], sizes = [784, 128], strides = [1, 1]} : vector<784x1792xf32> to vector<784x128xf32>
    %add3A_476 = arith.addf %get3A_474, %slice3A_475 : vector<784x128xf32>
    %swap3A_477 = arith.constant 2 : index
    %swap3A_478 = arith.constant 0 : index
    %swap3A_479 = arith.constant 0 : index
    %swap3A_480 = vector.load %arg4[%swap3A_477, %swap3A_478, %swap3A_479] : memref<4x784x128xf32, #tpu.memory_space<vmem>>, vector<1x784x128xf32>
    %swap3A_481 = vector.shape_cast %swap3A_480 : vector<1x784x128xf32> to vector<784x128xf32>
    %swap3A_482 = vector.shape_cast %add3A_476 : vector<784x128xf32> to vector<1x784x128xf32>
    tpu.vector_store %arg4[%swap3A_477, %swap3A_478, %swap3A_479], %swap3A_482 {strides = array<i32>} : memref<4x784x128xf32, #tpu.memory_space<vmem>>, vector<1x784x128xf32>,
    %get3A_483 = arith.constant 2 : index
    %get3A_484 = arith.constant 0 : index
    %get3A_485 = arith.constant 0 : index
    %get3A_486 = vector.load %arg4[%get3A_483, %get3A_484, %get3A_485] : memref<4x784x128xf32, #tpu.memory_space<vmem>>, vector<1x784x128xf32>
    %get3A_487 = vector.shape_cast %get3A_486 : vector<1x784x128xf32> to vector<784x128xf32>
    %slice3A_488 = vector.extract_strided_slice %div3A_417 {offsets = [0, 640], sizes = [784, 128], strides = [1, 1]} : vector<784x1792xf32> to vector<784x128xf32>
    %add3A_489 = arith.addf %get3A_487, %slice3A_488 : vector<784x128xf32>
    %swap3A_490 = arith.constant 2 : index
    %swap3A_491 = arith.constant 0 : index
    %swap3A_492 = arith.constant 0 : index
    %swap3A_493 = vector.load %arg4[%swap3A_490, %swap3A_491, %swap3A_492] : memref<4x784x128xf32, #tpu.memory_space<vmem>>, vector<1x784x128xf32>
    %swap3A_494 = vector.shape_cast %swap3A_493 : vector<1x784x128xf32> to vector<784x128xf32>
    %swap3A_495 = vector.shape_cast %add3A_489 : vector<784x128xf32> to vector<1x784x128xf32>
    tpu.vector_store %arg4[%swap3A_490, %swap3A_491, %swap3A_492], %swap3A_495 {strides = array<i32>} : memref<4x784x128xf32, #tpu.memory_space<vmem>>, vector<1x784x128xf32>,
    %get3A_496 = arith.constant 2 : index
    %get3A_497 = arith.constant 0 : index
    %get3A_498 = arith.constant 0 : index
    %get3A_499 = vector.load %arg4[%get3A_496, %get3A_497, %get3A_498] : memref<4x784x128xf32, #tpu.memory_space<vmem>>, vector<1x784x128xf32>
    %get3A_500 = vector.shape_cast %get3A_499 : vector<1x784x128xf32> to vector<784x128xf32>
    %slice3A_501 = vector.extract_strided_slice %div3A_417 {offsets = [0, 768], sizes = [784, 128], strides = [1, 1]} : vector<784x1792xf32> to vector<784x128xf32>
    %add3A_502 = arith.addf %get3A_500, %slice3A_501 : vector<784x128xf32>
    %swap3A_503 = arith.constant 2 : index
    %swap3A_504 = arith.constant 0 : index
    %swap3A_505 = arith.constant 0 : index
    %swap3A_506 = vector.load %arg4[%swap3A_503, %swap3A_504, %swap3A_505] : memref<4x784x128xf32, #tpu.memory_space<vmem>>, vector<1x784x128xf32>
    %swap3A_507 = vector.shape_cast %swap3A_506 : vector<1x784x128xf32> to vector<784x128xf32>
    %swap3A_508 = vector.shape_cast %add3A_502 : vector<784x128xf32> to vector<1x784x128xf32>
    tpu.vector_store %arg4[%swap3A_503, %swap3A_504, %swap3A_505], %swap3A_508 {strides = array<i32>} : memref<4x784x128xf32, #tpu.memory_space<vmem>>, vector<1x784x128xf32>,
    %get3A_509 = arith.constant 2 : index
    %get3A_510 = arith.constant 0 : index
    %get3A_511 = arith.constant 0 : index
    %get3A_512 = vector.load %arg4[%get3A_509, %get3A_510, %get3A_511] : memref<4x784x128xf32, #tpu.memory_space<vmem>>, vector<1x784x128xf32>
    %get3A_513 = vector.shape_cast %get3A_512 : vector<1x784x128xf32> to vector<784x128xf32>
    %slice3A_514 = vector.extract_strided_slice %div3A_417 {offsets = [0, 896], sizes = [784, 128], strides = [1, 1]} : vector<784x1792xf32> to vector<784x128xf32>
    %add3A_515 = arith.addf %get3A_513, %slice3A_514 : vector<784x128xf32>
    %swap3A_516 = arith.constant 2 : index
    %swap3A_517 = arith.constant 0 : index
    %swap3A_518 = arith.constant 0 : index
    %swap3A_519 = vector.load %arg4[%swap3A_516, %swap3A_517, %swap3A_518] : memref<4x784x128xf32, #tpu.memory_space<vmem>>, vector<1x784x128xf32>
    %swap3A_520 = vector.shape_cast %swap3A_519 : vector<1x784x128xf32> to vector<784x128xf32>
    %swap3A_521 = vector.shape_cast %add3A_515 : vector<784x128xf32> to vector<1x784x128xf32>
    tpu.vector_store %arg4[%swap3A_516, %swap3A_517, %swap3A_518], %swap3A_521 {strides = array<i32>} : memref<4x784x128xf32, #tpu.memory_space<vmem>>, vector<1x784x128xf32>,
    %get3A_522 = arith.constant 2 : index
    %get3A_523 = arith.constant 0 : index
    %get3A_524 = arith.constant 0 : index
    %get3A_525 = vector.load %arg4[%get3A_522, %get3A_523, %get3A_524] : memref<4x784x128xf32, #tpu.memory_space<vmem>>, vector<1x784x128xf32>
    %get3A_526 = vector.shape_cast %get3A_525 : vector<1x784x128xf32> to vector<784x128xf32>
    %slice3A_527 = vector.extract_strided_slice %div3A_417 {offsets = [0, 1024], sizes = [784, 128], strides = [1, 1]} : vector<784x1792xf32> to vector<784x128xf32>
    %add3A_528 = arith.addf %get3A_526, %slice3A_527 : vector<784x128xf32>
    %swap3A_529 = arith.constant 2 : index
    %swap3A_530 = arith.constant 0 : index
    %swap3A_531 = arith.constant 0 : index
    %swap3A_532 = vector.load %arg4[%swap3A_529, %swap3A_530, %swap3A_531] : memref<4x784x128xf32, #tpu.memory_space<vmem>>, vector<1x784x128xf32>
    %swap3A_533 = vector.shape_cast %swap3A_532 : vector<1x784x128xf32> to vector<784x128xf32>
    %swap3A_534 = vector.shape_cast %add3A_528 : vector<784x128xf32> to vector<1x784x128xf32>
    tpu.vector_store %arg4[%swap3A_529, %swap3A_530, %swap3A_531], %swap3A_534 {strides = array<i32>} : memref<4x784x128xf32, #tpu.memory_space<vmem>>, vector<1x784x128xf32>,
    %get3A_535 = arith.constant 2 : index
    %get3A_536 = arith.constant 0 : index
    %get3A_537 = arith.constant 0 : index
    %get3A_538 = vector.load %arg4[%get3A_535, %get3A_536, %get3A_537] : memref<4x784x128xf32, #tpu.memory_space<vmem>>, vector<1x784x128xf32>
    %get3A_539 = vector.shape_cast %get3A_538 : vector<1x784x128xf32> to vector<784x128xf32>
    %slice3A_540 = vector.extract_strided_slice %div3A_417 {offsets = [0, 1152], sizes = [784, 128], strides = [1, 1]} : vector<784x1792xf32> to vector<784x128xf32>
    %add3A_541 = arith.addf %get3A_539, %slice3A_540 : vector<784x128xf32>
    %swap3A_542 = arith.constant 2 : index
    %swap3A_543 = arith.constant 0 : index
    %swap3A_544 = arith.constant 0 : index
    %swap3A_545 = vector.load %arg4[%swap3A_542, %swap3A_543, %swap3A_544] : memref<4x784x128xf32, #tpu.memory_space<vmem>>, vector<1x784x128xf32>
    %swap3A_546 = vector.shape_cast %swap3A_545 : vector<1x784x128xf32> to vector<784x128xf32>
    %swap3A_547 = vector.shape_cast %add3A_541 : vector<784x128xf32> to vector<1x784x128xf32>
    tpu.vector_store %arg4[%swap3A_542, %swap3A_543, %swap3A_544], %swap3A_547 {strides = array<i32>} : memref<4x784x128xf32, #tpu.memory_space<vmem>>, vector<1x784x128xf32>,
    %get3A_548 = arith.constant 2 : index
    %get3A_549 = arith.constant 0 : index
    %get3A_550 = arith.constant 0 : index
    %get3A_551 = vector.load %arg4[%get3A_548, %get3A_549, %get3A_550] : memref<4x784x128xf32, #tpu.memory_space<vmem>>, vector<1x784x128xf32>
    %get3A_552 = vector.shape_cast %get3A_551 : vector<1x784x128xf32> to vector<784x128xf32>
    %slice3A_553 = vector.extract_strided_slice %div3A_417 {offsets = [0, 1280], sizes = [784, 128], strides = [1, 1]} : vector<784x1792xf32> to vector<784x128xf32>
    %add3A_554 = arith.addf %get3A_552, %slice3A_553 : vector<784x128xf32>
    %swap3A_555 = arith.constant 2 : index
    %swap3A_556 = arith.constant 0 : index
    %swap3A_557 = arith.constant 0 : index
    %swap3A_558 = vector.load %arg4[%swap3A_555, %swap3A_556, %swap3A_557] : memref<4x784x128xf32, #tpu.memory_space<vmem>>, vector<1x784x128xf32>
    %swap3A_559 = vector.shape_cast %swap3A_558 : vector<1x784x128xf32> to vector<784x128xf32>
    %swap3A_560 = vector.shape_cast %add3A_554 : vector<784x128xf32> to vector<1x784x128xf32>
    tpu.vector_store %arg4[%swap3A_555, %swap3A_556, %swap3A_557], %swap3A_560 {strides = array<i32>} : memref<4x784x128xf32, #tpu.memory_space<vmem>>, vector<1x784x128xf32>,
    %get3A_561 = arith.constant 2 : index
    %get3A_562 = arith.constant 0 : index
    %get3A_563 = arith.constant 0 : index
    %get3A_564 = vector.load %arg4[%get3A_561, %get3A_562, %get3A_563] : memref<4x784x128xf32, #tpu.memory_space<vmem>>, vector<1x784x128xf32>
    %get3A_565 = vector.shape_cast %get3A_564 : vector<1x784x128xf32> to vector<784x128xf32>
    %slice3A_566 = vector.extract_strided_slice %div3A_417 {offsets = [0, 1408], sizes = [784, 128], strides = [1, 1]} : vector<784x1792xf32> to vector<784x128xf32>
    %add3A_567 = arith.addf %get3A_565, %slice3A_566 : vector<784x128xf32>
    %swap3A_568 = arith.constant 2 : index
    %swap3A_569 = arith.constant 0 : index
    %swap3A_570 = arith.constant 0 : index
    %swap3A_571 = vector.load %arg4[%swap3A_568, %swap3A_569, %swap3A_570] : memref<4x784x128xf32, #tpu.memory_space<vmem>>, vector<1x784x128xf32>
    %swap3A_572 = vector.shape_cast %swap3A_571 : vector<1x784x128xf32> to vector<784x128xf32>
    %swap3A_573 = vector.shape_cast %add3A_567 : vector<784x128xf32> to vector<1x784x128xf32>
    tpu.vector_store %arg4[%swap3A_568, %swap3A_569, %swap3A_570], %swap3A_573 {strides = array<i32>} : memref<4x784x128xf32, #tpu.memory_space<vmem>>, vector<1x784x128xf32>,
    %get3A_574 = arith.constant 2 : index
    %get3A_575 = arith.constant 0 : index
    %get3A_576 = arith.constant 0 : index
    %get3A_577 = vector.load %arg4[%get3A_574, %get3A_575, %get3A_576] : memref<4x784x128xf32, #tpu.memory_space<vmem>>, vector<1x784x128xf32>
    %get3A_578 = vector.shape_cast %get3A_577 : vector<1x784x128xf32> to vector<784x128xf32>
    %slice3A_579 = vector.extract_strided_slice %div3A_417 {offsets = [0, 1536], sizes = [784, 128], strides = [1, 1]} : vector<784x1792xf32> to vector<784x128xf32>
    %add3A_580 = arith.addf %get3A_578, %slice3A_579 : vector<784x128xf32>
    %swap3A_581 = arith.constant 2 : index
    %swap3A_582 = arith.constant 0 : index
    %swap3A_583 = arith.constant 0 : index
    %swap3A_584 = vector.load %arg4[%swap3A_581, %swap3A_582, %swap3A_583] : memref<4x784x128xf32, #tpu.memory_space<vmem>>, vector<1x784x128xf32>
    %swap3A_585 = vector.shape_cast %swap3A_584 : vector<1x784x128xf32> to vector<784x128xf32>
    %swap3A_586 = vector.shape_cast %add3A_580 : vector<784x128xf32> to vector<1x784x128xf32>
    tpu.vector_store %arg4[%swap3A_581, %swap3A_582, %swap3A_583], %swap3A_586 {strides = array<i32>} : memref<4x784x128xf32, #tpu.memory_space<vmem>>, vector<1x784x128xf32>,
    %get3A_587 = arith.constant 2 : index
    %get3A_588 = arith.constant 0 : index
    %get3A_589 = arith.constant 0 : index
    %get3A_590 = vector.load %arg4[%get3A_587, %get3A_588, %get3A_589] : memref<4x784x128xf32, #tpu.memory_space<vmem>>, vector<1x784x128xf32>
    %get3A_591 = vector.shape_cast %get3A_590 : vector<1x784x128xf32> to vector<784x128xf32>
    %slice3A_592 = vector.extract_strided_slice %div3A_417 {offsets = [0, 1664], sizes = [784, 128], strides = [1, 1]} : vector<784x1792xf32> to vector<784x128xf32>
    %add3A_593 = arith.addf %get3A_591, %slice3A_592 : vector<784x128xf32>
    %swap3A_594 = arith.constant 2 : index
    %swap3A_595 = arith.constant 0 : index
    %swap3A_596 = arith.constant 0 : index
    %swap3A_597 = vector.load %arg4[%swap3A_594, %swap3A_595, %swap3A_596] : memref<4x784x128xf32, #tpu.memory_space<vmem>>, vector<1x784x128xf32>
    %swap3A_598 = vector.shape_cast %swap3A_597 : vector<1x784x128xf32> to vector<784x128xf32>
    %swap3A_599 = vector.shape_cast %add3A_593 : vector<784x128xf32> to vector<1x784x128xf32>
    tpu.vector_store %arg4[%swap3A_594, %swap3A_595, %swap3A_596], %swap3A_599 {strides = array<i32>} : memref<4x784x128xf32, #tpu.memory_space<vmem>>, vector<1x784x128xf32>,
    %slice3A_600 = vector.extract_strided_slice %convert_element_type3A_4 {offsets = [288, 0], sizes = [96, 1792], strides = [1, 1]} : vector<384x1792xbf16> to vector<96x1792xbf16>
    %get3A_601 = arith.constant 288 : index
    %get3A_602 = arith.constant 0 : index
    %get3A_603 = vector.load %arg2[%get3A_601, %get3A_602] : memref<384x784xbf16, #tpu.memory_space<vmem>>, vector<96x784xbf16>
    %dot_general3A_604 = arith.constant dense<0.000000e+00> : vector<784x1792xf32>
    %dot_general3A_605 = tpu.matmul %get3A_603, %slice3A_600, %dot_general3A_604 {dimension_numbers = #tpu.dot_dimension_numbers<[0], [0], [1], [1], [0, 1, 1, 1], [], []>, transpose_lhs_hint = false} : vector<96x784xbf16>, vector<96x1792xbf16>, vector<784x1792xf32> -> vector<784x1792xf32>
    %mul3A_606 = arith.constant 0.102062076 : f32
    %mul3A_607 = vector.broadcast %mul3A_606 : f32 to vector<784x1792xf32>
    %mul3A_608 = arith.mulf %dot_general3A_605, %mul3A_607 : vector<784x1792xf32>
    %reduce_max3A_609 = arith.constant dense<0xFF800000> : vector<1792xf32>
    %reduce_max3A_610 = vector.multi_reduction <maximumf>, %mul3A_608, %reduce_max3A_609 [0] : vector<784x1792xf32> to vector<1792xf32>
    %broadcast_in_dim3A_611 = vector.shape_cast %reduce_max3A_610 : vector<1792xf32> to vector<1x1792xf32>
    %sub3A_612 = vector.broadcast %broadcast_in_dim3A_611 : vector<1x1792xf32> to vector<784x1792xf32>
    %sub3A_613 = arith.subf %mul3A_608, %sub3A_612 : vector<784x1792xf32>
    %exp3A_614 = math.exp %sub3A_613 : vector<784x1792xf32>
    %reduce_sum3A_615 = arith.constant dense<0.000000e+00> : vector<1792xf32>
    %reduce_sum3A_616 = vector.multi_reduction <add>, %exp3A_614, %reduce_sum3A_615 [0] : vector<784x1792xf32> to vector<1792xf32>
    %broadcast_in_dim3A_617 = vector.shape_cast %reduce_sum3A_616 : vector<1792xf32> to vector<1x1792xf32>
    %div3A_618 = vector.broadcast %broadcast_in_dim3A_617 : vector<1x1792xf32> to vector<784x1792xf32>
    %div3A_619 = arith.divf %exp3A_614, %div3A_618 : vector<784x1792xf32>
    %get3A_620 = arith.constant 3 : index
    %get3A_621 = arith.constant 0 : index
    %get3A_622 = arith.constant 0 : index
    %get3A_623 = vector.load %arg4[%get3A_620, %get3A_621, %get3A_622] : memref<4x784x128xf32, #tpu.memory_space<vmem>>, vector<1x784x128xf32>
    %get3A_624 = vector.shape_cast %get3A_623 : vector<1x784x128xf32> to vector<784x128xf32>
    %slice3A_625 = vector.extract_strided_slice %div3A_619 {offsets = [0, 0], sizes = [784, 128], strides = [1, 1]} : vector<784x1792xf32> to vector<784x128xf32>
    %add3A_626 = arith.addf %get3A_624, %slice3A_625 : vector<784x128xf32>
    %swap3A_627 = arith.constant 3 : index
    %swap3A_628 = arith.constant 0 : index
    %swap3A_629 = arith.constant 0 : index
    %swap3A_630 = vector.load %arg4[%swap3A_627, %swap3A_628, %swap3A_629] : memref<4x784x128xf32, #tpu.memory_space<vmem>>, vector<1x784x128xf32>
    %swap3A_631 = vector.shape_cast %swap3A_630 : vector<1x784x128xf32> to vector<784x128xf32>
    %swap3A_632 = vector.shape_cast %add3A_626 : vector<784x128xf32> to vector<1x784x128xf32>
    tpu.vector_store %arg4[%swap3A_627, %swap3A_628, %swap3A_629], %swap3A_632 {strides = array<i32>} : memref<4x784x128xf32, #tpu.memory_space<vmem>>, vector<1x784x128xf32>,
    %get3A_633 = arith.constant 3 : index
    %get3A_634 = arith.constant 0 : index
    %get3A_635 = arith.constant 0 : index
    %get3A_636 = vector.load %arg4[%get3A_633, %get3A_634, %get3A_635] : memref<4x784x128xf32, #tpu.memory_space<vmem>>, vector<1x784x128xf32>
    %get3A_637 = vector.shape_cast %get3A_636 : vector<1x784x128xf32> to vector<784x128xf32>
    %slice3A_638 = vector.extract_strided_slice %div3A_619 {offsets = [0, 128], sizes = [784, 128], strides = [1, 1]} : vector<784x1792xf32> to vector<784x128xf32>
    %add3A_639 = arith.addf %get3A_637, %slice3A_638 : vector<784x128xf32>
    %swap3A_640 = arith.constant 3 : index
    %swap3A_641 = arith.constant 0 : index
    %swap3A_642 = arith.constant 0 : index
    %swap3A_643 = vector.load %arg4[%swap3A_640, %swap3A_641, %swap3A_642] : memref<4x784x128xf32, #tpu.memory_space<vmem>>, vector<1x784x128xf32>
    %swap3A_644 = vector.shape_cast %swap3A_643 : vector<1x784x128xf32> to vector<784x128xf32>
    %swap3A_645 = vector.shape_cast %add3A_639 : vector<784x128xf32> to vector<1x784x128xf32>
    tpu.vector_store %arg4[%swap3A_640, %swap3A_641, %swap3A_642], %swap3A_645 {strides = array<i32>} : memref<4x784x128xf32, #tpu.memory_space<vmem>>, vector<1x784x128xf32>,
    %get3A_646 = arith.constant 3 : index
    %get3A_647 = arith.constant 0 : index
    %get3A_648 = arith.constant 0 : index
    %get3A_649 = vector.load %arg4[%get3A_646, %get3A_647, %get3A_648] : memref<4x784x128xf32, #tpu.memory_space<vmem>>, vector<1x784x128xf32>
    %get3A_650 = vector.shape_cast %get3A_649 : vector<1x784x128xf32> to vector<784x128xf32>
    %slice3A_651 = vector.extract_strided_slice %div3A_619 {offsets = [0, 256], sizes = [784, 128], strides = [1, 1]} : vector<784x1792xf32> to vector<784x128xf32>
    %add3A_652 = arith.addf %get3A_650, %slice3A_651 : vector<784x128xf32>
    %swap3A_653 = arith.constant 3 : index
    %swap3A_654 = arith.constant 0 : index
    %swap3A_655 = arith.constant 0 : index
    %swap3A_656 = vector.load %arg4[%swap3A_653, %swap3A_654, %swap3A_655] : memref<4x784x128xf32, #tpu.memory_space<vmem>>, vector<1x784x128xf32>
    %swap3A_657 = vector.shape_cast %swap3A_656 : vector<1x784x128xf32> to vector<784x128xf32>
    %swap3A_658 = vector.shape_cast %add3A_652 : vector<784x128xf32> to vector<1x784x128xf32>
    tpu.vector_store %arg4[%swap3A_653, %swap3A_654, %swap3A_655], %swap3A_658 {strides = array<i32>} : memref<4x784x128xf32, #tpu.memory_space<vmem>>, vector<1x784x128xf32>,
    %get3A_659 = arith.constant 3 : index
    %get3A_660 = arith.constant 0 : index
    %get3A_661 = arith.constant 0 : index
    %get3A_662 = vector.load %arg4[%get3A_659, %get3A_660, %get3A_661] : memref<4x784x128xf32, #tpu.memory_space<vmem>>, vector<1x784x128xf32>
    %get3A_663 = vector.shape_cast %get3A_662 : vector<1x784x128xf32> to vector<784x128xf32>
    %slice3A_664 = vector.extract_strided_slice %div3A_619 {offsets = [0, 384], sizes = [784, 128], strides = [1, 1]} : vector<784x1792xf32> to vector<784x128xf32>
    %add3A_665 = arith.addf %get3A_663, %slice3A_664 : vector<784x128xf32>
    %swap3A_666 = arith.constant 3 : index
    %swap3A_667 = arith.constant 0 : index
    %swap3A_668 = arith.constant 0 : index
    %swap3A_669 = vector.load %arg4[%swap3A_666, %swap3A_667, %swap3A_668] : memref<4x784x128xf32, #tpu.memory_space<vmem>>, vector<1x784x128xf32>
    %swap3A_670 = vector.shape_cast %swap3A_669 : vector<1x784x128xf32> to vector<784x128xf32>
    %swap3A_671 = vector.shape_cast %add3A_665 : vector<784x128xf32> to vector<1x784x128xf32>
    tpu.vector_store %arg4[%swap3A_666, %swap3A_667, %swap3A_668], %swap3A_671 {strides = array<i32>} : memref<4x784x128xf32, #tpu.memory_space<vmem>>, vector<1x784x128xf32>,
    %get3A_672 = arith.constant 3 : index
    %get3A_673 = arith.constant 0 : index
    %get3A_674 = arith.constant 0 : index
    %get3A_675 = vector.load %arg4[%get3A_672, %get3A_673, %get3A_674] : memref<4x784x128xf32, #tpu.memory_space<vmem>>, vector<1x784x128xf32>
    %get3A_676 = vector.shape_cast %get3A_675 : vector<1x784x128xf32> to vector<784x128xf32>
    %slice3A_677 = vector.extract_strided_slice %div3A_619 {offsets = [0, 512], sizes = [784, 128], strides = [1, 1]} : vector<784x1792xf32> to vector<784x128xf32>
    %add3A_678 = arith.addf %get3A_676, %slice3A_677 : vector<784x128xf32>
    %swap3A_679 = arith.constant 3 : index
    %swap3A_680 = arith.constant 0 : index
    %swap3A_681 = arith.constant 0 : index
    %swap3A_682 = vector.load %arg4[%swap3A_679, %swap3A_680, %swap3A_681] : memref<4x784x128xf32, #tpu.memory_space<vmem>>, vector<1x784x128xf32>
    %swap3A_683 = vector.shape_cast %swap3A_682 : vector<1x784x128xf32> to vector<784x128xf32>
    %swap3A_684 = vector.shape_cast %add3A_678 : vector<784x128xf32> to vector<1x784x128xf32>
    tpu.vector_store %arg4[%swap3A_679, %swap3A_680, %swap3A_681], %swap3A_684 {strides = array<i32>} : memref<4x784x128xf32, #tpu.memory_space<vmem>>, vector<1x784x128xf32>,
    %get3A_685 = arith.constant 3 : index
    %get3A_686 = arith.constant 0 : index
    %get3A_687 = arith.constant 0 : index
    %get3A_688 = vector.load %arg4[%get3A_685, %get3A_686, %get3A_687] : memref<4x784x128xf32, #tpu.memory_space<vmem>>, vector<1x784x128xf32>
    %get3A_689 = vector.shape_cast %get3A_688 : vector<1x784x128xf32> to vector<784x128xf32>
    %slice3A_690 = vector.extract_strided_slice %div3A_619 {offsets = [0, 640], sizes = [784, 128], strides = [1, 1]} : vector<784x1792xf32> to vector<784x128xf32>
    %add3A_691 = arith.addf %get3A_689, %slice3A_690 : vector<784x128xf32>
    %swap3A_692 = arith.constant 3 : index
    %swap3A_693 = arith.constant 0 : index
    %swap3A_694 = arith.constant 0 : index
    %swap3A_695 = vector.load %arg4[%swap3A_692, %swap3A_693, %swap3A_694] : memref<4x784x128xf32, #tpu.memory_space<vmem>>, vector<1x784x128xf32>
    %swap3A_696 = vector.shape_cast %swap3A_695 : vector<1x784x128xf32> to vector<784x128xf32>
    %swap3A_697 = vector.shape_cast %add3A_691 : vector<784x128xf32> to vector<1x784x128xf32>
    tpu.vector_store %arg4[%swap3A_692, %swap3A_693, %swap3A_694], %swap3A_697 {strides = array<i32>} : memref<4x784x128xf32, #tpu.memory_space<vmem>>, vector<1x784x128xf32>,
    %get3A_698 = arith.constant 3 : index
    %get3A_699 = arith.constant 0 : index
    %get3A_700 = arith.constant 0 : index
    %get3A_701 = vector.load %arg4[%get3A_698, %get3A_699, %get3A_700] : memref<4x784x128xf32, #tpu.memory_space<vmem>>, vector<1x784x128xf32>
    %get3A_702 = vector.shape_cast %get3A_701 : vector<1x784x128xf32> to vector<784x128xf32>
    %slice3A_703 = vector.extract_strided_slice %div3A_619 {offsets = [0, 768], sizes = [784, 128], strides = [1, 1]} : vector<784x1792xf32> to vector<784x128xf32>
    %add3A_704 = arith.addf %get3A_702, %slice3A_703 : vector<784x128xf32>
    %swap3A_705 = arith.constant 3 : index
    %swap3A_706 = arith.constant 0 : index
    %swap3A_707 = arith.constant 0 : index
    %swap3A_708 = vector.load %arg4[%swap3A_705, %swap3A_706, %swap3A_707] : memref<4x784x128xf32, #tpu.memory_space<vmem>>, vector<1x784x128xf32>
    %swap3A_709 = vector.shape_cast %swap3A_708 : vector<1x784x128xf32> to vector<784x128xf32>
    %swap3A_710 = vector.shape_cast %add3A_704 : vector<784x128xf32> to vector<1x784x128xf32>
    tpu.vector_store %arg4[%swap3A_705, %swap3A_706, %swap3A_707], %swap3A_710 {strides = array<i32>} : memref<4x784x128xf32, #tpu.memory_space<vmem>>, vector<1x784x128xf32>,
    %get3A_711 = arith.constant 3 : index
    %get3A_712 = arith.constant 0 : index
    %get3A_713 = arith.constant 0 : index
    %get3A_714 = vector.load %arg4[%get3A_711, %get3A_712, %get3A_713] : memref<4x784x128xf32, #tpu.memory_space<vmem>>, vector<1x784x128xf32>
    %get3A_715 = vector.shape_cast %get3A_714 : vector<1x784x128xf32> to vector<784x128xf32>
    %slice3A_716 = vector.extract_strided_slice %div3A_619 {offsets = [0, 896], sizes = [784, 128], strides = [1, 1]} : vector<784x1792xf32> to vector<784x128xf32>
    %add3A_717 = arith.addf %get3A_715, %slice3A_716 : vector<784x128xf32>
    %swap3A_718 = arith.constant 3 : index
    %swap3A_719 = arith.constant 0 : index
    %swap3A_720 = arith.constant 0 : index
    %swap3A_721 = vector.load %arg4[%swap3A_718, %swap3A_719, %swap3A_720] : memref<4x784x128xf32, #tpu.memory_space<vmem>>, vector<1x784x128xf32>
    %swap3A_722 = vector.shape_cast %swap3A_721 : vector<1x784x128xf32> to vector<784x128xf32>
    %swap3A_723 = vector.shape_cast %add3A_717 : vector<784x128xf32> to vector<1x784x128xf32>
    tpu.vector_store %arg4[%swap3A_718, %swap3A_719, %swap3A_720], %swap3A_723 {strides = array<i32>} : memref<4x784x128xf32, #tpu.memory_space<vmem>>, vector<1x784x128xf32>,
    %get3A_724 = arith.constant 3 : index
    %get3A_725 = arith.constant 0 : index
    %get3A_726 = arith.constant 0 : index
    %get3A_727 = vector.load %arg4[%get3A_724, %get3A_725, %get3A_726] : memref<4x784x128xf32, #tpu.memory_space<vmem>>, vector<1x784x128xf32>
    %get3A_728 = vector.shape_cast %get3A_727 : vector<1x784x128xf32> to vector<784x128xf32>
    %slice3A_729 = vector.extract_strided_slice %div3A_619 {offsets = [0, 1024], sizes = [784, 128], strides = [1, 1]} : vector<784x1792xf32> to vector<784x128xf32>
    %add3A_730 = arith.addf %get3A_728, %slice3A_729 : vector<784x128xf32>
    %swap3A_731 = arith.constant 3 : index
    %swap3A_732 = arith.constant 0 : index
    %swap3A_733 = arith.constant 0 : index
    %swap3A_734 = vector.load %arg4[%swap3A_731, %swap3A_732, %swap3A_733] : memref<4x784x128xf32, #tpu.memory_space<vmem>>, vector<1x784x128xf32>
    %swap3A_735 = vector.shape_cast %swap3A_734 : vector<1x784x128xf32> to vector<784x128xf32>
    %swap3A_736 = vector.shape_cast %add3A_730 : vector<784x128xf32> to vector<1x784x128xf32>
    tpu.vector_store %arg4[%swap3A_731, %swap3A_732, %swap3A_733], %swap3A_736 {strides = array<i32>} : memref<4x784x128xf32, #tpu.memory_space<vmem>>, vector<1x784x128xf32>,
    %get3A_737 = arith.constant 3 : index
    %get3A_738 = arith.constant 0 : index
    %get3A_739 = arith.constant 0 : index
    %get3A_740 = vector.load %arg4[%get3A_737, %get3A_738, %get3A_739] : memref<4x784x128xf32, #tpu.memory_space<vmem>>, vector<1x784x128xf32>
    %get3A_741 = vector.shape_cast %get3A_740 : vector<1x784x128xf32> to vector<784x128xf32>
    %slice3A_742 = vector.extract_strided_slice %div3A_619 {offsets = [0, 1152], sizes = [784, 128], strides = [1, 1]} : vector<784x1792xf32> to vector<784x128xf32>
    %add3A_743 = arith.addf %get3A_741, %slice3A_742 : vector<784x128xf32>
    %swap3A_744 = arith.constant 3 : index
    %swap3A_745 = arith.constant 0 : index
    %swap3A_746 = arith.constant 0 : index
    %swap3A_747 = vector.load %arg4[%swap3A_744, %swap3A_745, %swap3A_746] : memref<4x784x128xf32, #tpu.memory_space<vmem>>, vector<1x784x128xf32>
    %swap3A_748 = vector.shape_cast %swap3A_747 : vector<1x784x128xf32> to vector<784x128xf32>
    %swap3A_749 = vector.shape_cast %add3A_743 : vector<784x128xf32> to vector<1x784x128xf32>
    tpu.vector_store %arg4[%swap3A_744, %swap3A_745, %swap3A_746], %swap3A_749 {strides = array<i32>} : memref<4x784x128xf32, #tpu.memory_space<vmem>>, vector<1x784x128xf32>,
    %get3A_750 = arith.constant 3 : index
    %get3A_751 = arith.constant 0 : index
    %get3A_752 = arith.constant 0 : index
    %get3A_753 = vector.load %arg4[%get3A_750, %get3A_751, %get3A_752] : memref<4x784x128xf32, #tpu.memory_space<vmem>>, vector<1x784x128xf32>
    %get3A_754 = vector.shape_cast %get3A_753 : vector<1x784x128xf32> to vector<784x128xf32>
    %slice3A_755 = vector.extract_strided_slice %div3A_619 {offsets = [0, 1280], sizes = [784, 128], strides = [1, 1]} : vector<784x1792xf32> to vector<784x128xf32>
    %add3A_756 = arith.addf %get3A_754, %slice3A_755 : vector<784x128xf32>
    %swap3A_757 = arith.constant 3 : index
    %swap3A_758 = arith.constant 0 : index
    %swap3A_759 = arith.constant 0 : index
    %swap3A_760 = vector.load %arg4[%swap3A_757, %swap3A_758, %swap3A_759] : memref<4x784x128xf32, #tpu.memory_space<vmem>>, vector<1x784x128xf32>
    %swap3A_761 = vector.shape_cast %swap3A_760 : vector<1x784x128xf32> to vector<784x128xf32>
    %swap3A_762 = vector.shape_cast %add3A_756 : vector<784x128xf32> to vector<1x784x128xf32>
    tpu.vector_store %arg4[%swap3A_757, %swap3A_758, %swap3A_759], %swap3A_762 {strides = array<i32>} : memref<4x784x128xf32, #tpu.memory_space<vmem>>, vector<1x784x128xf32>,
    %get3A_763 = arith.constant 3 : index
    %get3A_764 = arith.constant 0 : index
    %get3A_765 = arith.constant 0 : index
    %get3A_766 = vector.load %arg4[%get3A_763, %get3A_764, %get3A_765] : memref<4x784x128xf32, #tpu.memory_space<vmem>>, vector<1x784x128xf32>
    %get3A_767 = vector.shape_cast %get3A_766 : vector<1x784x128xf32> to vector<784x128xf32>
    %slice3A_768 = vector.extract_strided_slice %div3A_619 {offsets = [0, 1408], sizes = [784, 128], strides = [1, 1]} : vector<784x1792xf32> to vector<784x128xf32>
    %add3A_769 = arith.addf %get3A_767, %slice3A_768 : vector<784x128xf32>
    %swap3A_770 = arith.constant 3 : index
    %swap3A_771 = arith.constant 0 : index
    %swap3A_772 = arith.constant 0 : index
    %swap3A_773 = vector.load %arg4[%swap3A_770, %swap3A_771, %swap3A_772] : memref<4x784x128xf32, #tpu.memory_space<vmem>>, vector<1x784x128xf32>
    %swap3A_774 = vector.shape_cast %swap3A_773 : vector<1x784x128xf32> to vector<784x128xf32>
    %swap3A_775 = vector.shape_cast %add3A_769 : vector<784x128xf32> to vector<1x784x128xf32>
    tpu.vector_store %arg4[%swap3A_770, %swap3A_771, %swap3A_772], %swap3A_775 {strides = array<i32>} : memref<4x784x128xf32, #tpu.memory_space<vmem>>, vector<1x784x128xf32>,
    %get3A_776 = arith.constant 3 : index
    %get3A_777 = arith.constant 0 : index
    %get3A_778 = arith.constant 0 : index
    %get3A_779 = vector.load %arg4[%get3A_776, %get3A_777, %get3A_778] : memref<4x784x128xf32, #tpu.memory_space<vmem>>, vector<1x784x128xf32>
    %get3A_780 = vector.shape_cast %get3A_779 : vector<1x784x128xf32> to vector<784x128xf32>
    %slice3A_781 = vector.extract_strided_slice %div3A_619 {offsets = [0, 1536], sizes = [784, 128], strides = [1, 1]} : vector<784x1792xf32> to vector<784x128xf32>
    %add3A_782 = arith.addf %get3A_780, %slice3A_781 : vector<784x128xf32>
    %swap3A_783 = arith.constant 3 : index
    %swap3A_784 = arith.constant 0 : index
    %swap3A_785 = arith.constant 0 : index
    %swap3A_786 = vector.load %arg4[%swap3A_783, %swap3A_784, %swap3A_785] : memref<4x784x128xf32, #tpu.memory_space<vmem>>, vector<1x784x128xf32>
    %swap3A_787 = vector.shape_cast %swap3A_786 : vector<1x784x128xf32> to vector<784x128xf32>
    %swap3A_788 = vector.shape_cast %add3A_782 : vector<784x128xf32> to vector<1x784x128xf32>
    tpu.vector_store %arg4[%swap3A_783, %swap3A_784, %swap3A_785], %swap3A_788 {strides = array<i32>} : memref<4x784x128xf32, #tpu.memory_space<vmem>>, vector<1x784x128xf32>,
    %get3A_789 = arith.constant 3 : index
    %get3A_790 = arith.constant 0 : index
    %get3A_791 = arith.constant 0 : index
    %get3A_792 = vector.load %arg4[%get3A_789, %get3A_790, %get3A_791] : memref<4x784x128xf32, #tpu.memory_space<vmem>>, vector<1x784x128xf32>
    %get3A_793 = vector.shape_cast %get3A_792 : vector<1x784x128xf32> to vector<784x128xf32>
    %slice3A_794 = vector.extract_strided_slice %div3A_619 {offsets = [0, 1664], sizes = [784, 128], strides = [1, 1]} : vector<784x1792xf32> to vector<784x128xf32>
    %add3A_795 = arith.addf %get3A_793, %slice3A_794 : vector<784x128xf32>
    %swap3A_796 = arith.constant 3 : index
    %swap3A_797 = arith.constant 0 : index
    %swap3A_798 = arith.constant 0 : index
    %swap3A_799 = vector.load %arg4[%swap3A_796, %swap3A_797, %swap3A_798] : memref<4x784x128xf32, #tpu.memory_space<vmem>>, vector<1x784x128xf32>
    %swap3A_800 = vector.shape_cast %swap3A_799 : vector<1x784x128xf32> to vector<784x128xf32>
    %swap3A_801 = vector.shape_cast %add3A_795 : vector<784x128xf32> to vector<1x784x128xf32>
    tpu.vector_store %arg4[%swap3A_796, %swap3A_797, %swap3A_798], %swap3A_801 {strides = array<i32>} : memref<4x784x128xf32, #tpu.memory_space<vmem>>, vector<1x784x128xf32>,
    %eq3A_802 = arith.constant 27 : i32
    %eq3A_803 = arith.cmpi eq, %arg0, %eq3A_802 : i32
    %convert_element_type3A_804 = arith.extui %eq3A_803 : i1 to i32
    %cond3A_805 = arith.constant 0 : i32
    %cond3A_806 = arith.cmpi ne, %convert_element_type3A_804, %cond3A_805 : i32
    scf.if %cond3A_806 {
      %get3A_807 = arith.constant 0 : index
      %get3A_808 = arith.constant 0 : index
      %get3A_809 = arith.constant 0 : index
      %get3A_810 = vector.load %arg4[%get3A_807, %get3A_808, %get3A_809] : memref<4x784x128xf32, #tpu.memory_space<vmem>>, vector<1x784x128xf32>
      %get3A_811 = vector.shape_cast %get3A_810 : vector<1x784x128xf32> to vector<784x128xf32>
      %reduce_sum3A_812 = arith.constant dense<0.000000e+00> : vector<784xf32>
      %reduce_sum3A_813 = vector.multi_reduction <add>, %get3A_811, %reduce_sum3A_812 [1] : vector<784x128xf32> to vector<784xf32>
      %broadcast_in_dim3A_814 = vector.shape_cast %reduce_sum3A_813 : vector<784xf32> to vector<784x1xf32>
      %swap3A_815 = arith.constant 0 : index
      %swap3A_816 = arith.constant 0 : index
      %swap3A_817 = arith.constant 0 : index
      %swap3A_818 = vector.load %arg3[%swap3A_815, %swap3A_816, %swap3A_817] : memref<4x784x1xf32, #tpu.memory_space<vmem>>, vector<1x784x1xf32>
      %swap3A_819 = vector.shape_cast %swap3A_818 : vector<1x784x1xf32> to vector<784x1xf32>
      %swap3A_820 = vector.shape_cast %broadcast_in_dim3A_814 : vector<784x1xf32> to vector<1x784x1xf32>
      tpu.vector_store %arg3[%swap3A_815, %swap3A_816, %swap3A_817], %swap3A_820 {strides = array<i32>} : memref<4x784x1xf32, #tpu.memory_space<vmem>>, vector<1x784x1xf32>,
      %get3A_821 = arith.constant 1 : index
      %get3A_822 = arith.constant 0 : index
      %get3A_823 = arith.constant 0 : index
      %get3A_824 = vector.load %arg4[%get3A_821, %get3A_822, %get3A_823] : memref<4x784x128xf32, #tpu.memory_space<vmem>>, vector<1x784x128xf32>
      %get3A_825 = vector.shape_cast %get3A_824 : vector<1x784x128xf32> to vector<784x128xf32>
      %reduce_sum3A_826 = arith.constant dense<0.000000e+00> : vector<784xf32>
      %reduce_sum3A_827 = vector.multi_reduction <add>, %get3A_825, %reduce_sum3A_826 [1] : vector<784x128xf32> to vector<784xf32>
      %broadcast_in_dim3A_828 = vector.shape_cast %reduce_sum3A_827 : vector<784xf32> to vector<784x1xf32>
      %swap3A_829 = arith.constant 1 : index
      %swap3A_830 = arith.constant 0 : index
      %swap3A_831 = arith.constant 0 : index
      %swap3A_832 = vector.load %arg3[%swap3A_829, %swap3A_830, %swap3A_831] : memref<4x784x1xf32, #tpu.memory_space<vmem>>, vector<1x784x1xf32>
      %swap3A_833 = vector.shape_cast %swap3A_832 : vector<1x784x1xf32> to vector<784x1xf32>
      %swap3A_834 = vector.shape_cast %broadcast_in_dim3A_828 : vector<784x1xf32> to vector<1x784x1xf32>
      tpu.vector_store %arg3[%swap3A_829, %swap3A_830, %swap3A_831], %swap3A_834 {strides = array<i32>} : memref<4x784x1xf32, #tpu.memory_space<vmem>>, vector<1x784x1xf32>,
      %get3A_835 = arith.constant 2 : index
      %get3A_836 = arith.constant 0 : index
      %get3A_837 = arith.constant 0 : index
      %get3A_838 = vector.load %arg4[%get3A_835, %get3A_836, %get3A_837] : memref<4x784x128xf32, #tpu.memory_space<vmem>>, vector<1x784x128xf32>
      %get3A_839 = vector.shape_cast %get3A_838 : vector<1x784x128xf32> to vector<784x128xf32>
      %reduce_sum3A_840 = arith.constant dense<0.000000e+00> : vector<784xf32>
      %reduce_sum3A_841 = vector.multi_reduction <add>, %get3A_839, %reduce_sum3A_840 [1] : vector<784x128xf32> to vector<784xf32>
      %broadcast_in_dim3A_842 = vector.shape_cast %reduce_sum3A_841 : vector<784xf32> to vector<784x1xf32>
      %swap3A_843 = arith.constant 2 : index
      %swap3A_844 = arith.constant 0 : index
      %swap3A_845 = arith.constant 0 : index
      %swap3A_846 = vector.load %arg3[%swap3A_843, %swap3A_844, %swap3A_845] : memref<4x784x1xf32, #tpu.memory_space<vmem>>, vector<1x784x1xf32>
      %swap3A_847 = vector.shape_cast %swap3A_846 : vector<1x784x1xf32> to vector<784x1xf32>
      %swap3A_848 = vector.shape_cast %broadcast_in_dim3A_842 : vector<784x1xf32> to vector<1x784x1xf32>
      tpu.vector_store %arg3[%swap3A_843, %swap3A_844, %swap3A_845], %swap3A_848 {strides = array<i32>} : memref<4x784x1xf32, #tpu.memory_space<vmem>>, vector<1x784x1xf32>,
      %get3A_849 = arith.constant 3 : index
      %get3A_850 = arith.constant 0 : index
      %get3A_851 = arith.constant 0 : index
      %get3A_852 = vector.load %arg4[%get3A_849, %get3A_850, %get3A_851] : memref<4x784x128xf32, #tpu.memory_space<vmem>>, vector<1x784x128xf32>
      %get3A_853 = vector.shape_cast %get3A_852 : vector<1x784x128xf32> to vector<784x128xf32>
      %reduce_sum3A_854 = arith.constant dense<0.000000e+00> : vector<784xf32>
      %reduce_sum3A_855 = vector.multi_reduction <add>, %get3A_853, %reduce_sum3A_854 [1] : vector<784x128xf32> to vector<784xf32>
      %broadcast_in_dim3A_856 = vector.shape_cast %reduce_sum3A_855 : vector<784xf32> to vector<784x1xf32>
      %swap3A_857 = arith.constant 3 : index
      %swap3A_858 = arith.constant 0 : index
      %swap3A_859 = arith.constant 0 : index
      %swap3A_860 = vector.load %arg3[%swap3A_857, %swap3A_858, %swap3A_859] : memref<4x784x1xf32, #tpu.memory_space<vmem>>, vector<1x784x1xf32>
      %swap3A_861 = vector.shape_cast %swap3A_860 : vector<1x784x1xf32> to vector<784x1xf32>
      %swap3A_862 = vector.shape_cast %broadcast_in_dim3A_856 : vector<784x1xf32> to vector<1x784x1xf32>
      tpu.vector_store %arg3[%swap3A_857, %swap3A_858, %swap3A_859], %swap3A_862 {strides = array<i32>} : memref<4x784x1xf32, #tpu.memory_space<vmem>>, vector<1x784x1xf32>,
    } else {
    }
    return
  }
  func.func @transform_0(%arg0: i32) -> (i32, i32) {
    %c0_i32 = arith.constant 0 : i32
    %c0_i32_0 = arith.constant 0 : i32
    return %c0_i32, %arg0 : i32, i32
  }
  func.func @transform_1(%arg0: i32) -> (i32, i32) {
    %c0_i32 = arith.constant 0 : i32
    %c0_i32_0 = arith.constant 0 : i32
    %c0_i32_1 = arith.constant 0 : i32
    return %c0_i32, %c0_i32_0 : i32, i32
  }
  func.func @transform_2(%arg0: i32) -> (i32, i32, i32) {
    %c0_i32 = arith.constant 0 : i32
    %c0_i32_0 = arith.constant 0 : i32
    %c0_i32_1 = arith.constant 0 : i32
    %c0_i32_2 = arith.constant 0 : i32
    return %c0_i32, %c0_i32_0, %c0_i32_1 : i32, i32, i32
  }
}

module attributes {stable_mosaic.version = 14 : i64} {
  func.func @_attn2_body(%arg0: i32, %arg1: memref<384x1792xf32, #tpu.memory_space<vmem>>, %arg2: memref<4x196x96xf32, #tpu.memory_space<vmem>>, %arg3: memref<4x196x96xf32, #tpu.memory_space<vmem>>, %arg4: memref<384x384xf32, #tpu.memory_space<vmem>>, %arg5: memref<384x1xf32, #tpu.memory_space<vmem>>, %arg6: memref<384x1792xf32, #tpu.memory_space<vmem>>) attributes {dimension_semantics = [#tpu.dimension_semantics<arbitrary>], iteration_bounds = array<i64: 28>, scalar_prefetch = 0 : i64, scratch_operands = 0 : i64, tpu.core_type = #tpu.core_type<tc>, window_params = [{transform_indices = @transform_0, window_bounds = array<i64: 384, 1792>}, {pipeline_mode = #tpu.pipeline_mode<synchronous>, transform_indices = @transform_1, window_bounds = array<i64: 4, 196, 96>}, {pipeline_mode = #tpu.pipeline_mode<synchronous>, transform_indices = @transform_2, window_bounds = array<i64: 4, 196, 96>}, {pipeline_mode = #tpu.pipeline_mode<synchronous>, transform_indices = @transform_3, window_bounds = array<i64: 384, 384>}, {pipeline_mode = #tpu.pipeline_mode<synchronous>, transform_indices = @transform_4, window_bounds = array<i64: 384, 1>}, {transform_indices = @transform_5, window_bounds = array<i64: 384, 1792>}]} {
    %get3A = arith.constant 0 : index
    %get3A_0 = arith.constant 0 : index
    %get3A_1 = vector.load %arg1[%get3A, %get3A_0] : memref<384x1792xf32, #tpu.memory_space<vmem>>, vector<384x1792xf32>
    %slice3A = vector.extract_strided_slice %get3A_1 {offsets = [0, 0], sizes = [96, 1792], strides = [1, 1]} : vector<384x1792xf32> to vector<96x1792xf32>
    %get3A_2 = arith.constant 0 : index
    %get3A_3 = arith.constant 0 : index
    %get3A_4 = arith.constant 0 : index
    %get3A_5 = vector.load %arg2[%get3A_2, %get3A_3, %get3A_4] : memref<4x196x96xf32, #tpu.memory_space<vmem>>, vector<1x196x96xf32>
    %get3A_6 = vector.shape_cast %get3A_5 : vector<1x196x96xf32> to vector<196x96xf32>
    %get3A_7 = arith.constant 0 : index
    %get3A_8 = arith.constant 0 : index
    %get3A_9 = arith.constant 0 : index
    %get3A_10 = vector.load %arg3[%get3A_7, %get3A_8, %get3A_9] : memref<4x196x96xf32, #tpu.memory_space<vmem>>, vector<1x196x96xf32>
    %get3A_11 = vector.shape_cast %get3A_10 : vector<1x196x96xf32> to vector<196x96xf32>
    %convert_element_type3A = arith.truncf %slice3A : vector<96x1792xf32> to vector<96x1792xbf16>
    %convert_element_type3A_12 = arith.truncf %get3A_6 : vector<196x96xf32> to vector<196x96xbf16>
    %dot_general3A = arith.constant dense<0.000000e+00> : vector<1792x196xf32>
    %dot_general3A_13 = tpu.matmul %convert_element_type3A, %convert_element_type3A_12, %dot_general3A {dimension_numbers = #tpu.dot_dimension_numbers<[0], [1], [1], [0], [0, 1, 1, 0], [], []>, transpose_lhs_hint = false} : vector<96x1792xbf16>, vector<196x96xbf16>, vector<1792x196xf32> -> vector<1792x196xf32>
    %mul3A = arith.constant 0.102062076 : f32
    %mul3A_14 = vector.broadcast %mul3A : f32 to vector<1792x196xf32>
    %mul3A_15 = arith.mulf %dot_general3A_13, %mul3A_14 : vector<1792x196xf32>
    %reduce_max3A = arith.constant dense<0xFF800000> : vector<1792xf32>
    %reduce_max3A_16 = vector.multi_reduction <maximumf>, %mul3A_15, %reduce_max3A [1] : vector<1792x196xf32> to vector<1792xf32>
    %broadcast_in_dim3A = vector.shape_cast %reduce_max3A_16 : vector<1792xf32> to vector<1792x1xf32>
    %sub3A = vector.broadcast %broadcast_in_dim3A : vector<1792x1xf32> to vector<1792x196xf32>
    %sub3A_17 = arith.subf %mul3A_15, %sub3A : vector<1792x196xf32>
    %exp3A = math.exp %sub3A_17 : vector<1792x196xf32>
    %reduce_sum3A = arith.constant dense<0.000000e+00> : vector<1792xf32>
    %reduce_sum3A_18 = vector.multi_reduction <add>, %exp3A, %reduce_sum3A [1] : vector<1792x196xf32> to vector<1792xf32>
    %broadcast_in_dim3A_19 = vector.shape_cast %reduce_sum3A_18 : vector<1792xf32> to vector<1792x1xf32>
    %div3A = vector.broadcast %broadcast_in_dim3A_19 : vector<1792x1xf32> to vector<1792x196xf32>
    %div3A_20 = arith.divf %exp3A, %div3A : vector<1792x196xf32>
    %convert_element_type3A_21 = arith.truncf %div3A_20 : vector<1792x196xf32> to vector<1792x196xbf16>
    %convert_element_type3A_22 = arith.truncf %get3A_11 : vector<196x96xf32> to vector<196x96xbf16>
    %dot_general3A_23 = arith.constant dense<0.000000e+00> : vector<1792x96xf32>
    %dot_general3A_24 = tpu.matmul %convert_element_type3A_21, %convert_element_type3A_22, %dot_general3A_23 {dimension_numbers = #tpu.dot_dimension_numbers<[1], [0], [0], [1], [0, 0, 1, 1], [], []>, transpose_lhs_hint = false} : vector<1792x196xbf16>, vector<196x96xbf16>, vector<1792x96xf32> -> vector<1792x96xf32>
    %get3A_25 = arith.constant 0 : index
    %get3A_26 = arith.constant 0 : index
    %get3A_27 = vector.load %arg4[%get3A_25, %get3A_26] : memref<384x384xf32, #tpu.memory_space<vmem>>, vector<384x96xf32>
    %convert_element_type3A_28 = arith.truncf %get3A_27 : vector<384x96xf32> to vector<384x96xbf16>
    %convert_element_type3A_29 = arith.truncf %dot_general3A_24 : vector<1792x96xf32> to vector<1792x96xbf16>
    %dot_general3A_30 = arith.constant dense<0.000000e+00> : vector<384x1792xf32>
    %dot_general3A_31 = tpu.matmul %convert_element_type3A_28, %convert_element_type3A_29, %dot_general3A_30 {dimension_numbers = #tpu.dot_dimension_numbers<[1], [1], [0], [0], [0, 0, 1, 0], [], []>, transpose_lhs_hint = false} : vector<384x96xbf16>, vector<1792x96xbf16>, vector<384x1792xf32> -> vector<384x1792xf32>
    %slice3A_32 = vector.extract_strided_slice %get3A_1 {offsets = [96, 0], sizes = [96, 1792], strides = [1, 1]} : vector<384x1792xf32> to vector<96x1792xf32>
    %get3A_33 = arith.constant 1 : index
    %get3A_34 = arith.constant 0 : index
    %get3A_35 = arith.constant 0 : index
    %get3A_36 = vector.load %arg2[%get3A_33, %get3A_34, %get3A_35] : memref<4x196x96xf32, #tpu.memory_space<vmem>>, vector<1x196x96xf32>
    %get3A_37 = vector.shape_cast %get3A_36 : vector<1x196x96xf32> to vector<196x96xf32>
    %get3A_38 = arith.constant 1 : index
    %get3A_39 = arith.constant 0 : index
    %get3A_40 = arith.constant 0 : index
    %get3A_41 = vector.load %arg3[%get3A_38, %get3A_39, %get3A_40] : memref<4x196x96xf32, #tpu.memory_space<vmem>>, vector<1x196x96xf32>
    %get3A_42 = vector.shape_cast %get3A_41 : vector<1x196x96xf32> to vector<196x96xf32>
    %convert_element_type3A_43 = arith.truncf %slice3A_32 : vector<96x1792xf32> to vector<96x1792xbf16>
    %convert_element_type3A_44 = arith.truncf %get3A_37 : vector<196x96xf32> to vector<196x96xbf16>
    %dot_general3A_45 = arith.constant dense<0.000000e+00> : vector<1792x196xf32>
    %dot_general3A_46 = tpu.matmul %convert_element_type3A_43, %convert_element_type3A_44, %dot_general3A_45 {dimension_numbers = #tpu.dot_dimension_numbers<[0], [1], [1], [0], [0, 1, 1, 0], [], []>, transpose_lhs_hint = false} : vector<96x1792xbf16>, vector<196x96xbf16>, vector<1792x196xf32> -> vector<1792x196xf32>
    %mul3A_47 = arith.constant 0.102062076 : f32
    %mul3A_48 = vector.broadcast %mul3A_47 : f32 to vector<1792x196xf32>
    %mul3A_49 = arith.mulf %dot_general3A_46, %mul3A_48 : vector<1792x196xf32>
    %reduce_max3A_50 = arith.constant dense<0xFF800000> : vector<1792xf32>
    %reduce_max3A_51 = vector.multi_reduction <maximumf>, %mul3A_49, %reduce_max3A_50 [1] : vector<1792x196xf32> to vector<1792xf32>
    %broadcast_in_dim3A_52 = vector.shape_cast %reduce_max3A_51 : vector<1792xf32> to vector<1792x1xf32>
    %sub3A_53 = vector.broadcast %broadcast_in_dim3A_52 : vector<1792x1xf32> to vector<1792x196xf32>
    %sub3A_54 = arith.subf %mul3A_49, %sub3A_53 : vector<1792x196xf32>
    %exp3A_55 = math.exp %sub3A_54 : vector<1792x196xf32>
    %reduce_sum3A_56 = arith.constant dense<0.000000e+00> : vector<1792xf32>
    %reduce_sum3A_57 = vector.multi_reduction <add>, %exp3A_55, %reduce_sum3A_56 [1] : vector<1792x196xf32> to vector<1792xf32>
    %broadcast_in_dim3A_58 = vector.shape_cast %reduce_sum3A_57 : vector<1792xf32> to vector<1792x1xf32>
    %div3A_59 = vector.broadcast %broadcast_in_dim3A_58 : vector<1792x1xf32> to vector<1792x196xf32>
    %div3A_60 = arith.divf %exp3A_55, %div3A_59 : vector<1792x196xf32>
    %convert_element_type3A_61 = arith.truncf %div3A_60 : vector<1792x196xf32> to vector<1792x196xbf16>
    %convert_element_type3A_62 = arith.truncf %get3A_42 : vector<196x96xf32> to vector<196x96xbf16>
    %dot_general3A_63 = arith.constant dense<0.000000e+00> : vector<1792x96xf32>
    %dot_general3A_64 = tpu.matmul %convert_element_type3A_61, %convert_element_type3A_62, %dot_general3A_63 {dimension_numbers = #tpu.dot_dimension_numbers<[1], [0], [0], [1], [0, 0, 1, 1], [], []>, transpose_lhs_hint = false} : vector<1792x196xbf16>, vector<196x96xbf16>, vector<1792x96xf32> -> vector<1792x96xf32>
    %get3A_65 = arith.constant 0 : index
    %get3A_66 = arith.constant 96 : index
    %get3A_67 = vector.load %arg4[%get3A_65, %get3A_66] : memref<384x384xf32, #tpu.memory_space<vmem>>, vector<384x96xf32>
    %convert_element_type3A_68 = arith.truncf %get3A_67 : vector<384x96xf32> to vector<384x96xbf16>
    %convert_element_type3A_69 = arith.truncf %dot_general3A_64 : vector<1792x96xf32> to vector<1792x96xbf16>
    %dot_general3A_70 = arith.constant dense<0.000000e+00> : vector<384x1792xf32>
    %dot_general3A_71 = tpu.matmul %convert_element_type3A_68, %convert_element_type3A_69, %dot_general3A_70 {dimension_numbers = #tpu.dot_dimension_numbers<[1], [1], [0], [0], [0, 0, 1, 0], [], []>, transpose_lhs_hint = false} : vector<384x96xbf16>, vector<1792x96xbf16>, vector<384x1792xf32> -> vector<384x1792xf32>
    %add3A = arith.addf %dot_general3A_31, %dot_general3A_71 : vector<384x1792xf32>
    %slice3A_72 = vector.extract_strided_slice %get3A_1 {offsets = [192, 0], sizes = [96, 1792], strides = [1, 1]} : vector<384x1792xf32> to vector<96x1792xf32>
    %get3A_73 = arith.constant 2 : index
    %get3A_74 = arith.constant 0 : index
    %get3A_75 = arith.constant 0 : index
    %get3A_76 = vector.load %arg2[%get3A_73, %get3A_74, %get3A_75] : memref<4x196x96xf32, #tpu.memory_space<vmem>>, vector<1x196x96xf32>
    %get3A_77 = vector.shape_cast %get3A_76 : vector<1x196x96xf32> to vector<196x96xf32>
    %get3A_78 = arith.constant 2 : index
    %get3A_79 = arith.constant 0 : index
    %get3A_80 = arith.constant 0 : index
    %get3A_81 = vector.load %arg3[%get3A_78, %get3A_79, %get3A_80] : memref<4x196x96xf32, #tpu.memory_space<vmem>>, vector<1x196x96xf32>
    %get3A_82 = vector.shape_cast %get3A_81 : vector<1x196x96xf32> to vector<196x96xf32>
    %convert_element_type3A_83 = arith.truncf %slice3A_72 : vector<96x1792xf32> to vector<96x1792xbf16>
    %convert_element_type3A_84 = arith.truncf %get3A_77 : vector<196x96xf32> to vector<196x96xbf16>
    %dot_general3A_85 = arith.constant dense<0.000000e+00> : vector<1792x196xf32>
    %dot_general3A_86 = tpu.matmul %convert_element_type3A_83, %convert_element_type3A_84, %dot_general3A_85 {dimension_numbers = #tpu.dot_dimension_numbers<[0], [1], [1], [0], [0, 1, 1, 0], [], []>, transpose_lhs_hint = false} : vector<96x1792xbf16>, vector<196x96xbf16>, vector<1792x196xf32> -> vector<1792x196xf32>
    %mul3A_87 = arith.constant 0.102062076 : f32
    %mul3A_88 = vector.broadcast %mul3A_87 : f32 to vector<1792x196xf32>
    %mul3A_89 = arith.mulf %dot_general3A_86, %mul3A_88 : vector<1792x196xf32>
    %reduce_max3A_90 = arith.constant dense<0xFF800000> : vector<1792xf32>
    %reduce_max3A_91 = vector.multi_reduction <maximumf>, %mul3A_89, %reduce_max3A_90 [1] : vector<1792x196xf32> to vector<1792xf32>
    %broadcast_in_dim3A_92 = vector.shape_cast %reduce_max3A_91 : vector<1792xf32> to vector<1792x1xf32>
    %sub3A_93 = vector.broadcast %broadcast_in_dim3A_92 : vector<1792x1xf32> to vector<1792x196xf32>
    %sub3A_94 = arith.subf %mul3A_89, %sub3A_93 : vector<1792x196xf32>
    %exp3A_95 = math.exp %sub3A_94 : vector<1792x196xf32>
    %reduce_sum3A_96 = arith.constant dense<0.000000e+00> : vector<1792xf32>
    %reduce_sum3A_97 = vector.multi_reduction <add>, %exp3A_95, %reduce_sum3A_96 [1] : vector<1792x196xf32> to vector<1792xf32>
    %broadcast_in_dim3A_98 = vector.shape_cast %reduce_sum3A_97 : vector<1792xf32> to vector<1792x1xf32>
    %div3A_99 = vector.broadcast %broadcast_in_dim3A_98 : vector<1792x1xf32> to vector<1792x196xf32>
    %div3A_100 = arith.divf %exp3A_95, %div3A_99 : vector<1792x196xf32>
    %convert_element_type3A_101 = arith.truncf %div3A_100 : vector<1792x196xf32> to vector<1792x196xbf16>
    %convert_element_type3A_102 = arith.truncf %get3A_82 : vector<196x96xf32> to vector<196x96xbf16>
    %dot_general3A_103 = arith.constant dense<0.000000e+00> : vector<1792x96xf32>
    %dot_general3A_104 = tpu.matmul %convert_element_type3A_101, %convert_element_type3A_102, %dot_general3A_103 {dimension_numbers = #tpu.dot_dimension_numbers<[1], [0], [0], [1], [0, 0, 1, 1], [], []>, transpose_lhs_hint = false} : vector<1792x196xbf16>, vector<196x96xbf16>, vector<1792x96xf32> -> vector<1792x96xf32>
    %get3A_105 = arith.constant 0 : index
    %get3A_106 = arith.constant 192 : index
    %get3A_107 = vector.load %arg4[%get3A_105, %get3A_106] : memref<384x384xf32, #tpu.memory_space<vmem>>, vector<384x96xf32>
    %convert_element_type3A_108 = arith.truncf %get3A_107 : vector<384x96xf32> to vector<384x96xbf16>
    %convert_element_type3A_109 = arith.truncf %dot_general3A_104 : vector<1792x96xf32> to vector<1792x96xbf16>
    %dot_general3A_110 = arith.constant dense<0.000000e+00> : vector<384x1792xf32>
    %dot_general3A_111 = tpu.matmul %convert_element_type3A_108, %convert_element_type3A_109, %dot_general3A_110 {dimension_numbers = #tpu.dot_dimension_numbers<[1], [1], [0], [0], [0, 0, 1, 0], [], []>, transpose_lhs_hint = false} : vector<384x96xbf16>, vector<1792x96xbf16>, vector<384x1792xf32> -> vector<384x1792xf32>
    %add3A_112 = arith.addf %add3A, %dot_general3A_111 : vector<384x1792xf32>
    %slice3A_113 = vector.extract_strided_slice %get3A_1 {offsets = [288, 0], sizes = [96, 1792], strides = [1, 1]} : vector<384x1792xf32> to vector<96x1792xf32>
    %get3A_114 = arith.constant 3 : index
    %get3A_115 = arith.constant 0 : index
    %get3A_116 = arith.constant 0 : index
    %get3A_117 = vector.load %arg2[%get3A_114, %get3A_115, %get3A_116] : memref<4x196x96xf32, #tpu.memory_space<vmem>>, vector<1x196x96xf32>
    %get3A_118 = vector.shape_cast %get3A_117 : vector<1x196x96xf32> to vector<196x96xf32>
    %get3A_119 = arith.constant 3 : index
    %get3A_120 = arith.constant 0 : index
    %get3A_121 = arith.constant 0 : index
    %get3A_122 = vector.load %arg3[%get3A_119, %get3A_120, %get3A_121] : memref<4x196x96xf32, #tpu.memory_space<vmem>>, vector<1x196x96xf32>
    %get3A_123 = vector.shape_cast %get3A_122 : vector<1x196x96xf32> to vector<196x96xf32>
    %convert_element_type3A_124 = arith.truncf %slice3A_113 : vector<96x1792xf32> to vector<96x1792xbf16>
    %convert_element_type3A_125 = arith.truncf %get3A_118 : vector<196x96xf32> to vector<196x96xbf16>
    %dot_general3A_126 = arith.constant dense<0.000000e+00> : vector<1792x196xf32>
    %dot_general3A_127 = tpu.matmul %convert_element_type3A_124, %convert_element_type3A_125, %dot_general3A_126 {dimension_numbers = #tpu.dot_dimension_numbers<[0], [1], [1], [0], [0, 1, 1, 0], [], []>, transpose_lhs_hint = false} : vector<96x1792xbf16>, vector<196x96xbf16>, vector<1792x196xf32> -> vector<1792x196xf32>
    %mul3A_128 = arith.constant 0.102062076 : f32
    %mul3A_129 = vector.broadcast %mul3A_128 : f32 to vector<1792x196xf32>
    %mul3A_130 = arith.mulf %dot_general3A_127, %mul3A_129 : vector<1792x196xf32>
    %reduce_max3A_131 = arith.constant dense<0xFF800000> : vector<1792xf32>
    %reduce_max3A_132 = vector.multi_reduction <maximumf>, %mul3A_130, %reduce_max3A_131 [1] : vector<1792x196xf32> to vector<1792xf32>
    %broadcast_in_dim3A_133 = vector.shape_cast %reduce_max3A_132 : vector<1792xf32> to vector<1792x1xf32>
    %sub3A_134 = vector.broadcast %broadcast_in_dim3A_133 : vector<1792x1xf32> to vector<1792x196xf32>
    %sub3A_135 = arith.subf %mul3A_130, %sub3A_134 : vector<1792x196xf32>
    %exp3A_136 = math.exp %sub3A_135 : vector<1792x196xf32>
    %reduce_sum3A_137 = arith.constant dense<0.000000e+00> : vector<1792xf32>
    %reduce_sum3A_138 = vector.multi_reduction <add>, %exp3A_136, %reduce_sum3A_137 [1] : vector<1792x196xf32> to vector<1792xf32>
    %broadcast_in_dim3A_139 = vector.shape_cast %reduce_sum3A_138 : vector<1792xf32> to vector<1792x1xf32>
    %div3A_140 = vector.broadcast %broadcast_in_dim3A_139 : vector<1792x1xf32> to vector<1792x196xf32>
    %div3A_141 = arith.divf %exp3A_136, %div3A_140 : vector<1792x196xf32>
    %convert_element_type3A_142 = arith.truncf %div3A_141 : vector<1792x196xf32> to vector<1792x196xbf16>
    %convert_element_type3A_143 = arith.truncf %get3A_123 : vector<196x96xf32> to vector<196x96xbf16>
    %dot_general3A_144 = arith.constant dense<0.000000e+00> : vector<1792x96xf32>
    %dot_general3A_145 = tpu.matmul %convert_element_type3A_142, %convert_element_type3A_143, %dot_general3A_144 {dimension_numbers = #tpu.dot_dimension_numbers<[1], [0], [0], [1], [0, 0, 1, 1], [], []>, transpose_lhs_hint = false} : vector<1792x196xbf16>, vector<196x96xbf16>, vector<1792x96xf32> -> vector<1792x96xf32>
    %get3A_146 = arith.constant 0 : index
    %get3A_147 = arith.constant 288 : index
    %get3A_148 = vector.load %arg4[%get3A_146, %get3A_147] : memref<384x384xf32, #tpu.memory_space<vmem>>, vector<384x96xf32>
    %convert_element_type3A_149 = arith.truncf %get3A_148 : vector<384x96xf32> to vector<384x96xbf16>
    %convert_element_type3A_150 = arith.truncf %dot_general3A_145 : vector<1792x96xf32> to vector<1792x96xbf16>
    %dot_general3A_151 = arith.constant dense<0.000000e+00> : vector<384x1792xf32>
    %dot_general3A_152 = tpu.matmul %convert_element_type3A_149, %convert_element_type3A_150, %dot_general3A_151 {dimension_numbers = #tpu.dot_dimension_numbers<[1], [1], [0], [0], [0, 0, 1, 0], [], []>, transpose_lhs_hint = false} : vector<384x96xbf16>, vector<1792x96xbf16>, vector<384x1792xf32> -> vector<384x1792xf32>
    %add3A_153 = arith.addf %add3A_112, %dot_general3A_152 : vector<384x1792xf32>
    %get3A_154 = arith.constant 0 : index
    %get3A_155 = arith.constant 0 : index
    %get3A_156 = vector.load %arg5[%get3A_154, %get3A_155] : memref<384x1xf32, #tpu.memory_space<vmem>>, vector<384x1xf32>
    %add3A_157 = vector.broadcast %get3A_156 : vector<384x1xf32> to vector<384x1792xf32>
    %add3A_158 = arith.addf %add3A_153, %add3A_157 : vector<384x1792xf32>
    %swap3A = arith.constant 0 : index
    %swap3A_159 = arith.constant 0 : index
    %swap3A_160 = vector.load %arg6[%swap3A, %swap3A_159] : memref<384x1792xf32, #tpu.memory_space<vmem>>, vector<384x1792xf32>
    tpu.vector_store %arg6[%swap3A, %swap3A_159], %add3A_158 {strides = array<i32>} : memref<384x1792xf32, #tpu.memory_space<vmem>>, vector<384x1792xf32>,
    return
  }
  func.func @transform_0(%arg0: i32) -> (i32, i32) {
    %c0_i32 = arith.constant 0 : i32
    %c0_i32_0 = arith.constant 0 : i32
    return %c0_i32, %arg0 : i32, i32
  }
  func.func @transform_1(%arg0: i32) -> (i32, i32, i32) {
    %c0_i32 = arith.constant 0 : i32
    %c0_i32_0 = arith.constant 0 : i32
    %c0_i32_1 = arith.constant 0 : i32
    %c0_i32_2 = arith.constant 0 : i32
    return %c0_i32, %c0_i32_0, %c0_i32_1 : i32, i32, i32
  }
  func.func @transform_2(%arg0: i32) -> (i32, i32, i32) {
    %c0_i32 = arith.constant 0 : i32
    %c0_i32_0 = arith.constant 0 : i32
    %c0_i32_1 = arith.constant 0 : i32
    %c0_i32_2 = arith.constant 0 : i32
    return %c0_i32, %c0_i32_0, %c0_i32_1 : i32, i32, i32
  }
  func.func @transform_3(%arg0: i32) -> (i32, i32) {
    %c0_i32 = arith.constant 0 : i32
    %c0_i32_0 = arith.constant 0 : i32
    %c0_i32_1 = arith.constant 0 : i32
    return %c0_i32, %c0_i32_0 : i32, i32
  }
  func.func @transform_4(%arg0: i32) -> (i32, i32) {
    %c0_i32 = arith.constant 0 : i32
    %c0_i32_0 = arith.constant 0 : i32
    %c0_i32_1 = arith.constant 0 : i32
    return %c0_i32, %c0_i32_0 : i32, i32
  }
  func.func @transform_5(%arg0: i32) -> (i32, i32) {
    %c0_i32 = arith.constant 0 : i32
    %c0_i32_0 = arith.constant 0 : i32
    return %c0_i32, %arg0 : i32, i32
  }
}

</mosaic_0001>

<sc_bundles>
// kernel: kernel.6.cloned.1.call-start
scs
__scs_entry_jumppad:
0x0: {  	(pc) =	sbr.rel $0x88, $3  }
0x1: {  	(tag) =	ssettag $0x0;
	lr =	simm.s32 $0x1  }
0x2: {  	[smem:$0x3F99] =	sst lr;
	_ =	strace $0xD0000000  }
0x3: {  	_ = 	snop  }
0x4: {  	_ = 	snop  }
0x5: {  	_ = 	snop  }
0x6: {  	_ = 	snop  }
0x7: {  	_ = 	snop  }
__scs_overlays_trampoline_lowered:
0x8: {  	[smem:$0x3FA8] =	sst s0  }
0x9: {  	[smem:$0x3FA9] =	sst s1  }
0xa: {  	[smem:$0x3FAA] =	sst s2  }
0xb: {  	[smem:$0x3FAB] =	sst s3  }
0xc: {  	[smem:$0x3FAC] =	sst s4  }
0xd: {  	[smem:$0x3FAD] =	sst s5  }
0xe: {  	[smem:$0x3FAE] =	sst s6  }
0xf: {  	[smem:$0x3FAF] =	sst s7  }
0x10: {  	[smem:$0x3FB0] =	sst s8  }
0x11: {  	[smem:$0x3FB1] =	sst s9;
	s0 =	simm.s32 @!p0 $0x0  }
0x12: {  	s1 =	sld [smem:$0x3F97];
	s0 =	simm.s32 @p0 $0x1  }
0x13: {  	[smem:$0x3FB2] =	sst s0;
	s0 =	simm.s32 @!p1 $0x0  }
0x14: {  	s2 =	sld [smem:$0x3F96];
	s0 =	simm.s32 @p1 $0x1  }
0x15: {  	[smem:$0x3FB3] =	sst s0;
	s0 =	simm.s32 @!p2 $0x0  }
0x16: {  	s3 =	sld [smem:$0x3FDB];
	s0 =	simm.s32 @p2 $0x1  }
0x17: {  	s4 =	simm.s32 $0x1BF5;
	[smem:$0x3FB5] =	sst s0  }
0x18: {  	s0 =	sld [smem:$0x3F98];
	_ =	swait.ge [sflag:s4], $0x0  }
0x19: {  	s7 =	sld [smem:$0x3F99]  }
0x1a: {  	s8 =	sadd.s32 $0xFFFFE003, lr  }
0x1b: {  	s9 =	sadd.s32 $0xFFFFFEF7, lr;
	s5 =	simm.s32 $0xFFFFFFFF;
	p2 =	slt.u32 s8, $0xFFFFF086  }
0x1c: {  	p1 =	slt.u32 s9, $0xF7A;
	s5 =	simm.s32 @!p2 $0x0  }
0x1d: {  	s5 =	simm.s32 @p1 $0x1;
	p0 =	seq.s32 s7, s2  }
0x1e: {  	s7 =	smul.u32 @!p0 $0xF7A, s2;
	p2 =	seq.s32 @!p0 s5, $0x0  }
0x1f: {  	s9 =	smul.u32 $0xF7A, s1;
	s8 =	simm.s32 @!p0 $0x1BF5;
	p2 =	por !p2, p0  }
0x20: {  	[sflag:s8] =	ssyncset.s32 @!p0 $0xFFFFF086;
	s6 =	sadd.s32 @!p0 s3, s7;
	s7 =	simm.s32 @!p0 $0x108  }
0x21: {  	s3 =	sadd.s32 s3, s9;
	s6 =	sadd.s32 @!p0 $0x88, s6;
	s7 =	simm.s32 @p2 $0x1082  }
0x22: {  	[simem:s7], [sflag:s8] =	dma.local @!p0 [hbm:s6], $0xF7A  }
0x23: {  	s9 =	sor.u32 $0xD0000000, s2;
	s6 =	simm.s32 $0x108;
	_ =	swait.ge @!p0 [sflag:s8], $0x0  }
0x24: {  	s3 =	sadd.s32 $0x88, s3;
	s6 =	simm.s32 @!p1 $0x1082;
	[sflag:s4] =	ssyncset.s32 $0xFFFFF086  }
0x25: {  	[simem:s6], [sflag:s4] =	dma.local [hbm:s3], $0xF7A  }
0x26: {  	[smem:$0x3F99] =	sst s1;
	(tag) =	ssettag s2;
	_ =	strace s9  }
0x27: {  	s1 =	sld [smem:$0x3FA9]  }
0x28: {  	s2 =	sld [smem:$0x3FAA]  }
0x29: {  	s4 =	sld [smem:$0x3FAC]  }
0x2a: {  	p0 =	seq.s32 s5, $0x0;
	s5 =	sld [smem:$0x3FAD]  }
0x2b: {  	s6 =	sld [smem:$0x3FAE]  }
0x2c: {  	s7 =	sld [smem:$0x3FAF]  }
0x2d: {  	s3 =	simm.s32 $0x108;
	s8 =	sld [smem:$0x3FB0]  }
0x2e: {  	s3 =	simm.s32 @!p0 $0x1082;
	s9 =	sld [smem:$0x3FB1]  }
0x2f: {  	lr =	sadd.s32 s0, s3;
	s0 =	sld [smem:$0x3FA8]  }
0x30: {  	s3 =	sld [smem:$0x3FAB]  }
0x31: {  	[smem:$0x3FB4] =	sst s10  }
0x32: {  	s10 =	sld [smem:$0x3FB2];
	_ =	sdelay $0x3  }
0x33: {  	p0 =	seq.s32 s10, $0x1;
	s10 =	sld [smem:$0x3FB4];
	_ =	sdelay $0x3  }
0x34: {  	[smem:$0x3FB4] =	sst s10  }
0x35: {  	s10 =	sld [smem:$0x3FB3];
	_ =	sdelay $0x3  }
0x36: {  	p1 =	seq.s32 s10, $0x1;
	s10 =	sld [smem:$0x3FB4];
	_ =	sdelay $0x3  }
0x37: {  	[smem:$0x3FB4] =	sst s10  }
0x38: {  	s10 =	sld [smem:$0x3FB5]  }
0x39: {  	_ = 	snop;
	(pc) =	sbr.ind lr, $3  }
0x3a: {  	_ = 	snop  }
0x3b: {  	_ = 	snop  }
0x3c: {  	p2 =	seq.s32 s10, $0x1;
	s10 =	sld [smem:$0x3FB4]  }
0x3d: {  	_ =	shalt  }
0x3e: {  	_ =	shalt  }
0x3f: {  	_ =	shalt  }
0x40: {  	_ =	shalt  }
0x41: {  	_ =	shalt  }
0x42: {  	_ =	shalt  }
0x43: {  	_ =	shalt  }
0x44: {  	_ =	shalt  }
0x45: {  	_ =	shalt  }
0x46: {  	_ =	shalt  }
0x47: {  	_ =	shalt  }
0x48: {  	_ =	shalt  }
0x49: {  	_ =	shalt  }
0x4a: {  	_ =	shalt  }
0x4b: {  	_ =	shalt  }
0x4c: {  	_ =	shalt  }
0x4d: {  	_ =	shalt  }
0x4e: {  	_ =	shalt  }
0x4f: {  	_ =	shalt  }
0x50: {  	_ =	shalt  }
0x51: {  	_ =	shalt  }
0x52: {  	_ =	shalt  }
0x53: {  	_ =	shalt  }
0x54: {  	_ =	shalt  }
0x55: {  	_ =	shalt  }
0x56: {  	_ =	shalt  }
0x57: {  	_ =	shalt  }
0x58: {  	_ =	shalt  }
0x59: {  	_ =	shalt  }
0x5a: {  	_ =	shalt  }
0x5b: {  	_ =	shalt  }
0x5c: {  	_ =	shalt  }
0x5d: {  	_ =	shalt  }
0x5e: {  	_ =	shalt  }
0x5f: {  	_ =	shalt  }
0x60: {  	_ =	shalt  }
0x61: {  	_ =	shalt  }
0x62: {  	_ =	shalt  }
0x63: {  	_ =	shalt  }
0x64: {  	_ =	shalt  }
0x65: {  	_ =	shalt  }
0x66: {  	_ =	shalt  }
0x67: {  	_ =	shalt  }
0x68: {  	_ =	shalt  }
0x69: {  	_ =	shalt  }
0x6a: {  	_ =	shalt  }
0x6b: {  	_ =	shalt  }
0x6c: {  	_ =	shalt  }
0x6d: {  	_ =	shalt  }
0x6e: {  	_ =	shalt  }
0x6f: {  	_ =	shalt  }
0x70: {  	_ =	shalt  }
0x71: {  	_ =	shalt  }
0x72: {  	_ =	shalt  }
0x73: {  	_ =	shalt  }
0x74: {  	_ =	shalt  }
0x75: {  	_ =	shalt  }
0x76: {  	_ =	shalt  }
0x77: {  	_ =	shalt  }
0x78: {  	_ =	shalt  }
0x79: {  	_ =	shalt  }
0x7a: {  	_ =	shalt  }
0x7b: {  	_ =	shalt  }
0x7c: {  	_ =	shalt  }
0x7d: {  	_ =	shalt  }
0x7e: {  	_ =	shalt  }
0x7f: {  	_ =	shalt  }
0x80: {  	_ =	shalt  }
0x81: {  	_ =	shalt  }
0x82: {  	_ =	shalt  }
0x83: {  	_ =	shalt  }
0x84: {  	_ =	shalt  }
0x85: {  	_ =	shalt  }
0x86: {  	_ =	shalt  }
0x87: {  	_ =	shalt  }
.Lfunc_end0:
.L_simem_size_0:
called_computation.2_lowered:
.L_overlay_start_0:
0x88: {  	s2 =	sld [smem:$0x3FD9]  }
0x89: {  	s3 =	sld [smem:$0x3FFE];
	_ =	sdelay $0x1  }
0x8a: {  	s1 =	srdreg.scid  }
0x8b: {  	s0 =	sand.u32 $0x1, s1  }
0x8c: {  	s16 =	sshll.u32 s0, $0xA;
	s2 =	sadd.s32 s3, s2  }
0x8d: {  	s2 =	sadd.s32 s2, s16  }
0x8e: {  	[smem:$0x3FC0] =	sst s2  }
0x8f: {  	_ = 	snop  }
0x90: {  	(tm) =	ssettm $0x1  }
0x91: {  	s17 =	sld [smem:$0x3FFB];
	_ =	sdelay $0x3  }
0x92: {  	_ =	strace s17  }
0x93: {  	s2 =	sld [smem:$0x3FFC];
	_ =	sdelay $0x3  }
0x94: {  	_ =	strace s2  }
0x95: {  	s2 =	sld [smem:$0x3FFD];
	_ =	sdelay $0x3  }
0x96: {  	_ =	strace s2  }
0x97: {  	_ =	strace $0x8FFFFFFF  }
0x98: {  	s18 =	sld [smem:$0x3FDB];
	_ =	sdelay $0x1  }
0x99: {  	s19 =	simm.s32 $_scs_section_size  }
0x9a: {  	s4 =	simm.s32 $_size__tile_overlayer_lowered;
	s5 =	simm.s32 $_tile_overlayer_lowered  }
0x9b: {  	s22 =	simm.s32 $0x1BFF;
	s21 =	sshll.u32 s5, $0x1;
	s2 =	sadd.s32 s19, s18  }
0x9c: {  	s6 =	simm.s32 $0x0;
	s20 =	sshll.u32 s4, $0x1;
	s4 =	sadd.s32 s21, s2  }
0x9d: {  	[timem:s6], [sflag:s22] =	dma.local [hbm:s4], s20  }
0x9e: {  	_ =	swait.ge [sflag:s22], s20  }
0x9f: {  	s3 =	ssub.s32 $0x0, s20;
	[sflag:s22] =	ssyncset.done $0x0  }
0xa0: {  	[sflag:s22] =	ssyncadd.s32 s3;
	_ =	sdelay $0x1  }
0xa1: {  	s23 =	simm.s32 $0x1B8B  }
0xa2: {  	_ =	swait.ge [sflag:s23], $0x1  }
0xa3: {  	[sflag:s23] =	ssyncset.done $0x0  }
0xa4: {  	s25 =	simm.s32 $0x1B8E;
	s24 =	sld [smem:$0x3FFE];
	[sflag:s23] =	ssyncadd.s32 $0xFFFFFFFF  }
0xa5: {  	s26 =	simm.s32 $execute0_lowered;
	[smem:$0x3FD2] =	sst s25  }
0xa6: {  	s4 =	sshll.u32 s26, $0x1;
	_ =	strace $0x8000004C;
	[dreg:$0x1] =	wrdreg $0xFFFFFFFF  }
0xa7: {  	s28 =	simm.s32 $_size_execute0_lowered;
	s2 =	sadd.s32 s2, s4;
	[dreg:$0x0] =	wrdreg $0x0  }
0xa8: {  	s4 =	sshll.u32 s28, $0x1;
	[dreg:$0x2] =	wrdreg s2  }
0xa9: {  	[dreg:$0x3] =	wrdreg s4  }
0xaa: {  	[dreg:$0x4] =	wrdreg $0xC0  }
0xab: {  	_ =	task [dreg:s6], $0x5FFFF  }
0xac: {  	[dreg:$0x1] =	wrdreg $0xFFFFFFFF  }
0xad: {  	[dreg:$0x0] =	wrdreg $0x60  }
0xae: {  	[dreg:$0x2] =	wrdreg s24  }
0xaf: {  	[dreg:$0x3] =	wrdreg $0x9  }
0xb0: {  	_ =	task.clear_ibuf [dreg:s6], $0x4FFFF;
	_ =	strace $0x9000004C  }
0xb1: {  	s29 =	simm.s32 $0x9;
	_ =	strace $0x8000004E  }
0xb2: {  	_ =	swait.ge [sflag:s29], $0x1  }
0xb3: {  	[sflag:s29] =	ssyncadd.s32 $0xFFFFFFFF  }
0xb4: {  	_ =	strace $0x9000004E  }
0xb5: {  	_ =	sfence  }
0xb6: {  	s30 =	sld [smem:$0x0];
	_ =	sdelay $0x2  }
0xb7: {  	s31 =	sshll.u32 s1, $0xD;
	s1 =	sshrl.u32 s1, $0x2  }
0xb8: {  	s3 =	sand.u32 $0x4000, s31;
	s1 =	sadd.s32 s1, s30  }
0xb9: {  	s0 =	sor.u32 s3, s0;
	s1 =	sshll.u32 s1, $0x11  }
0xba: {  	s0 =	sor.u32 s1, s0  }
0xbb: {  	s0 =	sadd.s32 $0x8F2B, s0  }
0xbc: {  	[sflag:s0] =	ssyncadd.remote.s32 $0x1  }
0xbd: {  	_ =	sfence.sel $0xFFFF  }
0xbe: {  	[dreg:$0x0] =	wrdreg $0xFFFFFFFF;
	(pc) =	sbr.abs _section_cstart, $3  }
0xbf: {  	[dreg:$0x1] =	wrdreg $0xFFFFFFFF  }
0xc0: {  	_ =	task.clear_ibuf [dreg:s6], $0x2FFFF;
	_ =	strace $0x9FFFFFFF  }
0xc1: {  	(tm) =	ssettm $0x7FFFFFFF  }
tec
execute0_lowered:
.L_overlay_start_1:
0x0: {  	(tag) =	ssettag $0x1  }
0x1: {  	s1 =	stileid.u32  }
0x2: {  	p0 =	sgt.u32 s1, $0x1  }
.Ltmp0:
0x3: {  	_ = 	snop;
	(pc) =	sbr.rel @p0 .LBB2_11-.Ltmp0, $4  }
0x4: {  	_ = 	snop  }
0x5: {  	s5 =	rddreg [dreg:$0x0];
	s2 =	simm.s32 $0x0  }
0x6: {  	[smem:$0x7FF] =	sst s2  }
0x7: {  	s0 =	rddreg [dreg:$0x1];
	_ =	strace $0x8000004D  }
0x8: {  	s3 =	srdreg.scid  }
0x9: {  	s30 =	sshll.u32 s1, $0x1;
	s9 =	sadd.s32 $0xF200, s5;
	s4 =	sadd.s32 $0x2E00, s5  }
0xa: {  	s12 =	simm.s32 $0x380;
	s13 =	simm.s32 $0x400;
	s14 =	simm.s32 $0x70  }
0xb: {  	s15 =	simm.s32 $0x480;
	s17 =	simm.s32 $0x3C80;
	s6 =	sand.u32 $0x1, s3  }
0xc: {  	s18 =	simm.s32 $0x0;
	s7 =	sor.u32 s6, s30;
	s10 =	ssub.s32 $0x2, s6  }
0xd: {  	s3 =	sadd.s32 $0x263E00, s5;
	s8 =	smul.u32 $0xC80, s7;
	s11 =	sshrl.u32 s10, $0x1  }
0xe: {  	s16 =	smul.u32 $0x310, s7;
	s7 =	sshll.u32 s7, $0x4;
	s31 =	ssub.s32 s10, s11  }
0xf: {  	s7 =	sadd.s32 s9, s7;
	s9 =	simm.s32 $0x80;
	s10 =	simm.s32 $0x200  }
0x10: {  	s11 =	simm.s32 $0x2;
	s8 =	sadd.s32 s8, s5;
	v0 =	vmov s16;
	s16 =	simm.s32 $0x1  }
0x11: {  	v1 =	vlaneseq.u32;
	v2 =	vimm.s32 $0x0;
	s5 =	sadd.s32 $0xF400, s8;
	s6 =	sadd.s32 $0x12600, s8;
	s8 =	smax.u32 s31, $0x1  }
.LBB2_2:
0x12: {  	s19 =	simm.s32 $0x0  }
0x13: {  	[tilespmem:s19], [sflag:$0x2] =	stream.strided.gather [hbm4b:s7+s9], $0x380, s10, s9, $0x38;
	[tilespmem:$0x7480] =	vst v63  }
0x14: {  	_ =	swait.ge [sflag:s11], $0x380  }
0x15: {  	[sflag:s11] =	ssyncset.done $0x0  }
0x16: {  	v4 =	vimm.s32 $0x7F800000;
	v3 =	vimm.s32 $0x0;
	[sflag:s11] =	ssyncadd.s32 $0xFFFFFC80  }
.LBB2_3:
0x17: {  	v5 =	vsub.s32 v4, v3  }
0x18: {  	s21 =	simm.s32 $0x0;
	v5 =	vshra.s32 v5, $0x1  }
0x19: {  	v6 =	vimm.s32 $0x0;
	s20 =	simm.s32 $0x40;
	v7 =	vld [tilespmem:s21+$0x0];
	v5 =	vadd.s32 v3, v5  }
.LBB2_4:
0x1a: {  	_ =	sdelay $0x1  }
0x1b: {  	p0 =	sne.s32 s20, $0xC00  }
.Ltmp1:
0x1c: {  	_ = 	snop;
	(pc) =	sbr.rel @p0 .LBB2_4-.Ltmp1, $4  }
0x1d: {  	vm0 =	vge.s32 v7, v5  }
0x1e: {  	v8 =	vmpcnt.ones.xlane vm0  }
0x1f: {  	s21 =	sshra.s32 s20, $0x2  }
0x20: {  	s20 =	sadd.s32 $0x40, s20;
	v7 =	vld [tilespmem:s21+$0x0];
	v6 =	vadd.s32 v6, v8  }
0x21: {  	_ =	sdelay $0x2  }
0x22: {  	s19 =	sadd.s32 $0x1, s19  }
0x23: {  	p0 =	sne.s32 s19, $0x20;
	vm0 =	vge.s32 v7, v5  }
.Ltmp2:
0x24: {  	v7 =	vmpcnt.ones.xlane vm0;
	(pc) =	sbr.rel @p0 .LBB2_3-.Ltmp2, $4  }
0x25: {  	_ = 	snop  }
0x26: {  	v6 =	vadd.s32 v6, v7  }
0x27: {  	vm15 =	vgt.s32 v6, $0xC3  }
0x28: {  	v3 =	vsel vm15, v5, v3;
	v4 =	vsel vm15, v4, v5  }
0x29: {  	s20 =	simm.s32 $0x0  }
0x2a: {  	v5 =	vadd.s32 $0x1, v3;
	v4 =	vimm.s32 $0x0;
	s19 =	simm.s32 $0x40;
	v6 =	vld [tilespmem:s20+$0x0]  }
.LBB2_7:
0x2b: {  	_ =	sdelay $0x1  }
0x2c: {  	p0 =	sne.s32 s19, $0xC00  }
.Ltmp3:
0x2d: {  	_ = 	snop;
	(pc) =	sbr.rel @p0 .LBB2_7-.Ltmp3, $4  }
0x2e: {  	vm0 =	vge.s32 v6, v5  }
0x2f: {  	v7 =	vmpcnt.ones.xlane vm0  }
0x30: {  	s20 =	sshra.s32 s19, $0x2  }
0x31: {  	s19 =	sadd.s32 $0x40, s19;
	v6 =	vld [tilespmem:s20+$0x0];
	v4 =	vadd.s32 v4, v7  }
0x32: {  	v7 =	vimm.s32 $0x0  }
0x33: {  	[tilespmem:$0x380] =	vst v7  }
0x34: {  	[tilespmem:$0x400] =	vst v7  }
0x35: {  	[tilespmem:$0x390] =	vst v7  }
0x36: {  	[tilespmem:$0x410] =	vst v7  }
0x37: {  	[tilespmem:$0x3A0] =	vst v7  }
0x38: {  	[tilespmem:$0x420] =	vst v7  }
0x39: {  	[tilespmem:$0x3B0] =	vst v7  }
0x3a: {  	[tilespmem:$0x430] =	vst v7  }
0x3b: {  	[tilespmem:$0x3C0] =	vst v7  }
0x3c: {  	[tilespmem:$0x440] =	vst v7  }
0x3d: {  	[tilespmem:$0x3D0] =	vst v7  }
0x3e: {  	[tilespmem:$0x450] =	vst v7  }
0x3f: {  	[tilespmem:$0x3E0] =	vst v7  }
0x40: {  	s19 =	simm.s32 $0x0;
	[tilespmem:$0x460] =	vst v7  }
0x41: {  	v8 =	vld [tilespmem:s19+$0x0];
	_ =	sdelay $0x4  }
0x42: {  	vm0 =	veq.s32 v8, v3  }
0x43: {  	v9 =	vsel vm0, $0x1, v2  }
0x44: {  	(xrf0) =	vadd.scan.msk.s32 $0xffff, v9;
	_ =	sdelay $0x2  }
0x45: {  	vm1 =	vge.s32 v6, v5;
	v6 =	vsel vm0, $0xFFFFFFFF, v2  }
0x46: {  	v5 =	vmpcnt.ones.xlane vm1;
	_ =	sdelay $0x1  }
0x47: {  	v4 =	vadd.s32 v4, v5;
	v5 =	vadd.s32 v6, v7;
	v6, _, _ =	vpop (xrf0)  }
0x48: {  	v4 =	vsub.s32 $0xC4, v4;
	v5 =	vadd.s32 v6, v5  }
0x49: {  	vm1 =	vlt.s32 v5, v4  }
0x4a: {  	vm2 =	vgt.s32 v8, v3;
	vm1 =	vmand vm0, vm1  }
0x4b: {  	vm1 =	vmor vm2, vm1  }
0x4c: {  	v5 =	vsel vm1, $0x1, v2  }
0x4d: {  	(xrf0) =	vadd.scan.msk.s32 $0xffff, v5;
	_ =	sdelay $0x5  }
0x4e: {  	v6, _, _ =	vpop (xrf0)  }
0x4f: {  	v5 =	vsub.s32 v6, v5  }
0x50: {  	v5 =	vadd.s32 v7, v5  }
0x51: {  	vm2 =	vlt.s32 v5, $0x68  }
0x52: {  	v10 =	vmpcnt.ones.xlane vm1;
	vm2 =	vmand vm1, vm2  }
0x53: {  	v6 =	vmpcnt.ones.xlane vm0;
	vm0 =	vgt.s32 v5, $0x67;
	v9 =	vnsel vm2, $0x0, v5  }
0x54: {  	v11 =	vadd.s32 $0xFFFFFF98, v5;
	vm0 =	vmand vm1, vm0  }
0x55: {  	v5 =	vadd.s32 v7, v6;
	v6 =	vadd.s32 v7, v10;
	v7 =	vnsel vm0, $0x0, v11  }
0x56: {  	v8 =	vadd.s32 s19, v0  }
0x57: {  	v8 =	vadd.s32 v1, v8  }
0x58: {  	s20 =	simm.s32 $0x10;
	[tilespmem:v9+s12+$0x0] =	vst.idx.msk vm2, v8  }
.LBB2_9:
0x59: {  	p0 =	sne.s32 s20, $0x300  }
0x5a: {  	[tilespmem:v7+s13+$0x0] =	vst.idx.msk vm0, v8;
	s19 =	sadd.s32 $0x10, s19;
	v7 =	vmov v5;
	v8 =	vmov v6;
	s21 =	smov.u32 s20;
	s20 =	sadd.s32 $0x10, s20  }
0x5b: {  	v9 =	vld [tilespmem:s19+$0x0];
	_ =	sdelay $0x4  }
0x5c: {  	vm0 =	veq.s32 v9, v3  }
0x5d: {  	v10 =	vsel vm0, $0xFFFFFFFF, v2;
	v11 =	vsel vm0, $0x1, v2;
	v12 =	vmpcnt.ones.xlane vm0  }
0x5e: {  	(xrf0) =	vadd.scan.msk.s32 $0xffff, v11  }
0x5f: {  	v5 =	vadd.s32 v5, v12;
	_ =	sdelay $0x4  }
0x60: {  	v7 =	vadd.s32 v10, v7;
	v10, _, _ =	vpop (xrf0)  }
0x61: {  	v7 =	vadd.s32 v10, v7  }
0x62: {  	vm1 =	vlt.s32 v7, v4  }
0x63: {  	vm2 =	vgt.s32 v9, v3;
	vm0 =	vmand vm0, vm1  }
0x64: {  	vm0 =	vmor vm2, vm0  }
0x65: {  	v7 =	vsel vm0, $0x1, v2;
	v9 =	vmpcnt.ones.xlane vm0  }
0x66: {  	(xrf0) =	vadd.scan.msk.s32 $0xffff, v7  }
0x67: {  	v6 =	vadd.s32 v6, v9;
	_ =	sdelay $0x4  }
0x68: {  	v9, _, _ =	vpop (xrf0)  }
0x69: {  	v7 =	vsub.s32 v9, v7  }
0x6a: {  	v7 =	vadd.s32 v8, v7  }
0x6b: {  	vm1 =	vlt.s32 v7, $0x68;
	vm2 =	vgt.s32 v7, $0x67  }
0x6c: {  	vm1 =	vmand vm0, vm1;
	vm0 =	vmand vm0, vm2  }
0x6d: {  	v9 =	vnsel vm1, $0x0, v7;
	v7 =	vadd.s32 $0xFFFFFF98, v7  }
.Ltmp4:
0x6e: {  	v7 =	vnsel vm0, $0x0, v7;
	(pc) =	sbr.rel @p0 .LBB2_9-.Ltmp4, $4  }
0x6f: {  	_ = 	snop  }
0x70: {  	v8 =	vadd.s32 s21, v0  }
0x71: {  	v8 =	vadd.s32 v1, v8  }
0x72: {  	[tilespmem:v9+s12+$0x0] =	vst.idx.msk vm1, v8  }
0x73: {  	_ =	sdelay $0x4  }
0x74: {  	[tilespmem:v7+s13+$0x0] =	vst.idx.msk vm0, v8  }
0x75: {  	[tilespmem:s15], [sflag:$0x1] =	stream.indirect.gather [hbm4b:s3+s14], $0x80, s12, s14, $0xb8;
	[tilespmem:$0x7480] =	vst v63  }
0x76: {  	_ =	swait.ge [sflag:s16], $0x3800  }
0x77: {  	[sflag:s16] =	ssyncset.done $0x0  }
0x78: {  	[sflag:s16] =	ssyncadd.s32 $0xFFFFC800  }
0x79: {  	[hbm4b:s5+s2] =	stream.linear.scatter [tilespmem:s15], [sflag:$0x2], $0x3400, $0x38;
	[tilespmem:$0x7480] =	vst v63  }
0x7a: {  	_ =	swait.ge [sflag:s11], $0x3400  }
0x7b: {  	[sflag:s11] =	ssyncset.done $0x0  }
0x7c: {  	[sflag:s11] =	ssyncadd.s32 $0xFFFFCC00  }
0x7d: {  	[tilespmem:s15], [sflag:$0x1] =	stream.indirect.gather [hbm4b:s3+s14], $0x80, s13, s14, $0xb8;
	[tilespmem:$0x7480] =	vst v63  }
0x7e: {  	_ =	swait.ge [sflag:s16], $0x3800  }
0x7f: {  	[sflag:s16] =	ssyncset.done $0x0  }
0x80: {  	s19 =	sadd.s32 $0x680, s5;
	[sflag:s16] =	ssyncadd.s32 $0xFFFFC800  }
0x81: {  	[hbm4b:s19+s2] =	stream.linear.scatter [tilespmem:s15], [sflag:$0x2], $0x2E00, $0x38;
	[tilespmem:$0x7480] =	vst v63  }
0x82: {  	_ =	swait.ge [sflag:s11], $0x2E00  }
0x83: {  	[sflag:s11] =	ssyncset.done $0x0  }
0x84: {  	[sflag:s11] =	ssyncadd.s32 $0xFFFFD200  }
0x85: {  	[tilespmem:s17], [sflag:$0x1] =	stream.indirect.gather [hbm4b:s4+s14], $0x80, s12, s14, $0xb8;
	[tilespmem:$0x7480] =	vst v63  }
0x86: {  	_ =	swait.ge [sflag:s16], $0x3800  }
0x87: {  	[sflag:s16] =	ssyncset.done $0x0  }
0x88: {  	[sflag:s16] =	ssyncadd.s32 $0xFFFFC800  }
0x89: {  	[hbm4b:s6+s2] =	stream.linear.scatter [tilespmem:s17], [sflag:$0x2], $0x3400, $0x38;
	[tilespmem:$0x7480] =	vst v63  }
0x8a: {  	_ =	swait.ge [sflag:s11], $0x3400  }
0x8b: {  	[sflag:s11] =	ssyncset.done $0x0  }
0x8c: {  	[sflag:s11] =	ssyncadd.s32 $0xFFFFCC00  }
0x8d: {  	[tilespmem:s17], [sflag:$0x1] =	stream.indirect.gather [hbm4b:s4+s14], $0x80, s13, s14, $0xb8;
	[tilespmem:$0x7480] =	vst v63  }
0x8e: {  	s18 =	sadd.s32 $0x1, s18;
	_ =	swait.ge [sflag:s16], $0x3800  }
0x8f: {  	p0 =	sne.s32 s18, s8;
	[sflag:s16] =	ssyncset.done $0x0  }
.Ltmp5:
0x90: {  	s31 =	sadd.s32 $0x680, s6;
	[sflag:s16] =	ssyncadd.s32 $0xFFFFC800;
	(pc) =	sbr.rel @p0 .LBB2_2-.Ltmp5, $4  }
0x91: {  	[hbm4b:s31+s2] =	stream.linear.scatter [tilespmem:s17], [sflag:$0x2], $0x2E00, $0x38;
	[tilespmem:$0x7480] =	vst v63  }
0x92: {  	_ =	swait.ge [sflag:s11], $0x2E00  }
0x93: {  	[sflag:s11] =	ssyncset.done $0x0  }
0x94: {  	[sflag:s11] =	ssyncadd.s32 $0xFFFFD200  }
.LBB2_11:
0x95: {  	_ =	sfence.sel $0x180000  }
0x96: {  	[bflag:$0x0] =	sbarrier.arrive $0xFFFF  }
0x97: {  	p0 =	sne.s32 s1, $0x0;
	_ =	strace $0x9000004D  }
0x98: {  	s0 =	sadd.s32 @!p0 $0x100000, s0;
	[bflag:$0x2] =	sbarrier.arrive $0xFFFF  }
0x99: {  	[sflag:s0] =	ssyncadd.tile.s32 @!p0 $0x1;
	_ =	shalt  }
.Lfunc_end2:
_tile_overlayer_lowered:
.L_overlay_start_2:
0x9a: {  	(tag) =	ssettag $0x2  }
0x9b: {  	s0 =	rddreg [dreg:$0x0];
	s2 =	stileid.u32  }
0x9c: {  	s1 =	rddreg [dreg:$0x1];
	p0 =	sne.s32 s2, $0x0  }
0x9d: {  	s3 =	rddreg [dreg:$0x2];
	[bflag:$0x3] =	sbarrier.arrive $0xFFFF;
	s2 =	simm.s32 @!p0 $0x1C02  }
0x9e: {  	[timem:s3], [sflag:s2] =	dma.local @!p0 [hbm:s0], s1  }
0x9f: {  	s0 =	simm.s32 @!p0 $0x2  }
0xa0: {  	_ =	swait.ge @!p0 [sflag:s0], s1  }
0xa1: {  	s1 =	ssub.s32 @!p0 $0x0, s1;
	[sflag:s0] =	ssyncset.done @!p0 $0x0  }
0xa2: {  	[sflag:s0] =	ssyncadd.s32 @!p0 s1  }
0xa3: {  	[bflag:$0x3] =	sbarrier.arrive $0xFFFF  }
0xa4: {  	_ =	shalt  }

// kernel: sparse-core-data-format-call.1.cloned.1.call-start
scs
called_computation.1_lowered:
.L_overlay_start_0:
0x0: {  	s2 =	sld [smem:$0x3FD9]  }
0x1: {  	s3 =	sld [smem:$0x3FFE];
	_ =	sdelay $0x1  }
0x2: {  	s1 =	srdreg.scid  }
0x3: {  	s0 =	sand.u32 $0x1, s1  }
0x4: {  	s19 =	sshll.u32 s0, $0xA;
	s2 =	sadd.s32 s3, s2  }
0x5: {  	s2 =	sadd.s32 s2, s19  }
0x6: {  	[smem:$0x3FC0] =	sst s2  }
0x7: {  	_ = 	snop  }
0x8: {  	s2 =	sld [smem:$0x3FC9]  }
0x9: {  	s20 =	sld [smem:$0x3FD0];
	(tm) =	ssettm $0x1  }
0xa: {  	s4 =	sld [smem:$0x3FFB];
	_ =	sdelay $0x3  }
0xb: {  	_ =	strace s4  }
0xc: {  	s4 =	sld [smem:$0x3FFC];
	_ =	sdelay $0x3  }
0xd: {  	_ =	strace s4  }
0xe: {  	s4 =	sld [smem:$0x3FFD];
	_ =	sdelay $0x3  }
0xf: {  	_ =	strace s4  }
0x10: {  	_ =	strace $0x8FFFFFFF  }
0x11: {  	s21 =	sld [smem:$0x3FDB];
	_ =	sdelay $0x1  }
0x12: {  	s5 =	simm.s32 $_scs_section_size  }
0x13: {  	s6 =	simm.s32 $_size__tile_overlayer_lowered;
	s7 =	simm.s32 $_tile_overlayer_lowered  }
0x14: {  	s24 =	simm.s32 $0x1BFF;
	s23 =	sshll.u32 s7, $0x1;
	s4 =	sadd.s32 s5, s21  }
0x15: {  	s8 =	simm.s32 $0x0;
	s22 =	sshll.u32 s6, $0x1;
	s6 =	sadd.s32 s23, s4  }
0x16: {  	[timem:s8], [sflag:s24] =	dma.local [hbm:s6], s22  }
0x17: {  	_ =	swait.ge [sflag:s24], s22  }
0x18: {  	s5 =	ssub.s32 $0x0, s22;
	[sflag:s24] =	ssyncset.done $0x0  }
0x19: {  	[sflag:s24] =	ssyncadd.s32 s5;
	_ =	sdelay $0x1  }
0x1a: {  	s25 =	simm.s32 $0x1B8B  }
0x1b: {  	_ =	swait.ge [sflag:s25], $0x1  }
0x1c: {  	[sflag:s25] =	ssyncset.done $0x0  }
0x1d: {  	s26 =	simm.s32 $0x1B8E;
	[sflag:s25] =	ssyncadd.s32 $0xFFFFFFFF  }
0x1e: {  	s27 =	simm.s32 $execute0_lowered;
	[smem:$0x3FD2] =	sst s26  }
0x1f: {  	s5 =	sshll.u32 s27, $0x1;
	_ =	strace $0x80000046;
	[dreg:$0x1] =	wrdreg $0xFFFFFFFF  }
0x20: {  	s28 =	simm.s32 $_size_execute0_lowered;
	s4 =	sadd.s32 s4, s5;
	[dreg:$0x0] =	wrdreg $0x0  }
0x21: {  	s5 =	sshll.u32 s28, $0x1;
	[dreg:$0x2] =	wrdreg s4  }
0x22: {  	[dreg:$0x3] =	wrdreg s5  }
0x23: {  	[dreg:$0x4] =	wrdreg $0xC0  }
0x24: {  	_ =	task [dreg:s8], $0x5FFFF  }
0x25: {  	[dreg:$0x1] =	wrdreg $0xFFFFFFFF  }
0x26: {  	[dreg:$0x0] =	wrdreg $0x60  }
0x27: {  	[dreg:$0x2] =	wrdreg s2  }
0x28: {  	[dreg:$0x3] =	wrdreg s20  }
0x29: {  	[dreg:$0x4] =	wrdreg $0x9  }
0x2a: {  	_ =	task.clear_ibuf [dreg:s8], $0x5FFFF;
	_ =	strace $0x90000046  }
0x2b: {  	s29 =	simm.s32 $0x9;
	_ =	strace $0x80000048  }
0x2c: {  	_ =	swait.ge [sflag:s29], $0x1  }
0x2d: {  	[sflag:s29] =	ssyncadd.s32 $0xFFFFFFFF  }
0x2e: {  	_ =	strace $0x90000048  }
0x2f: {  	_ =	sfence  }
0x30: {  	s30 =	sld [smem:$0x0];
	_ =	sdelay $0x2  }
0x31: {  	s31 =	sshll.u32 s1, $0xD;
	s1 =	sshrl.u32 s1, $0x2  }
0x32: {  	s3 =	sand.u32 $0x4000, s31;
	s1 =	sadd.s32 s1, s30  }
0x33: {  	s0 =	sor.u32 s3, s0;
	s1 =	sshll.u32 s1, $0x11  }
0x34: {  	s0 =	sor.u32 s1, s0  }
0x35: {  	s0 =	sadd.s32 $0x8F2B, s0  }
0x36: {  	[sflag:s0] =	ssyncadd.remote.s32 $0x1  }
0x37: {  	_ =	sfence.sel $0xFFFF  }
0x38: {  	[dreg:$0x0] =	wrdreg $0xFFFFFFFF;
	(pc) =	sbr.abs _section_cstart, $3  }
0x39: {  	[dreg:$0x1] =	wrdreg $0xFFFFFFFF  }
0x3a: {  	_ =	task.clear_ibuf [dreg:s8], $0x2FFFF;
	_ =	strace $0x9FFFFFFF  }
0x3b: {  	(tm) =	ssettm $0x7FFFFFFF  }
tec
execute0_lowered:
.L_overlay_start_1:
0x0: {  	(tag) =	ssettag $0x1  }
0x1: {  	s0 =	stileid.u32;
	s2 =	rddreg [dreg:$0x0]  }
0x2: {  	s1 =	srdreg.scid;
	s5 =	rddreg [dreg:$0x1];
	s31 =	simm.s32 $0x2  }
0x3: {  	s19 =	simm.s32 $0x0;
	s10 =	simm.s32 $0xC00;
	s21 =	simm.s32 $0x0  }
0x4: {  	s17 =	simm.s32 $0x0;
	s18 =	simm.s32 $0x0;
	s20 =	simm.s32 $0x0  }
0x5: {  	s11 =	simm.s32 $0x0;
	s12 =	simm.s32 $0x0;
	s14 =	simm.s32 $0x0  }
0x6: {  	s16 =	simm.s32 $0x0;
	s3 =	sand.u32 $0x1, s1;
	s4 =	sshll.u32 s0, $0x1  }
0x7: {  	s1 =	rddreg [dreg:$0x2];
	s7 =	ssub.s32 $0x1C, s4;
	s6 =	ssub.s32 $0x1C, s3  }
0x8: {  	_ =	strace $0x80000047;
	p0 =	sgt.s32 s7, $0x0;
	s8 =	sshrl.u32 s6, $0x1  }
.Ltmp0:
0x9: {  	s7 =	simm.s32 @!p0 $0x0;
	s8 =	ssub.s32 s6, s8;
	(pc) =	sbr.rel .LBB1_1-.Ltmp0, $4  }
0xa: {  	s13 =	smov.u32 s3;
	s9 =	sand.u32 $0x1E, s7;
	s7 =	smul.u32 $0x3, s8  }
0xb: {  	s15 =	smov.u32 s4;
	s6 =	simm.s32 $0x1;
	p0 =	seq.s32 s9, $0x0  }
0xc: {  	[sflag:s6] =	ssyncpa.u1 $0x0;
	s8 =	sadd.s32 $0x15000, s5;
	s7 =	simm.s32 @p0 $0x0  }
0xd: {  	[sflag:s31] =	ssyncpa.u1 $0x0;
	p0 =	por $0x0, $0x0;
	s9 =	sadd.s32 $0x1, s7  }
.LBB1_9:
0xe: {  	s22 =	sadd.s32 $0x80, s11  }
0xf: {  	s17 =	sadd.s32 $0x8, s12;
	s23 =	smov.u32 s12;
	p2 =	sgt.s32 s22, $0x17F  }
0x10: {  	s23 =	smov.u32 @p2 s17  }
0x11: {  	s24 =	smov.u32 s13;
	s17 =	sadd.s32 $0x2, s13;
	p3 =	sgt.s32 s23, $0x7  }
0x12: {  	s24 =	smov.u32 @p3 s17  }
0x13: {  	s25 =	smov.u32 s14;
	s17 =	sadd.s32 $0x8, s14;
	p4 =	sgt.s32 s24, $0x1B  }
0x14: {  	p1 =	slt.u32 s16, $0x2;
	s26 =	smov.u32 s15;
	s25 =	smov.u32 @p4 s17  }
0x15: {  	s19 =	smov.u32 s11;
	s17 =	sadd.s32 $0x20, s15;
	p5 =	sgt.s32 s25, $0x7  }
0x16: {  	s21 =	smov.u32 s12;
	s18 =	smov.u32 s14;
	s26 =	smov.u32 @p5 s17  }
0x17: {  	s20 =	smov.u32 s15;
	s22 =	simm.s32 @p2 $0x0;
	p2 =	sgt.s32 s26, $0x1B  }
0x18: {  	s27 =	simm.s32 @!p1 $0x2;
	s26 =	smov.u32 @p2 s4;
	p2 =	sne.s32 s16, s9  }
.Ltmp1:
0x19: {  	p0 =	por !p0, !p0;
	_ =	swait.ge @!p1 [sflag:s27], $0x4000;
	(pc) =	sbr.rel @!p2 .LBB1_10-.Ltmp1, $4  }
0x1a: {  	[sflag:s27] =	ssyncset.done @!p1 $0x0;
	s11 =	smov.u32 s22;
	s23 =	simm.s32 @p3 $0x0  }
0x1b: {  	[sflag:s27] =	ssyncadd.s32 @!p1 $0xFFFFC000;
	s12 =	smov.u32 s23;
	s24 =	smov.u32 @p4 s3  }
0x1c: {  	s25 =	simm.s32 @p5 $0x0;
	s17 =	smov.u32 s13;
	s13 =	smov.u32 s24  }
0x1d: {  	s14 =	smov.u32 s25;
	s16 =	sadd.s32 $0x1, s16;
	s15 =	smov.u32 s26  }
.LBB1_1:
0x1e: {  	p1 =	sge.u32 s16, s7  }
0x1f: {  	s22 =	sshrl.u32 @!p1 s12, $0x3  }
0x20: {  	s23 =	sshll.u32 @!p1 s11, $0x3;
	s22 =	smul.u32 @!p1 $0xC00, s22  }
0x21: {  	s24 =	sshll.u32 @!p1 s12, $0x7;
	s23 =	sand.u32 @!p1 $0xFFFFFC00, s23  }
0x22: {  	s22 =	sadd.s32 @!p1 s22, s23;
	s23 =	sand.u32 @!p1 $0x380, s24  }
0x23: {  	s26 =	smul.u32 @!p1 $0x15000, s15;
	s24 =	sand.u32 @!p1 $0x7F, s11;
	s22 =	sor.u32 @!p1 s23, s22  }
0x24: {  	s27 =	smul.u32 @!p1 $0x2A00, s14;
	s23 =	sor.u32 @!p1 s24, s22  }
0x25: {  	s24 =	smulhi.u32 @!p1 $0xAAAAAAAB, s23  }
0x26: {  	s22 =	smulhi.u32 @!p1 $0xAAAAAAAB, s22  }
0x27: {  	s31 =	sadd.s32 $0xFFFFFFFF, s16;
	s28 =	smul.u32 @!p1 $0x180, s13;
	s24 =	sshrl.u32 @!p1 s24, $0x8  }
0x28: {  	s25 =	sxor.u32 @!p1 $0xFFFFFFFF, s16;
	s22 =	sshrl.u32 @!p1 s22, $0x8;
	s24 =	smul.u32 @!p1 $0x180, s24  }
0x29: {  	s25 =	sshll.u32 @!p1 s25, $0xE;
	s26 =	sadd.s32 @!p1 s2, s26;
	s22 =	sand.u32 @!p1 $0x7, s22  }
0x2a: {  	s22 =	smul.u32 @!p1 $0x30, s22;
	s23 =	ssub.s32 @!p1 s23, s24;
	s24 =	sadd.s32 @!p1 s27, s26  }
0x2b: {  	s25 =	sand.u32 @!p1 $0x4000, s25;
	s24 =	sadd.s32 @!p1 s28, s24;
	s26 =	sand.u32 @!p1 $0x7, s23  }
0x2c: {  	s23 =	sshrl.u32 @!p1 s23, $0x3;
	s22 =	sadd.s32 @!p1 s22, s24;
	s24 =	sshll.u32 @!p1 s26, $0x12  }
0x2d: {  	s22 =	sadd.s32 @!p1 s23, s22;
	s23 =	sor.u32 @!p1 $0x400, s24;
	s24 =	simm.s32 @!p1 $0x15000  }
0x2e: {  	[tilespmem:s25], [sflag:$0x1] =	stream.strided.gather @!p1 [hbm4b:s22+s23], $0x4000, s24, s23, $0x38;
	[tilespmem:$0x10000] =	vst v63  }
0x2f: {  	p1 =	sge.u32 s31, s7  }
.Ltmp2:
0x30: {  	_ = 	snop;
	(pc) =	sbr.rel @p1 .LBB1_9-.Ltmp2, $1  }
0x31: {  	_ =	sdelay $0x3  }
0x32: {  	s22 =	simm.s32 $0x1;
	_ =	swait.ge [sflag:s6], $0x4000  }
0x33: {  	s31 =	sshll.u32 s16, $0xE;
	s26 =	simm.s32 $0x0;
	s22 =	simm.s32 @!p0 $0x0  }
0x34: {  	p2 =	por $0x1, $0x1;
	[sflag:s6] =	ssyncset.done $0x0;
	s23 =	sshll.u32 s22, $0x10  }
0x35: {  	s22 =	sand.u32 $0x4000, s31;
	[sflag:s6] =	ssyncadd.s32 $0xFFFFC000;
	s25 =	sshrl.u32 s23, $0x2  }
0x36: {  	s23 =	sor.u32 $0x8000, s22;
	s24 =	sadd.s32 $0x8040, s25;
	s25 =	sadd.s32 $0x40, s25  }
.LBB1_3:
0x37: {  	s26 =	sshll.u32 s26, $0x2  }
0x38: {  	p1 =	por p2, p2;
	s27 =	sshra.s32 s26, $0x2  }
0x39: {  	s28 =	simm.s32 $0x0;
	s26 =	sadd.s32 s27, s24;
	s27 =	sadd.s32 s27, s25  }
.LBB1_4:
0x3a: {  	v1 =	vmov s27;
	_ =	sdelay $0x3  }
0x3b: {  	s29 =	simm.s32 $0x0  }
0x3c: {  	v7 =	vld.idx.msk [tilespmem:v1+s29+$0x30 ss:$0x1], $0xffff  }
0x3d: {  	v0 =	vmov s26;
	v8 =	vld.idx.msk [tilespmem:v1+s29+$0xFFFFFFC0 ss:$0x1], $0xffff  }
0x3e: {  	v6 =	vld.idx.msk [tilespmem:v1+s29+$0xFFFFFFD0 ss:$0x1], $0xffff  }
0x3f: {  	v5 =	vld.idx.msk [tilespmem:v1+s29+$0xFFFFFFE0 ss:$0x1], $0xffff  }
0x40: {  	v4 =	vld.idx.msk [tilespmem:v1+s29+$0xFFFFFFF0 ss:$0x1], $0xffff  }
0x41: {  	v2 =	vld.idx.msk [tilespmem:v1+s29+$0x0 ss:$0x1], $0xffff  }
0x42: {  	v3 =	vld.idx.msk [tilespmem:v1+s29+$0x10 ss:$0x1], $0xffff;
	[tilespmem:v0+s29+$0x30 ss:$0x1] =	vst.idx.msk $0xffff, v7  }
0x43: {  	s30 =	simm.s32 $0x80;
	s31 =	simm.s32 $0x400;
	[tilespmem:v0+s29+$0xFFFFFFC0 ss:$0x1] =	vst.idx.msk $0xffff, v8;
	v7 =	vld.idx.msk [tilespmem:v1+s29+$0x20 ss:$0x1], $0xffff  }
.LBB1_5:
0x44: {  	p2 =	sne.s32 s31, $0xE00;
	v8 =	vld.idx.msk [tilespmem:v1+s30+$0x30 ss:$0x1], $0xffff;
	[tilespmem:v0+s29+$0xFFFFFFD0 ss:$0x1] =	vst.idx.msk $0xffff, v6  }
0x45: {  	v9 =	vld.idx.msk [tilespmem:v1+s30+$0xFFFFFFC0 ss:$0x1], $0xffff;
	[tilespmem:v0+s29+$0xFFFFFFE0 ss:$0x1] =	vst.idx.msk $0xffff, v5  }
0x46: {  	v6 =	vld.idx.msk [tilespmem:v1+s30+$0xFFFFFFD0 ss:$0x1], $0xffff;
	[tilespmem:v0+s29+$0xFFFFFFF0 ss:$0x1] =	vst.idx.msk $0xffff, v4  }
.Ltmp3:
0x47: {  	v5 =	vld.idx.msk [tilespmem:v1+s30+$0xFFFFFFE0 ss:$0x1], $0xffff;
	[tilespmem:v0+s29+$0x0 ss:$0x1] =	vst.idx.msk $0xffff, v2;
	(pc) =	sbr.rel @p2 .LBB1_5-.Ltmp3, $4  }
0x48: {  	v4 =	vld.idx.msk [tilespmem:v1+s30+$0xFFFFFFF0 ss:$0x1], $0xffff;
	[tilespmem:v0+s29+$0x10 ss:$0x1] =	vst.idx.msk $0xffff, v3  }
0x49: {  	v2 =	vld.idx.msk [tilespmem:v1+s30+$0x0 ss:$0x1], $0xffff;
	[tilespmem:v0+s29+$0x20 ss:$0x1] =	vst.idx.msk $0xffff, v7;
	s29 =	smov.u32 s30  }
0x4a: {  	v3 =	vld.idx.msk [tilespmem:v1+s29+$0x10 ss:$0x1], $0xffff;
	[tilespmem:v0+s29+$0x30 ss:$0x1] =	vst.idx.msk $0xffff, v8  }
0x4b: {  	s30 =	sshra.s32 s31, $0x2;
	s31 =	sadd.s32 $0x200, s31;
	[tilespmem:v0+s29+$0xFFFFFFC0 ss:$0x1] =	vst.idx.msk $0xffff, v9;
	v7 =	vld.idx.msk [tilespmem:v1+s29+$0x20 ss:$0x1], $0xffff  }
0x4c: {  	_ =	sdelay $0x3  }
0x4d: {  	[tilespmem:v0+s29+$0xFFFFFFD0 ss:$0x1] =	vst.idx.msk $0xffff, v6  }
0x4e: {  	v56 =	vld.idx.msk [tilespmem:v1+s30+$0x30 ss:$0x1], $0xffff;
	[tilespmem:v0+s29+$0xFFFFFFE0 ss:$0x1] =	vst.idx.msk $0xffff, v5  }
0x4f: {  	v57 =	vld.idx.msk [tilespmem:v1+s30+$0xFFFFFFC0 ss:$0x1], $0xffff;
	[tilespmem:v0+s29+$0xFFFFFFF0 ss:$0x1] =	vst.idx.msk $0xffff, v4  }
0x50: {  	v58 =	vld.idx.msk [tilespmem:v1+s30+$0xFFFFFFD0 ss:$0x1], $0xffff;
	[tilespmem:v0+s29+$0x0 ss:$0x1] =	vst.idx.msk $0xffff, v2  }
0x51: {  	v59 =	vld.idx.msk [tilespmem:v1+s30+$0xFFFFFFE0 ss:$0x1], $0xffff;
	[tilespmem:v0+s29+$0x10 ss:$0x1] =	vst.idx.msk $0xffff, v3  }
0x52: {  	v60 =	vld.idx.msk [tilespmem:v1+s30+$0xFFFFFFF0 ss:$0x1], $0xffff;
	[tilespmem:v0+s29+$0x20 ss:$0x1] =	vst.idx.msk $0xffff, v7  }
0x53: {  	v61 =	vld.idx.msk [tilespmem:v1+s30+$0x0 ss:$0x1], $0xffff;
	[tilespmem:v0+s30+$0x30 ss:$0x1] =	vst.idx.msk $0xffff, v56  }
0x54: {  	v62 =	vld.idx.msk [tilespmem:v1+s30+$0x10 ss:$0x1], $0xffff;
	s28 =	sadd.s32 $0x1, s28;
	[tilespmem:v0+s30+$0xFFFFFFC0 ss:$0x1] =	vst.idx.msk $0xffff, v57  }
0x55: {  	v63 =	vld.idx.msk [tilespmem:v1+s30+$0x20 ss:$0x1], $0xffff;
	p2 =	sne.s32 s28, $0x8;
	[tilespmem:v0+s30+$0xFFFFFFD0 ss:$0x1] =	vst.idx.msk $0xffff, v58  }
.Ltmp4:
0x56: {  	[tilespmem:v0+s30+$0xFFFFFFE0 ss:$0x1] =	vst.idx.msk $0xffff, v59;
	(pc) =	sbr.rel @p2 .LBB1_4-.Ltmp4, $4  }
0x57: {  	[tilespmem:v0+s30+$0xFFFFFFF0 ss:$0x1] =	vst.idx.msk $0xffff, v60  }
0x58: {  	[tilespmem:v0+s30+$0x0 ss:$0x1] =	vst.idx.msk $0xffff, v61  }
0x59: {  	[tilespmem:v0+s30+$0x10 ss:$0x1] =	vst.idx.msk $0xffff, v62  }
0x5a: {  	s26 =	sadd.s32 $0x400, s26;
	s27 =	sadd.s32 $0x400, s27;
	[tilespmem:v0+s30+$0x20 ss:$0x1] =	vst.idx.msk $0xffff, v63  }
.Ltmp5:
0x5b: {  	(pc) =	sbr.rel @p1 .LBB1_3-.Ltmp5, $2  }
0x5c: {  	_ =	sdelay $0x2  }
0x5d: {  	s26 =	simm.s32 $0x2000;
	p2 =	por $0x0, $0x0  }
0x5e: {  	s24 =	sshrl.u32 s21, $0x3  }
0x5f: {  	s25 =	sshll.u32 s19, $0x3;
	s24 =	smul.u32 $0xC00, s24  }
0x60: {  	s31 =	sshll.u32 s21, $0x7;
	s25 =	sand.u32 $0xFFFFFC00, s25  }
0x61: {  	s21 =	sand.u32 $0x380, s31;
	s24 =	sadd.s32 s24, s25  }
0x62: {  	s26 =	sand.u32 $0x7F, s19;
	s20 =	smul.u32 $0x15000, s20;
	s21 =	sor.u32 s21, s24  }
0x63: {  	s18 =	smul.u32 $0x180, s18;
	s19 =	sor.u32 s26, s21  }
0x64: {  	s27 =	smulhi.u32 $0xAAAAAAAB, s19  }
0x65: {  	s21 =	smulhi.u32 $0xAAAAAAAB, s21  }
0x66: {  	s17 =	smul.u32 $0xC00, s17;
	s28 =	sadd.s32 s5, s20;
	s24 =	sshrl.u32 s27, $0x8  }
0x67: {  	s20 =	sadd.s32 s20, s8;
	s21 =	sshrl.u32 s21, $0x8;
	s24 =	smul.u32 $0x180, s24  }
0x68: {  	s29 =	sadd.s32 s18, s28;
	s18 =	sadd.s32 s18, s20;
	s21 =	sand.u32 $0x7, s21  }
0x69: {  	s21 =	smul.u32 $0x30, s21;
	s19 =	ssub.s32 s19, s24;
	s24 =	sadd.s32 s17, s29  }
0x6a: {  	s17 =	sadd.s32 s17, s18;
	s30 =	sand.u32 $0x7, s19;
	s19 =	sshrl.u32 s19, $0x3  }
.Ltmp6:
0x6b: {  	s24 =	sadd.s32 s21, s24;
	s25 =	sshll.u32 s30, $0x12;
	(pc) =	sbr.rel .LBB1_9-.Ltmp6, $4  }
0x6c: {  	s17 =	sadd.s32 s21, s17;
	s24 =	sadd.s32 s19, s24;
	s25 =	sor.u32 $0x400, s25  }
0x6d: {  	[hbm4b:s24+s25] =	stream.strided.scatter [tilespmem:s23], [sflag:$0x2], $0x2000, s10, s25, $0x38;
	[tilespmem:$0x10000] =	vst v63  }
0x6e: {  	s31 =	sadd.s32 $0xA000, s22;
	s17 =	sadd.s32 s19, s17  }
0x6f: {  	[hbm4b:s17+s25] =	stream.strided.scatter [tilespmem:s31], [sflag:$0x2], $0x2000, s10, s25, $0x38;
	[tilespmem:$0x10000] =	vst v63  }
.LBB1_10:
0x70: {  	_ =	sfence.sel $0x180000  }
0x71: {  	s2 =	simm.s32 $0x1;
	[bflag:$0x0] =	sbarrier.arrive $0xFFFF  }
0x72: {  	s31 =	simm.s32 $0x2;
	[sflag:s2] =	ssyncpa.u1 $0x1  }
0x73: {  	[sflag:s31] =	ssyncpa.u1 $0x1  }
0x74: {  	p0 =	sne.s32 s0, $0x0;
	_ =	strace $0x90000047  }
0x75: {  	s0 =	sadd.s32 @!p0 $0x100000, s1;
	[bflag:$0x2] =	sbarrier.arrive $0xFFFF  }
0x76: {  	[sflag:s0] =	ssyncadd.tile.s32 @!p0 $0x1;
	_ =	shalt  }
.Lfunc_end1:
_tile_overlayer_lowered:
.L_overlay_start_2:
0x77: {  	(tag) =	ssettag $0x2  }
0x78: {  	s0 =	rddreg [dreg:$0x0];
	s2 =	stileid.u32  }
0x79: {  	s1 =	rddreg [dreg:$0x1];
	p0 =	sne.s32 s2, $0x0  }
0x7a: {  	s3 =	rddreg [dreg:$0x2];
	[bflag:$0x3] =	sbarrier.arrive $0xFFFF;
	s2 =	simm.s32 @!p0 $0x1C01  }
0x7b: {  	[timem:s3], [sflag:s2] =	dma.local @!p0 [hbm:s0], s1  }
0x7c: {  	s0 =	simm.s32 @!p0 $0x1  }
0x7d: {  	_ =	swait.ge @!p0 [sflag:s0], s1  }
0x7e: {  	s1 =	ssub.s32 @!p0 $0x0, s1;
	[sflag:s0] =	ssyncset.done @!p0 $0x0  }
0x7f: {  	[sflag:s0] =	ssyncadd.s32 @!p0 s1  }
0x80: {  	[bflag:$0x3] =	sbarrier.arrive $0xFFFF  }
0x81: {  	_ =	shalt  }

// kernel: sparse-core-data-format-call.cloned.1.call-start
scs
called_computation_lowered:
.L_overlay_start_0:
0x0: {  	s2 =	sld [smem:$0x3FD9]  }
0x1: {  	s3 =	sld [smem:$0x3FFE];
	_ =	sdelay $0x1  }
0x2: {  	s1 =	srdreg.scid  }
0x3: {  	s0 =	sand.u32 $0x1, s1  }
0x4: {  	s18 =	sshll.u32 s0, $0xA;
	s2 =	sadd.s32 s3, s2  }
0x5: {  	s2 =	sadd.s32 s2, s18  }
0x6: {  	[smem:$0x3FC0] =	sst s2  }
0x7: {  	_ = 	snop  }
0x8: {  	s2 =	sld [smem:$0x3FD0];
	(tm) =	ssettm $0x1  }
0x9: {  	s19 =	sld [smem:$0x3FFB];
	_ =	sdelay $0x3  }
0xa: {  	_ =	strace s19  }
0xb: {  	s3 =	sld [smem:$0x3FFC];
	_ =	sdelay $0x3  }
0xc: {  	_ =	strace s3  }
0xd: {  	s3 =	sld [smem:$0x3FFD];
	_ =	sdelay $0x3  }
0xe: {  	_ =	strace s3  }
0xf: {  	_ =	strace $0x8FFFFFFF  }
0x10: {  	s20 =	sld [smem:$0x3FDB];
	_ =	sdelay $0x1  }
0x11: {  	s4 =	simm.s32 $_scs_section_size  }
0x12: {  	s5 =	simm.s32 $_size__tile_overlayer_lowered;
	s6 =	simm.s32 $_tile_overlayer_lowered  }
0x13: {  	s23 =	simm.s32 $0x1BFF;
	s22 =	sshll.u32 s6, $0x1;
	s3 =	sadd.s32 s4, s20  }
0x14: {  	s7 =	simm.s32 $0x0;
	s21 =	sshll.u32 s5, $0x1;
	s5 =	sadd.s32 s22, s3  }
0x15: {  	[timem:s7], [sflag:s23] =	dma.local [hbm:s5], s21  }
0x16: {  	_ =	swait.ge [sflag:s23], s21  }
0x17: {  	s4 =	ssub.s32 $0x0, s21;
	[sflag:s23] =	ssyncset.done $0x0  }
0x18: {  	[sflag:s23] =	ssyncadd.s32 s4;
	_ =	sdelay $0x1  }
0x19: {  	s24 =	simm.s32 $0x1B8B  }
0x1a: {  	_ =	swait.ge [sflag:s24], $0x1  }
0x1b: {  	[sflag:s24] =	ssyncset.done $0x0  }
0x1c: {  	s26 =	simm.s32 $0x1B8E;
	s25 =	sld [smem:$0x3FFE];
	[sflag:s24] =	ssyncadd.s32 $0xFFFFFFFF  }
0x1d: {  	s27 =	simm.s32 $execute0_lowered;
	[smem:$0x3FD2] =	sst s26  }
0x1e: {  	s5 =	sshll.u32 s27, $0x1;
	_ =	strace $0x80000049;
	[dreg:$0x1] =	wrdreg $0xFFFFFFFF  }
0x1f: {  	s28 =	simm.s32 $_size_execute0_lowered;
	s3 =	sadd.s32 s3, s5;
	[dreg:$0x0] =	wrdreg $0x0  }
0x20: {  	s5 =	sshll.u32 s28, $0x1;
	[dreg:$0x2] =	wrdreg s3  }
0x21: {  	[dreg:$0x3] =	wrdreg s5  }
0x22: {  	[dreg:$0x4] =	wrdreg $0xC0  }
0x23: {  	_ =	task [dreg:s7], $0x5FFFF  }
0x24: {  	[dreg:$0x1] =	wrdreg $0xFFFFFFFF  }
0x25: {  	[dreg:$0x0] =	wrdreg $0x60  }
0x26: {  	[dreg:$0x2] =	wrdreg s2  }
0x27: {  	[dreg:$0x3] =	wrdreg s25  }
0x28: {  	[dreg:$0x4] =	wrdreg $0x9  }
0x29: {  	_ =	task.clear_ibuf [dreg:s7], $0x5FFFF;
	_ =	strace $0x90000049  }
0x2a: {  	s29 =	simm.s32 $0x9;
	_ =	strace $0x8000004B  }
0x2b: {  	_ =	swait.ge [sflag:s29], $0x1  }
0x2c: {  	[sflag:s29] =	ssyncadd.s32 $0xFFFFFFFF  }
0x2d: {  	_ =	strace $0x9000004B  }
0x2e: {  	_ =	sfence  }
0x2f: {  	s30 =	sld [smem:$0x0];
	_ =	sdelay $0x2  }
0x30: {  	s31 =	sshll.u32 s1, $0xD;
	s1 =	sshrl.u32 s1, $0x2  }
0x31: {  	s3 =	sand.u32 $0x4000, s31;
	s1 =	sadd.s32 s1, s30  }
0x32: {  	s0 =	sor.u32 s3, s0;
	s1 =	sshll.u32 s1, $0x11  }
0x33: {  	s0 =	sor.u32 s1, s0  }
0x34: {  	s0 =	sadd.s32 $0x8F2B, s0  }
0x35: {  	[sflag:s0] =	ssyncadd.remote.s32 $0x1  }
0x36: {  	_ =	sfence.sel $0xFFFF  }
0x37: {  	[dreg:$0x0] =	wrdreg $0xFFFFFFFF;
	(pc) =	sbr.abs _section_cstart, $3  }
0x38: {  	[dreg:$0x1] =	wrdreg $0xFFFFFFFF  }
0x39: {  	_ =	task.clear_ibuf [dreg:s7], $0x2FFFF;
	_ =	strace $0x9FFFFFFF  }
0x3a: {  	(tm) =	ssettm $0x7FFFFFFF  }
0x3b: {  	_ =	shalt  }
tec
execute0_lowered:
.L_overlay_start_1:
0x0: {  	(tag) =	ssettag $0x1  }
0x1: {  	s2 =	rddreg [dreg:$0x0]  }
0x2: {  	s0 =	stileid.u32;
	s1 =	srdreg.scid  }
0x3: {  	s5 =	rddreg [dreg:$0x1];
	s31 =	simm.s32 $0x2;
	s19 =	simm.s32 $0x0  }
0x4: {  	s10 =	simm.s32 $0x15000;
	s21 =	simm.s32 $0x0;
	s17 =	simm.s32 $0x0  }
0x5: {  	s18 =	simm.s32 $0x0;
	s20 =	simm.s32 $0x0;
	s11 =	simm.s32 $0x0  }
0x6: {  	s12 =	simm.s32 $0x0;
	s13 =	simm.s32 $0x0;
	s16 =	simm.s32 $0x0  }
0x7: {  	s3 =	sand.u32 $0x1, s1;
	s4 =	sshll.u32 s0, $0x1;
	s1 =	rddreg [dreg:$0x2]  }
0x8: {  	_ =	strace $0x8000004A;
	s7 =	ssub.s32 $0x1C, s4;
	s6 =	ssub.s32 $0x1C, s3  }
0x9: {  	s5 =	sadd.s32 $0x17E00, s5;
	p0 =	sgt.s32 s7, $0x0;
	s8 =	sshrl.u32 s6, $0x1  }
.Ltmp0:
0xa: {  	s7 =	simm.s32 @!p0 $0x0;
	s8 =	ssub.s32 s6, s8;
	(pc) =	sbr.rel .LBB1_1-.Ltmp0, $4  }
0xb: {  	s14 =	smov.u32 s3;
	s9 =	sand.u32 $0x1E, s7;
	s7 =	smul.u32 $0x3, s8  }
0xc: {  	s15 =	smov.u32 s4;
	s6 =	simm.s32 $0x1;
	p0 =	seq.s32 s9, $0x0  }
0xd: {  	[sflag:s6] =	ssyncpa.u1 $0x0;
	s8 =	sadd.s32 $0x15000, s2;
	s7 =	simm.s32 @p0 $0x0  }
0xe: {  	[sflag:s31] =	ssyncpa.u1 $0x0;
	p0 =	por $0x0, $0x0;
	s9 =	sadd.s32 $0x1, s7  }
.LBB1_9:
0xf: {  	s22 =	sadd.s32 $0x80, s11  }
0x10: {  	s17 =	sadd.s32 $0x8, s12;
	s23 =	smov.u32 s12;
	p2 =	sgt.s32 s22, $0x17F  }
0x11: {  	s23 =	smov.u32 @p2 s17  }
0x12: {  	s24 =	smov.u32 s13;
	s17 =	sadd.s32 $0x8, s13;
	p3 =	sgt.s32 s23, $0x7  }
0x13: {  	s24 =	smov.u32 @p3 s17  }
0x14: {  	s25 =	smov.u32 s14;
	s17 =	sadd.s32 $0x2, s14;
	p4 =	sgt.s32 s24, $0x7  }
0x15: {  	p1 =	slt.u32 s16, $0x2;
	s26 =	smov.u32 s15;
	s25 =	smov.u32 @p4 s17  }
0x16: {  	s19 =	smov.u32 s11;
	s17 =	sadd.s32 $0x20, s15;
	p5 =	sgt.s32 s25, $0x1B  }
0x17: {  	s21 =	smov.u32 s12;
	s18 =	smov.u32 s14;
	s26 =	smov.u32 @p5 s17  }
0x18: {  	s20 =	smov.u32 s15;
	s22 =	simm.s32 @p2 $0x0;
	p2 =	sgt.s32 s26, $0x1B  }
0x19: {  	s27 =	simm.s32 @!p1 $0x2;
	s26 =	smov.u32 @p2 s4;
	p2 =	sne.s32 s16, s9  }
.Ltmp1:
0x1a: {  	p0 =	por !p0, !p0;
	_ =	swait.ge @!p1 [sflag:s27], $0x4000;
	(pc) =	sbr.rel @!p2 .LBB1_10-.Ltmp1, $4  }
0x1b: {  	[sflag:s27] =	ssyncset.done @!p1 $0x0;
	s11 =	smov.u32 s22;
	s23 =	simm.s32 @p3 $0x0  }
0x1c: {  	[sflag:s27] =	ssyncadd.s32 @!p1 $0xFFFFC000;
	s12 =	smov.u32 s23;
	s24 =	simm.s32 @p4 $0x0  }
0x1d: {  	s25 =	smov.u32 @p5 s3;
	s17 =	smov.u32 s13;
	s13 =	smov.u32 s24  }
0x1e: {  	s14 =	smov.u32 s25;
	s16 =	sadd.s32 $0x1, s16;
	s15 =	smov.u32 s26  }
.LBB1_1:
0x1f: {  	p1 =	sge.u32 s16, s7  }
0x20: {  	s22 =	sshrl.u32 @!p1 s12, $0x3  }
0x21: {  	s23 =	sshll.u32 @!p1 s11, $0x3;
	s22 =	smul.u32 @!p1 $0xC00, s22  }
0x22: {  	s24 =	sshll.u32 @!p1 s12, $0x7;
	s23 =	sand.u32 @!p1 $0xFFFFFC00, s23  }
0x23: {  	s22 =	sadd.s32 @!p1 s22, s23;
	s23 =	sand.u32 @!p1 $0x380, s24  }
0x24: {  	s26 =	smul.u32 @!p1 $0x15000, s15;
	s24 =	sand.u32 @!p1 $0x7F, s11;
	s22 =	sor.u32 @!p1 s23, s22  }
0x25: {  	s27 =	smul.u32 @!p1 $0xC00, s14;
	s23 =	sor.u32 @!p1 s24, s22  }
0x26: {  	s24 =	smulhi.u32 @!p1 $0xAAAAAAAB, s23  }
0x27: {  	s22 =	smulhi.u32 @!p1 $0xAAAAAAAB, s22  }
0x28: {  	s28 =	smul.u32 @!p1 $0x180, s13;
	s24 =	sshrl.u32 @!p1 s24, $0x8  }
0x29: {  	s25 =	sxor.u32 @!p1 $0xFFFFFFFF, s16;
	s22 =	sshrl.u32 @!p1 s22, $0x8;
	s24 =	smul.u32 @!p1 $0x180, s24  }
0x2a: {  	s30 =	simm.s32 @!p1 $0xC00;
	s29 =	sadd.s32 @!p1 s2, s26;
	s22 =	sand.u32 @!p1 $0x7, s22  }
0x2b: {  	s22 =	smul.u32 @!p1 $0x30, s22;
	s23 =	ssub.s32 @!p1 s23, s24;
	s24 =	sadd.s32 @!p1 s27, s29  }
0x2c: {  	s25 =	sshll.u32 @!p1 s25, $0xE;
	s24 =	sadd.s32 @!p1 s28, s24;
	s29 =	sand.u32 @!p1 $0x7, s23  }
0x2d: {  	s23 =	sshrl.u32 @!p1 s23, $0x3;
	s24 =	sadd.s32 @!p1 s22, s24;
	s29 =	sshll.u32 @!p1 s29, $0x12  }
0x2e: {  	s25 =	sand.u32 @!p1 $0x4000, s25;
	s24 =	sadd.s32 @!p1 s23, s24;
	s29 =	sor.u32 @!p1 $0x400, s29  }
0x2f: {  	[tilespmem:s25], [sflag:$0x1] =	stream.strided.gather @!p1 [hbm4b:s24+s29], $0x2000, s30, s29, $0x38;
	[tilespmem:$0x10000] =	vst v63  }
0x30: {  	s24 =	sadd.s32 @!p1 s26, s8  }
0x31: {  	s24 =	sadd.s32 @!p1 s27, s24  }
0x32: {  	s24 =	sadd.s32 @!p1 s28, s24  }
0x33: {  	s22 =	sadd.s32 @!p1 s22, s24  }
0x34: {  	s31 =	sadd.s32 $0xFFFFFFFF, s16;
	s22 =	sadd.s32 @!p1 s23, s22;
	s23 =	sor.u32 @!p1 $0x2000, s25  }
0x35: {  	[tilespmem:s23], [sflag:$0x1] =	stream.strided.gather @!p1 [hbm4b:s22+s29], $0x2000, s30, s29, $0x38;
	[tilespmem:$0x10000] =	vst v63  }
0x36: {  	p1 =	sge.u32 s31, s7  }
.Ltmp2:
0x37: {  	_ = 	snop;
	(pc) =	sbr.rel @p1 .LBB1_9-.Ltmp2, $1  }
0x38: {  	_ =	sdelay $0x3  }
0x39: {  	s22 =	simm.s32 $0x1;
	_ =	swait.ge [sflag:s6], $0x4000  }
0x3a: {  	s23 =	sshll.u32 s16, $0xE;
	s25 =	simm.s32 $0x0;
	s22 =	simm.s32 @!p0 $0x0  }
0x3b: {  	p2 =	por $0x1, $0x1;
	[sflag:s6] =	ssyncset.done $0x0;
	s22 =	sshll.u32 s22, $0x10  }
0x3c: {  	s23 =	sand.u32 $0x4000, s23;
	[sflag:s6] =	ssyncadd.s32 $0xFFFFC000;
	s24 =	sshrl.u32 s22, $0x2  }
0x3d: {  	s22 =	sor.u32 $0x8000, s23;
	s23 =	sadd.s32 $0x8040, s24;
	s24 =	sadd.s32 $0x40, s24  }
.LBB1_3:
0x3e: {  	s25 =	sshll.u32 s25, $0x2  }
0x3f: {  	p1 =	por p2, p2;
	s26 =	sshra.s32 s25, $0x2  }
0x40: {  	s27 =	simm.s32 $0x0;
	s25 =	sadd.s32 s26, s23;
	s26 =	sadd.s32 s26, s24  }
.LBB1_4:
0x41: {  	v1 =	vmov s26;
	_ =	sdelay $0x3  }
0x42: {  	s28 =	simm.s32 $0x0  }
0x43: {  	v7 =	vld.idx.msk [tilespmem:v1+s28+$0x30 ss:$0x1], $0xffff  }
0x44: {  	v0 =	vmov s25;
	v8 =	vld.idx.msk [tilespmem:v1+s28+$0xFFFFFFC0 ss:$0x1], $0xffff  }
0x45: {  	v6 =	vld.idx.msk [tilespmem:v1+s28+$0xFFFFFFD0 ss:$0x1], $0xffff  }
0x46: {  	v5 =	vld.idx.msk [tilespmem:v1+s28+$0xFFFFFFE0 ss:$0x1], $0xffff  }
0x47: {  	v4 =	vld.idx.msk [tilespmem:v1+s28+$0xFFFFFFF0 ss:$0x1], $0xffff  }
0x48: {  	v2 =	vld.idx.msk [tilespmem:v1+s28+$0x0 ss:$0x1], $0xffff  }
0x49: {  	v3 =	vld.idx.msk [tilespmem:v1+s28+$0x10 ss:$0x1], $0xffff;
	[tilespmem:v0+s28+$0x30 ss:$0x1] =	vst.idx.msk $0xffff, v7  }
0x4a: {  	s29 =	simm.s32 $0x80;
	s30 =	simm.s32 $0x400;
	[tilespmem:v0+s28+$0xFFFFFFC0 ss:$0x1] =	vst.idx.msk $0xffff, v8;
	v7 =	vld.idx.msk [tilespmem:v1+s28+$0x20 ss:$0x1], $0xffff  }
.LBB1_5:
0x4b: {  	p2 =	sne.s32 s30, $0xE00;
	v8 =	vld.idx.msk [tilespmem:v1+s29+$0x30 ss:$0x1], $0xffff;
	[tilespmem:v0+s28+$0xFFFFFFD0 ss:$0x1] =	vst.idx.msk $0xffff, v6  }
0x4c: {  	v9 =	vld.idx.msk [tilespmem:v1+s29+$0xFFFFFFC0 ss:$0x1], $0xffff;
	[tilespmem:v0+s28+$0xFFFFFFE0 ss:$0x1] =	vst.idx.msk $0xffff, v5  }
0x4d: {  	v6 =	vld.idx.msk [tilespmem:v1+s29+$0xFFFFFFD0 ss:$0x1], $0xffff;
	[tilespmem:v0+s28+$0xFFFFFFF0 ss:$0x1] =	vst.idx.msk $0xffff, v4  }
.Ltmp3:
0x4e: {  	v5 =	vld.idx.msk [tilespmem:v1+s29+$0xFFFFFFE0 ss:$0x1], $0xffff;
	[tilespmem:v0+s28+$0x0 ss:$0x1] =	vst.idx.msk $0xffff, v2;
	(pc) =	sbr.rel @p2 .LBB1_5-.Ltmp3, $4  }
0x4f: {  	v4 =	vld.idx.msk [tilespmem:v1+s29+$0xFFFFFFF0 ss:$0x1], $0xffff;
	[tilespmem:v0+s28+$0x10 ss:$0x1] =	vst.idx.msk $0xffff, v3  }
0x50: {  	v2 =	vld.idx.msk [tilespmem:v1+s29+$0x0 ss:$0x1], $0xffff;
	[tilespmem:v0+s28+$0x20 ss:$0x1] =	vst.idx.msk $0xffff, v7;
	s28 =	smov.u32 s29  }
0x51: {  	v3 =	vld.idx.msk [tilespmem:v1+s28+$0x10 ss:$0x1], $0xffff;
	[tilespmem:v0+s28+$0x30 ss:$0x1] =	vst.idx.msk $0xffff, v8  }
0x52: {  	s29 =	sshra.s32 s30, $0x2;
	s30 =	sadd.s32 $0x200, s30;
	[tilespmem:v0+s28+$0xFFFFFFC0 ss:$0x1] =	vst.idx.msk $0xffff, v9;
	v7 =	vld.idx.msk [tilespmem:v1+s28+$0x20 ss:$0x1], $0xffff  }
0x53: {  	_ =	sdelay $0x3  }
0x54: {  	[tilespmem:v0+s28+$0xFFFFFFD0 ss:$0x1] =	vst.idx.msk $0xffff, v6  }
0x55: {  	v56 =	vld.idx.msk [tilespmem:v1+s29+$0x30 ss:$0x1], $0xffff;
	[tilespmem:v0+s28+$0xFFFFFFE0 ss:$0x1] =	vst.idx.msk $0xffff, v5  }
0x56: {  	v57 =	vld.idx.msk [tilespmem:v1+s29+$0xFFFFFFC0 ss:$0x1], $0xffff;
	[tilespmem:v0+s28+$0xFFFFFFF0 ss:$0x1] =	vst.idx.msk $0xffff, v4  }
0x57: {  	v58 =	vld.idx.msk [tilespmem:v1+s29+$0xFFFFFFD0 ss:$0x1], $0xffff;
	[tilespmem:v0+s28+$0x0 ss:$0x1] =	vst.idx.msk $0xffff, v2  }
0x58: {  	v59 =	vld.idx.msk [tilespmem:v1+s29+$0xFFFFFFE0 ss:$0x1], $0xffff;
	[tilespmem:v0+s28+$0x10 ss:$0x1] =	vst.idx.msk $0xffff, v3  }
0x59: {  	v60 =	vld.idx.msk [tilespmem:v1+s29+$0xFFFFFFF0 ss:$0x1], $0xffff;
	[tilespmem:v0+s28+$0x20 ss:$0x1] =	vst.idx.msk $0xffff, v7  }
0x5a: {  	v61 =	vld.idx.msk [tilespmem:v1+s29+$0x0 ss:$0x1], $0xffff;
	[tilespmem:v0+s29+$0x30 ss:$0x1] =	vst.idx.msk $0xffff, v56  }
0x5b: {  	v62 =	vld.idx.msk [tilespmem:v1+s29+$0x10 ss:$0x1], $0xffff;
	s27 =	sadd.s32 $0x1, s27;
	[tilespmem:v0+s29+$0xFFFFFFC0 ss:$0x1] =	vst.idx.msk $0xffff, v57  }
0x5c: {  	v63 =	vld.idx.msk [tilespmem:v1+s29+$0x20 ss:$0x1], $0xffff;
	p2 =	sne.s32 s27, $0x8;
	[tilespmem:v0+s29+$0xFFFFFFD0 ss:$0x1] =	vst.idx.msk $0xffff, v58  }
.Ltmp4:
0x5d: {  	[tilespmem:v0+s29+$0xFFFFFFE0 ss:$0x1] =	vst.idx.msk $0xffff, v59;
	(pc) =	sbr.rel @p2 .LBB1_4-.Ltmp4, $4  }
0x5e: {  	[tilespmem:v0+s29+$0xFFFFFFF0 ss:$0x1] =	vst.idx.msk $0xffff, v60  }
0x5f: {  	[tilespmem:v0+s29+$0x0 ss:$0x1] =	vst.idx.msk $0xffff, v61  }
0x60: {  	[tilespmem:v0+s29+$0x10 ss:$0x1] =	vst.idx.msk $0xffff, v62  }
0x61: {  	s25 =	sadd.s32 $0x400, s25;
	s26 =	sadd.s32 $0x400, s26;
	[tilespmem:v0+s29+$0x20 ss:$0x1] =	vst.idx.msk $0xffff, v63  }
.Ltmp5:
0x62: {  	(pc) =	sbr.rel @p1 .LBB1_3-.Ltmp5, $2  }
0x63: {  	_ =	sdelay $0x2  }
0x64: {  	s25 =	simm.s32 $0x2000;
	p2 =	por $0x0, $0x0  }
0x65: {  	s23 =	sshrl.u32 s21, $0x3  }
0x66: {  	s24 =	sshll.u32 s19, $0x3;
	s23 =	smul.u32 $0xC00, s23  }
0x67: {  	s28 =	sshll.u32 s21, $0x7;
	s24 =	sand.u32 $0xFFFFFC00, s24  }
0x68: {  	s21 =	sand.u32 $0x380, s28;
	s23 =	sadd.s32 s23, s24  }
0x69: {  	s29 =	sand.u32 $0x7F, s19;
	s20 =	smul.u32 $0x15000, s20;
	s21 =	sor.u32 s21, s23  }
0x6a: {  	s19 =	sor.u32 s29, s21;
	s21 =	smulhi.u32 $0xAAAAAAAB, s21  }
0x6b: {  	s30 =	smulhi.u32 $0xAAAAAAAB, s19  }
0x6c: {  	s18 =	smul.u32 $0x180, s18  }
0x6d: {  	s17 =	smul.u32 $0x2A00, s17;
	s21 =	sshrl.u32 s21, $0x8;
	s23 =	sshrl.u32 s30, $0x8  }
0x6e: {  	s21 =	sand.u32 $0x7, s21;
	s23 =	smul.u32 $0x180, s23  }
0x6f: {  	s20 =	sadd.s32 s5, s20;
	s21 =	smul.u32 $0x30, s21  }
.Ltmp6:
0x70: {  	s18 =	sadd.s32 s18, s20;
	s19 =	ssub.s32 s19, s23;
	(pc) =	sbr.rel .LBB1_9-.Ltmp6, $4  }
0x71: {  	s17 =	sadd.s32 s17, s18;
	s31 =	sand.u32 $0x7, s19  }
0x72: {  	s17 =	sadd.s32 s21, s17;
	s19 =	sshrl.u32 s19, $0x3;
	s18 =	sshll.u32 s31, $0x12  }
0x73: {  	s17 =	sadd.s32 s19, s17;
	s18 =	sor.u32 $0x400, s18  }
0x74: {  	[hbm4b:s17+s18] =	stream.strided.scatter [tilespmem:s22], [sflag:$0x2], $0x4000, s10, s18, $0x38;
	[tilespmem:$0x10000] =	vst v63  }
.LBB1_10:
0x75: {  	_ =	sfence.sel $0x180000  }
0x76: {  	s2 =	simm.s32 $0x1;
	[bflag:$0x0] =	sbarrier.arrive $0xFFFF  }
0x77: {  	s31 =	simm.s32 $0x2;
	[sflag:s2] =	ssyncpa.u1 $0x1  }
0x78: {  	[sflag:s31] =	ssyncpa.u1 $0x1  }
0x79: {  	p0 =	sne.s32 s0, $0x0;
	_ =	strace $0x9000004A  }
0x7a: {  	s0 =	sadd.s32 @!p0 $0x100000, s1;
	[bflag:$0x2] =	sbarrier.arrive $0xFFFF  }
0x7b: {  	[sflag:s0] =	ssyncadd.tile.s32 @!p0 $0x1;
	_ =	shalt  }
.Lfunc_end1:
_tile_overlayer_lowered:
.L_overlay_start_2:
0x7c: {  	(tag) =	ssettag $0x2  }
0x7d: {  	s0 =	rddreg [dreg:$0x0];
	s2 =	stileid.u32  }
0x7e: {  	s1 =	rddreg [dreg:$0x1];
	p0 =	sne.s32 s2, $0x0  }
0x7f: {  	s3 =	rddreg [dreg:$0x2];
	[bflag:$0x3] =	sbarrier.arrive $0xFFFF;
	s2 =	simm.s32 @!p0 $0x1C01  }
0x80: {  	[timem:s3], [sflag:s2] =	dma.local @!p0 [hbm:s0], s1  }
0x81: {  	s0 =	simm.s32 @!p0 $0x1  }
0x82: {  	_ =	swait.ge @!p0 [sflag:s0], s1  }
0x83: {  	s1 =	ssub.s32 @!p0 $0x0, s1;
	[sflag:s0] =	ssyncset.done @!p0 $0x0  }
0x84: {  	[sflag:s0] =	ssyncadd.s32 @!p0 s1  }
0x85: {  	[bflag:$0x3] =	sbarrier.arrive $0xFFFF  }
0x86: {  	_ =	shalt  }

</sc_bundles>
